<compile_context>
chip_gen: v7x
topology: tpu7x:2x2x1
jax: 0.10.2.dev20260603
libtpu: 0.0.44.dev20260713+nightly
codegen_flags: <defaults>
</compile_context>

<pallas_src>
import jax
import jax.numpy as jnp
from jax import lax
from jax.experimental import pallas as pl
from jax.experimental.pallas import tpu as pltpu
from jax.experimental.pallas import tpu_sc as plsc

N = 10000
E = 320000
D = 128
H = 128
NT = 6
ET = 4
DE = 4

NP_ = 10240
B1 = 256
NC = 2
NS = 16
HH = H // NC
CH = 64
EPT = 20096
EPAD = NS * EPT
NCHUNK = EPT // CH
VP = NP_ // 2
VD = NP_ // 128
NRN = VP // NS
NRD = VD // NS


def _tc1_body(x_ref, oh_ref, win_ref, nt8_ref, wmsg_ref, a_ref,
              h_ref, hm_ref, hsd_ref):
    xb = x_ref[...]
    h = jnp.maximum(
        jnp.dot(xb, win_ref[...], preferred_element_type=jnp.float32)
        + jnp.dot(oh_ref[...], nt8_ref[...],
                  preferred_element_type=jnp.float32), 0.0)
    h_ref[...] = h
    hm_ref[...] = jnp.dot(h, wmsg_ref[...],
                          preferred_element_type=jnp.float32)
    hsd_ref[...] = jnp.dot(h, a_ref[...],
                           preferred_element_type=jnp.float32)


_tc1 = pl.pallas_call(
    _tc1_body,
    grid=(NP_ // B1,),
    in_specs=[
        pl.BlockSpec((B1, D), lambda i: (i, 0)),
        pl.BlockSpec((B1, 8), lambda i: (i, 0)),
        pl.BlockSpec((D, H), lambda i: (0, 0)),
        pl.BlockSpec((8, H), lambda i: (0, 0)),
        pl.BlockSpec((H, H), lambda i: (0, 0)),
        pl.BlockSpec((H, 8), lambda i: (0, 0)),
    ],
    out_specs=[
        pl.BlockSpec((B1, H), lambda i: (i, 0)),
        pl.BlockSpec((B1, H), lambda i: (i, 0)),
        pl.BlockSpec((B1, 8), lambda i: (i, 0)),
    ],
    out_shape=[
        jax.ShapeDtypeStruct((NP_, H), jnp.float32),
        jax.ShapeDtypeStruct((NP_, H), jnp.float32),
        jax.ShapeDtypeStruct((NP_, 8), jnp.float32),
    ],
)


def _tc2_body(h_ref, num_ref, den_ref, wo_ref, out_ref):
    d = den_ref[...] + 1e-9
    agg = num_ref[...] / d
    h_out = jnp.maximum(h_ref[...] + agg, 0.0)
    out_ref[...] = jnp.dot(h_out, wo_ref[...],
                           preferred_element_type=jnp.float32)


_tc2 = pl.pallas_call(
    _tc2_body,
    grid=(NP_ // B1,),
    in_specs=[
        pl.BlockSpec((B1, H), lambda i: (i, 0)),
        pl.BlockSpec((B1, H), lambda i: (i, 0)),
        pl.BlockSpec((B1, 1), lambda i: (i, 0)),
        pl.BlockSpec((H, 8), lambda i: (0, 0)),
    ],
    out_specs=pl.BlockSpec((B1, 8), lambda i: (i, 0)),
    out_shape=jax.ShapeDtypeStruct((NP_, 8), jnp.float32),
)


def _tc3_body(eo_ref, out_ref):
    v = eo_ref[...]
    out_ref[...] = v[0] + v[1]


_tc3 = pl.pallas_call(
    _tc3_body,
    grid=(1,),
    in_specs=[pl.BlockSpec((NC, EPAD // 128, 128), lambda i: (0, 0, 0))],
    out_specs=pl.BlockSpec((EPAD // 128, 128), lambda i: (0, 0)),
    out_shape=jax.ShapeDtypeStruct((EPAD // 128, 128), jnp.float32),
)


def _sc_body(hm, hs, hd, srcp, dstp, etp, eap, ett2, wea2, woe2, z,
             numer_out, den_out, eo_out,
             hs_v, hd_v, ett_v, wea_v, woe_v,
             src_v0, dst_v0, et_v0, ea_v0, rows_v0,
             src_v1, dst_v1, et_v1, ea_v1, rows_v1,
             idxn_v, pay_v, dent_v, diota_v, ex_v, eo_v,
             numer_sh, den_sh,
             sem_i0, sem_i1, sem_g0, sem_g1, sem_s, sem_e):
    c = lax.axis_index("c")
    s = lax.axis_index("s")

    pltpu.sync_copy(hs, hs_v)
    pltpu.sync_copy(hd, hd_v)
    pltpu.sync_copy(ett2.at[c], ett_v)
    pltpu.sync_copy(wea2.at[c], wea_v)
    pltpu.sync_copy(woe2.at[c], woe_v)

    rn0 = s * NRN
    pltpu.sync_copy(z.at[pl.ds(rn0, NRN)], numer_sh.at[pl.ds(rn0, NRN)])

    @pl.when(s == 0)
    def _():
        pltpu.sync_copy(z.at[pl.ds(0, VD)], den_sh.at[pl.ds(0, VD)])

    lane = lax.iota(jnp.int32, 16)
    zeros16 = jnp.zeros((16,), jnp.int32)
    zeros16f = jnp.zeros((16,), jnp.float32)

    def zero_dent(i, _):
        dent_v[i // 8, pl.ds((i % 8) * 16, 16)] = zeros16f
        return 0
    lax.fori_loop(0, VD * 8, zero_dent, 0)

    def fill_diota(i, _):
        diota_v[pl.ds(i * 16, 16)] = i * 16 + lane
        return 0
    lax.fori_loop(0, VD // 16, fill_diota, 0)

    plsc.subcore_barrier()

    base0 = s * EPT
    coff = c * HH
    eobase = c * EPAD + base0

    bufs = ((src_v0, dst_v0, et_v0, ea_v0, rows_v0, sem_i0, sem_g0),
            (src_v1, dst_v1, et_v1, ea_v1, rows_v1, sem_i1, sem_g1))

    def start_in(g, b):
        base = base0 + g * CH
        sv, dv, ev, av, rv, si, sg = bufs[b]
        pltpu.async_copy(srcp.at[pl.ds(base, CH)], sv, si)
        pltpu.async_copy(dstp.at[pl.ds(base, CH)], dv, si)
        pltpu.async_copy(etp.at[pl.ds(base, CH)], ev, si)
        pltpu.async_copy(eap.at[pl.ds(base, CH)], av, si)

    def wait_in(b):
        sv, dv, ev, av, rv, si, sg = bufs[b]
        pltpu.make_async_copy(srcp.at[pl.ds(base0, CH)], sv, si).wait()
        pltpu.make_async_copy(dstp.at[pl.ds(base0, CH)], dv, si).wait()
        pltpu.make_async_copy(etp.at[pl.ds(base0, CH)], ev, si).wait()
        pltpu.make_async_copy(eap.at[pl.ds(base0, CH)], av, si).wait()

    def start_gather(b):
        sv, dv, ev, av, rv, si, sg = bufs[b]
        pltpu.async_copy(hm.at[sv], rv, sg)

    def wait_gather(b):
        sv, dv, ev, av, rv, si, sg = bufs[b]
        pltpu.make_async_copy(hm.at[sv], rv, sg).wait()

    def issue_scatters(g):
        pltpu.async_copy(pay_v, numer_sh.at[idxn_v], sem_s, add=True)
        pltpu.async_copy(eo_v, eo_out.at[pl.ds(eobase + g * CH, CH)], sem_e)

    def drain_scatters():
        pltpu.make_async_copy(pay_v, numer_sh.at[idxn_v], sem_s).wait()
        pltpu.make_async_copy(eo_v, eo_out.at[pl.ds(eobase, CH)],
                              sem_e).wait()

    def compute(g, b):
        sv, dv, ev, av, rv, si, sg = bufs[b]
        base = base0 + g * CH

        def phase_a(i, _):
            sl = pl.ds(i * 16, 16)
            si_ = sv[sl]
            di = dv[sl]
            idxn_v[sl] = lax.shift_right_logical(di, 1)
            hsv = plsc.load_gather(hs_v, [si_])
            hdv = plsc.load_gather(hd_v, [di])
            zz = hsv + hdv
            lg = jnp.maximum(zz, 0.2 * zz)
            exv = jnp.exp(lg)
            eid = base + i * 16 + lane
            exv = jnp.where(eid < E, exv, 0.0)
            ex_v[sl] = exv
            return 0
        lax.fori_loop(0, CH // 16, phase_a, 0)

        def phase_b(e2, _):
            for u in range(2):
                e = e2 * 2 + u
                eb = jnp.full((16,), e, jnp.int32)
                exb = plsc.load_gather(ex_v, [eb])
                etb = plsc.load_gather(ev, [eb]) * HH
                db = plsc.load_gather(dv, [eb])
                off = lax.rem(db, jnp.int32(2)) * HH
                offz = HH - off
                drow = lax.shift_right_logical(db, 7)
                dcol = lax.rem(db, jnp.int32(128))
                cur = plsc.load_gather(dent_v, [drow, dcol])
                plsc.store_scatter(dent_v, [drow, dcol], cur + exb)
                a0 = plsc.load_gather(av, [eb, zeros16])
                a1 = plsc.load_gather(av, [eb, zeros16 + 1])
                a2 = plsc.load_gather(av, [eb, zeros16 + 2])
                a3 = plsc.load_gather(av, [eb, zeros16 + 3])
                eo_acc = zeros16f
                for j in range(HH // 16):
                    sl = pl.ds(j * 16, 16)
                    colj = j * 16 + lane
                    efj = plsc.load_gather(ett_v, [etb + colj])
                    efj = (efj + a0 * wea_v[0, sl] + a1 * wea_v[1, sl]
                           + a2 * wea_v[2, sl] + a3 * wea_v[3, sl])
                    rowj = plsc.load_gather(rv, [eb, coff + colj])
                    mj = jnp.maximum(rowj + efj, 0.0)
                    plsc.store_scatter(pay_v, [eb, off + colj], mj * exb)
                    plsc.store_scatter(pay_v, [eb, offz + colj], zeros16f)
                    eo_acc = eo_acc + mj * woe_v[sl]
                eo_cum = plsc.cumsum(eo_acc)
                plsc.store_scatter(eo_v, [eb], eo_cum, mask=(lane == 15))
            return 0
        lax.fori_loop(0, CH // 2, phase_b, 0)

    start_in(0, 0)
    wait_in(0)
    start_gather(0)
    start_in(1, 1)

    def pair(k, _):
        g0 = 2 * k
        g1 = g0 + 1
        wait_in(1)
        start_gather(1)

        @pl.when(k > 0)
        def _():
            drain_scatters()
        wait_gather(0)
        compute(g0, 0)
        issue_scatters(g0)

        @pl.when(g0 + 2 < NCHUNK)
        def _():
            start_in(g0 + 2, 0)
        @pl.when(g1 + 1 < NCHUNK)
        def _():
            wait_in(0)
            start_gather(0)
        drain_scatters()
        wait_gather(1)
        compute(g1, 1)
        issue_scatters(g1)

        @pl.when(g1 + 2 < NCHUNK)
        def _():
            start_in(g1 + 2, 1)
        return 0
    lax.fori_loop(0, NCHUNK // 2, pair, 0)
    drain_scatters()
    pltpu.sync_copy(dent_v, den_sh.at[diota_v], add=True)

    plsc.subcore_barrier()
    pltpu.sync_copy(numer_sh.at[pl.ds(rn0, NRN)],
                    numer_out.at[c, pl.ds(rn0, NRN)])

    @pl.when(s == 0)
    def _():
        pltpu.sync_copy(den_sh.at[pl.ds(0, VD)],
                        den_out.at[c, pl.ds(0, VD)])


_sc = pl.kernel(
    _sc_body,
    out_type=[
        jax.ShapeDtypeStruct((NC, VP, 128), jnp.float32),
        jax.ShapeDtypeStruct((NC, VD, 128), jnp.float32),
        jax.ShapeDtypeStruct((NC * EPAD,), jnp.float32),
    ],
    mesh=plsc.VectorSubcoreMesh(core_axis_name="c", subcore_axis_name="s"),
    compiler_params=pltpu.CompilerParams(needs_layout_passes=False),
    scratch_types=[
        pltpu.VMEM((N,), jnp.float32),
        pltpu.VMEM((N,), jnp.float32),
        pltpu.VMEM((ET * HH,), jnp.float32),
        pltpu.VMEM((DE, HH), jnp.float32),
        pltpu.VMEM((HH,), jnp.float32),
        pltpu.VMEM((CH,), jnp.int32),
        pltpu.VMEM((CH,), jnp.int32),
        pltpu.VMEM((CH,), jnp.int32),
        pltpu.VMEM((CH, DE), jnp.float32),
        pltpu.VMEM((CH, H), jnp.float32),
        pltpu.VMEM((CH,), jnp.int32),
        pltpu.VMEM((CH,), jnp.int32),
        pltpu.VMEM((CH,), jnp.int32),
        pltpu.VMEM((CH, DE), jnp.float32),
        pltpu.VMEM((CH, H), jnp.float32),
        pltpu.VMEM((CH,), jnp.int32),
        pltpu.VMEM((CH, H), jnp.float32),
        pltpu.VMEM((VD, 128), jnp.float32),
        pltpu.VMEM((VD,), jnp.int32),
        pltpu.VMEM((CH,), jnp.float32),
        pltpu.VMEM((CH,), jnp.float32),
        pltpu.VMEM_SHARED((VP, 128), jnp.float32),
        pltpu.VMEM_SHARED((VD, 128), jnp.float32),
        pltpu.SemaphoreType.DMA,
        pltpu.SemaphoreType.DMA,
        pltpu.SemaphoreType.DMA,
        pltpu.SemaphoreType.DMA,
        pltpu.SemaphoreType.DMA,
        pltpu.SemaphoreType.DMA,
    ],
)


@jax.jit
def _run(x, src, dst, nt, et, edge_attr,
         W_in, nt_emb, et_emb, W_ea, W_msg, a_src, a_dst,
         W_out_node, W_out_edge):
    xp = jnp.pad(x, ((0, NP_ - N), (0, 0)))
    oh = jax.nn.one_hot(nt, 8, dtype=jnp.float32)
    ohp = jnp.pad(oh, ((0, NP_ - N), (0, 0)))
    nt8 = jnp.pad(nt_emb, ((0, 2), (0, 0)))
    amat = jnp.concatenate(
        [a_src[:, None], a_dst[:, None], jnp.zeros((H, 6), jnp.float32)],
        axis=1)
    h, hm, hsd = _tc1(xp, ohp, W_in, nt8, W_msg, amat)
    hs = hsd[:N, 0]
    hd = hsd[:N, 1]

    pe = EPAD - E
    srcp = jnp.pad(src, (0, pe))
    dstp = jnp.pad(dst, (0, pe))
    etp = jnp.pad(et, (0, pe))
    eap = jnp.pad(edge_attr, ((0, pe), (0, 0)))

    ett2 = jnp.stack([et_emb[:, :HH].reshape(-1), et_emb[:, HH:].reshape(-1)])
    wea2 = jnp.stack([W_ea[:, :HH], W_ea[:, HH:]])
    woe2 = jnp.stack([W_out_edge[:HH, 0], W_out_edge[HH:, 0]])

    numer, den, eo2 = _sc(
        hm, hs, hd, srcp, dstp, etp, eap, ett2, wea2, woe2,
        jnp.zeros((VP, 128), jnp.float32))

    numer_n = jnp.concatenate(
        [numer[0].reshape(NP_, HH), numer[1].reshape(NP_, HH)], axis=1)
    den_n = den[0].reshape(NP_, 1)

    wo8 = jnp.pad(W_out_node, ((0, 0), (0, 7)))
    no8 = _tc2(h, numer_n, den_n, wo8)
    eo = _tc3(eo2.reshape(NC, EPAD // 128, 128))
    return no8[:N, :1], eo.reshape(-1)[:E].reshape(E, 1)


def kernel(x, edge_index, node_type, edge_type, edge_attr,
           W_in, nt_emb, et_emb, W_ea, W_msg, a_src, a_dst,
           W_out_node, W_out_edge):
    src = edge_index[0].astype(jnp.int32)
    dst = edge_index[1].astype(jnp.int32)
    nt = node_type.astype(jnp.int32)
    et = edge_type.astype(jnp.int32)
    return _run(x, src, dst, nt, et, edge_attr,
                W_in, nt_emb, et_emb, W_ea, W_msg, a_src, a_dst,
                W_out_node, W_out_edge)

# --- scband reference (transcript-rebuilt; emitter-appended) ---
"""Pipeline reference for scband-dvnagent-27393301414435 (READ-ONLY COPY).

The authoritative reference and input builder live on the scoring server;
editing this copy changes nothing except your own understanding.
"""

import jax, jax.numpy as jnp
import numpy as np

N = 10000
E = 320000
D = 128
H = 128
NT = 6
ET = 4
DE = 4

def setup_inputs(seed: int = 0) -> dict:
    key = jax.random.key(seed)
    ks = jax.random.split(key, 14)
    x = jax.random.normal(ks[0], (N, D), dtype=jnp.float32)
    edge_index = jax.random.randint(ks[1], (2, E), 0, N, dtype=jnp.int64)
    node_type = jax.random.randint(ks[2], (N,), 0, NT, dtype=jnp.int64)
    edge_type = jax.random.randint(ks[3], (E,), 0, ET, dtype=jnp.int64)
    edge_attr = jax.random.normal(ks[4], (E, DE), dtype=jnp.float32)
    s = 1.0 / np.sqrt(H)
    W_in = (jax.random.normal(ks[5], (D, H), dtype=jnp.float32) * (1.0 / np.sqrt(D)))
    nt_emb = jax.random.normal(ks[6], (NT, H), dtype=jnp.float32) * 0.02
    et_emb = jax.random.normal(ks[7], (ET, H), dtype=jnp.float32) * 0.02
    W_ea = jax.random.normal(ks[8], (DE, H), dtype=jnp.float32) * (1.0 / np.sqrt(DE))
    W_msg = jax.random.normal(ks[9], (H, H), dtype=jnp.float32) * s
    a_src = jax.random.normal(ks[10], (H,), dtype=jnp.float32) * s
    a_dst = jax.random.normal(ks[11], (H,), dtype=jnp.float32) * s
    W_out_node = jax.random.normal(ks[12], (H, 1), dtype=jnp.float32) * s
    W_out_edge = jax.random.normal(ks[13], (H, 1), dtype=jnp.float32) * s
    return {"x": x, "edge_index": edge_index, "node_type": node_type,
            "edge_type": edge_type, "edge_attr": edge_attr,
            "W_in": W_in, "nt_emb": nt_emb, "et_emb": et_emb, "W_ea": W_ea,
            "W_msg": W_msg, "a_src": a_src, "a_dst": a_dst,
            "W_out_node": W_out_node, "W_out_edge": W_out_edge}


def reference(x, edge_index, node_type, edge_type, edge_attr,
              W_in, nt_emb, et_emb, W_ea, W_msg, a_src, a_dst,
              W_out_node, W_out_edge):
    # Heterogeneous-attention GNN (HATGNN-style) producing per-node values x_out
    # and per-edge logits e_out, matching policy_network(x, edge_index,
    # node_type, edge_type, edge_attr) -> (x, e).
    src = edge_index[0]
    dst = edge_index[1]
    # node embedding with node-type conditioning
    h = jax.nn.relu(x @ W_in + jnp.take(nt_emb, node_type, axis=0))
    # edge features from edge-type embedding + projected edge attributes
    ef = jnp.take(et_emb, edge_type, axis=0) + edge_attr @ W_ea
    # messages gathered from source nodes (SparseCore gather)
    h_src = jnp.take(h, src, axis=0)
    h_dst = jnp.take(h, dst, axis=0)
    m = jax.nn.relu(h_src @ W_msg + ef)
    # attention logits + segment softmax over destination nodes
    logits = jax.nn.leaky_relu(h_src @ a_src + h_dst @ a_dst, negative_slope=0.2)
    mx = jax.lax.stop_gradient(jax.ops.segment_max(logits, dst, num_segments=N))
    ex = jnp.exp(logits - jnp.take(mx, dst, axis=0))
    den = jax.ops.segment_sum(ex, dst, num_segments=N)
    alpha = ex / (jnp.take(den, dst, axis=0) + 1e-9)
    # scatter-add aggregation (SparseCore scatter)
    agg = jax.ops.segment_sum(m * alpha[:, None], dst, num_segments=N)
    h_out = jax.nn.relu(h + agg)
    node_out = h_out @ W_out_node  # [N, 1] per-node values
    edge_out = m @ W_out_edge      # [E, 1] per-edge logits
    return node_out, edge_out

if __name__ == "__main__":
    import jax
    _d = setup_inputs()
    print(jax.jit(kernel)(*tuple(_d.values())))

</pallas_src>

<mosaic_0001>
#map = affine_map<(d0, d1) -> (0, 0)>
#map1 = affine_map<(d0, d1) -> (0)>
#map2 = affine_map<(d0, d1) -> (0, 0, 0)>
module attributes {stable_mosaic.version = 14 : i64} {
  func.func @_sc_body(%arg0: i32, %arg1: i32, %arg2: memref<10240x128xf32, #tpu.memory_space<hbm>>, %arg3: memref<10000xf32, #tpu.memory_space<hbm>>, %arg4: memref<10000xf32, #tpu.memory_space<hbm>>, %arg5: memref<321536xi32, #tpu.memory_space<hbm>>, %arg6: memref<321536xi32, #tpu.memory_space<hbm>>, %arg7: memref<321536xi32, #tpu.memory_space<hbm>>, %arg8: memref<321536x4xf32, #tpu.memory_space<hbm>>, %arg9: memref<2x256xf32, #tpu.memory_space<hbm>>, %arg10: memref<2x4x64xf32, #tpu.memory_space<hbm>>, %arg11: memref<2x64xf32, #tpu.memory_space<hbm>>, %arg12: memref<5120x128xf32, #tpu.memory_space<hbm>>, %arg13: memref<2x5120x128xf32, #tpu.memory_space<hbm>>, %arg14: memref<2x80x128xf32, #tpu.memory_space<hbm>>, %arg15: memref<643072xf32, #tpu.memory_space<hbm>>, %arg16: memref<10000xf32, #tpu.memory_space<vmem>>, %arg17: memref<10000xf32, #tpu.memory_space<vmem>>, %arg18: memref<256xf32, #tpu.memory_space<vmem>>, %arg19: memref<4x64xf32, #tpu.memory_space<vmem>>, %arg20: memref<64xf32, #tpu.memory_space<vmem>>, %arg21: memref<64xi32, #tpu.memory_space<vmem>>, %arg22: memref<64xi32, #tpu.memory_space<vmem>>, %arg23: memref<64xi32, #tpu.memory_space<vmem>>, %arg24: memref<64x4xf32, #tpu.memory_space<vmem>>, %arg25: memref<64x128xf32, #tpu.memory_space<vmem>>, %arg26: memref<64xi32, #tpu.memory_space<vmem>>, %arg27: memref<64xi32, #tpu.memory_space<vmem>>, %arg28: memref<64xi32, #tpu.memory_space<vmem>>, %arg29: memref<64x4xf32, #tpu.memory_space<vmem>>, %arg30: memref<64x128xf32, #tpu.memory_space<vmem>>, %arg31: memref<64xi32, #tpu.memory_space<vmem>>, %arg32: memref<64x128xf32, #tpu.memory_space<vmem>>, %arg33: memref<80x128xf32, #tpu.memory_space<vmem>>, %arg34: memref<80xi32, #tpu.memory_space<vmem>>, %arg35: memref<64xf32, #tpu.memory_space<vmem>>, %arg36: memref<64xf32, #tpu.memory_space<vmem>>, %arg37: memref<5120x128xf32, #tpu.memory_space<vmem_shared>>, %arg38: memref<80x128xf32, #tpu.memory_space<vmem_shared>>, %arg39: memref<!tpu.dma_semaphore, #tpu.memory_space<semaphore_mem>>, %arg40: memref<!tpu.dma_semaphore, #tpu.memory_space<semaphore_mem>>, %arg41: memref<!tpu.dma_semaphore, #tpu.memory_space<semaphore_mem>>, %arg42: memref<!tpu.dma_semaphore, #tpu.memory_space<semaphore_mem>>, %arg43: memref<!tpu.dma_semaphore, #tpu.memory_space<semaphore_mem>>, %arg44: memref<!tpu.dma_semaphore, #tpu.memory_space<semaphore_mem>>) attributes {dimension_semantics = [#tpu.dimension_semantics<core_parallel>, #tpu.dimension_semantics<subcore_parallel>], iteration_bounds = array<i64: 2, 16>, scalar_prefetch = 0 : i64, scratch_operands = 29 : i64, tpu.core_type = #tpu.core_type<sc_vector_subcore>, window_params = [{transform_indices = #map}, {transform_indices = #map1}, {transform_indices = #map1}, {transform_indices = #map1}, {transform_indices = #map1}, {transform_indices = #map1}, {transform_indices = #map}, {transform_indices = #map}, {transform_indices = #map2}, {transform_indices = #map}, {transform_indices = #map}, {transform_indices = #map2}, {transform_indices = #map2}, {transform_indices = #map1}]} {
    "tpu.region"() ({
      %run_scoped3A = tpu.sem_alloc : memref<!tpu.dma_semaphore, #tpu.memory_space<semaphore_mem>>
      tpu.enqueue_dma source(%arg3 : memref<10000xf32, #tpu.memory_space<hbm>>) target(%arg16 : memref<10000xf32, #tpu.memory_space<vmem>>) target_semaphore(%run_scoped3A : memref<!tpu.dma_semaphore, #tpu.memory_space<semaphore_mem>>)
      tpu.wait_dma2 semaphore(%run_scoped3A : memref<!tpu.dma_semaphore, #tpu.memory_space<semaphore_mem>>) src(%arg3 : memref<10000xf32, #tpu.memory_space<hbm>>) dst(%arg16 : memref<10000xf32, #tpu.memory_space<vmem>>)
      tpu.yield
    }) : () -> ()
    "tpu.region"() ({
      %run_scoped3A = tpu.sem_alloc : memref<!tpu.dma_semaphore, #tpu.memory_space<semaphore_mem>>
      tpu.enqueue_dma source(%arg4 : memref<10000xf32, #tpu.memory_space<hbm>>) target(%arg17 : memref<10000xf32, #tpu.memory_space<vmem>>) target_semaphore(%run_scoped3A : memref<!tpu.dma_semaphore, #tpu.memory_space<semaphore_mem>>)
      tpu.wait_dma2 semaphore(%run_scoped3A : memref<!tpu.dma_semaphore, #tpu.memory_space<semaphore_mem>>) src(%arg4 : memref<10000xf32, #tpu.memory_space<hbm>>) dst(%arg17 : memref<10000xf32, #tpu.memory_space<vmem>>)
      tpu.yield
    }) : () -> ()
    "tpu.region"() ({
      %run_scoped3A = tpu.sem_alloc : memref<!tpu.dma_semaphore, #tpu.memory_space<semaphore_mem>>
      %dma_start3A_78 = arith.constant 0 : i32
      %dma_start3A_79 = tpu.memref_slice %arg9[%arg0, %dma_start3A_78] : memref<2x256xf32, #tpu.memory_space<hbm>> -> memref<1x256xf32, #tpu.memory_space<hbm>>
      %dma_start3A_80 = tpu.memref_squeeze %dma_start3A_79 : memref<1x256xf32, #tpu.memory_space<hbm>> -> memref<256xf32, #tpu.memory_space<hbm>>
      %dma_start3A_81 = arith.constant 0 : i32
      %dma_start3A_82 = tpu.memref_slice %arg9[%arg0, %dma_start3A_81] : memref<2x256xf32, #tpu.memory_space<hbm>> -> memref<1x256xf32, #tpu.memory_space<hbm>>
      %dma_start3A_83 = tpu.memref_squeeze %dma_start3A_82 : memref<1x256xf32, #tpu.memory_space<hbm>> -> memref<256xf32, #tpu.memory_space<hbm>>
      tpu.enqueue_dma source(%dma_start3A_83 : memref<256xf32, #tpu.memory_space<hbm>>) target(%arg18 : memref<256xf32, #tpu.memory_space<vmem>>) target_semaphore(%run_scoped3A : memref<!tpu.dma_semaphore, #tpu.memory_space<semaphore_mem>>)
      %dma_wait3A_84 = arith.constant 0 : i32
      %dma_wait3A_85 = tpu.memref_slice %arg9[%arg0, %dma_wait3A_84] : memref<2x256xf32, #tpu.memory_space<hbm>> -> memref<1x256xf32, #tpu.memory_space<hbm>>
      %dma_wait3A_86 = tpu.memref_squeeze %dma_wait3A_85 : memref<1x256xf32, #tpu.memory_space<hbm>> -> memref<256xf32, #tpu.memory_space<hbm>>
      %dma_wait3A_87 = arith.constant 0 : i32
      %dma_wait3A_88 = tpu.memref_slice %arg9[%arg0, %dma_wait3A_87] : memref<2x256xf32, #tpu.memory_space<hbm>> -> memref<1x256xf32, #tpu.memory_space<hbm>>
      %dma_wait3A_89 = tpu.memref_squeeze %dma_wait3A_88 : memref<1x256xf32, #tpu.memory_space<hbm>> -> memref<256xf32, #tpu.memory_space<hbm>>
      tpu.wait_dma2 semaphore(%run_scoped3A : memref<!tpu.dma_semaphore, #tpu.memory_space<semaphore_mem>>) src(%dma_wait3A_89 : memref<256xf32, #tpu.memory_space<hbm>>) dst(%arg18 : memref<256xf32, #tpu.memory_space<vmem>>)
      tpu.yield
    }) : () -> ()
    "tpu.region"() ({
      %run_scoped3A = tpu.sem_alloc : memref<!tpu.dma_semaphore, #tpu.memory_space<semaphore_mem>>
      %dma_start3A_78 = arith.constant 0 : i32
      %dma_start3A_79 = arith.constant 0 : i32
      %dma_start3A_80 = tpu.memref_slice %arg10[%arg0, %dma_start3A_78, %dma_start3A_79] : memref<2x4x64xf32, #tpu.memory_space<hbm>> -> memref<1x4x64xf32, #tpu.memory_space<hbm>>
      %dma_start3A_81 = tpu.memref_squeeze %dma_start3A_80 : memref<1x4x64xf32, #tpu.memory_space<hbm>> -> memref<4x64xf32, #tpu.memory_space<hbm>>
      %dma_start3A_82 = arith.constant 0 : i32
      %dma_start3A_83 = arith.constant 0 : i32
      %dma_start3A_84 = tpu.memref_slice %arg10[%arg0, %dma_start3A_82, %dma_start3A_83] : memref<2x4x64xf32, #tpu.memory_space<hbm>> -> memref<1x4x64xf32, #tpu.memory_space<hbm>>
      %dma_start3A_85 = tpu.memref_squeeze %dma_start3A_84 : memref<1x4x64xf32, #tpu.memory_space<hbm>> -> memref<4x64xf32, #tpu.memory_space<hbm>>
      tpu.enqueue_dma source(%dma_start3A_85 : memref<4x64xf32, #tpu.memory_space<hbm>>) target(%arg19 : memref<4x64xf32, #tpu.memory_space<vmem>>) target_semaphore(%run_scoped3A : memref<!tpu.dma_semaphore, #tpu.memory_space<semaphore_mem>>)
      %dma_wait3A_86 = arith.constant 0 : i32
      %dma_wait3A_87 = arith.constant 0 : i32
      %dma_wait3A_88 = tpu.memref_slice %arg10[%arg0, %dma_wait3A_86, %dma_wait3A_87] : memref<2x4x64xf32, #tpu.memory_space<hbm>> -> memref<1x4x64xf32, #tpu.memory_space<hbm>>
      %dma_wait3A_89 = tpu.memref_squeeze %dma_wait3A_88 : memref<1x4x64xf32, #tpu.memory_space<hbm>> -> memref<4x64xf32, #tpu.memory_space<hbm>>
      %dma_wait3A_90 = arith.constant 0 : i32
      %dma_wait3A_91 = arith.constant 0 : i32
      %dma_wait3A_92 = tpu.memref_slice %arg10[%arg0, %dma_wait3A_90, %dma_wait3A_91] : memref<2x4x64xf32, #tpu.memory_space<hbm>> -> memref<1x4x64xf32, #tpu.memory_space<hbm>>
      %dma_wait3A_93 = tpu.memref_squeeze %dma_wait3A_92 : memref<1x4x64xf32, #tpu.memory_space<hbm>> -> memref<4x64xf32, #tpu.memory_space<hbm>>
      tpu.wait_dma2 semaphore(%run_scoped3A : memref<!tpu.dma_semaphore, #tpu.memory_space<semaphore_mem>>) src(%dma_wait3A_93 : memref<4x64xf32, #tpu.memory_space<hbm>>) dst(%arg19 : memref<4x64xf32, #tpu.memory_space<vmem>>)
      tpu.yield
    }) : () -> ()
    "tpu.region"() ({
      %run_scoped3A = tpu.sem_alloc : memref<!tpu.dma_semaphore, #tpu.memory_space<semaphore_mem>>
      %dma_start3A_78 = arith.constant 0 : i32
      %dma_start3A_79 = tpu.memref_slice %arg11[%arg0, %dma_start3A_78] : memref<2x64xf32, #tpu.memory_space<hbm>> -> memref<1x64xf32, #tpu.memory_space<hbm>>
      %dma_start3A_80 = tpu.memref_squeeze %dma_start3A_79 : memref<1x64xf32, #tpu.memory_space<hbm>> -> memref<64xf32, #tpu.memory_space<hbm>>
      %dma_start3A_81 = arith.constant 0 : i32
      %dma_start3A_82 = tpu.memref_slice %arg11[%arg0, %dma_start3A_81] : memref<2x64xf32, #tpu.memory_space<hbm>> -> memref<1x64xf32, #tpu.memory_space<hbm>>
      %dma_start3A_83 = tpu.memref_squeeze %dma_start3A_82 : memref<1x64xf32, #tpu.memory_space<hbm>> -> memref<64xf32, #tpu.memory_space<hbm>>
      tpu.enqueue_dma source(%dma_start3A_83 : memref<64xf32, #tpu.memory_space<hbm>>) target(%arg20 : memref<64xf32, #tpu.memory_space<vmem>>) target_semaphore(%run_scoped3A : memref<!tpu.dma_semaphore, #tpu.memory_space<semaphore_mem>>)
      %dma_wait3A_84 = arith.constant 0 : i32
      %dma_wait3A_85 = tpu.memref_slice %arg11[%arg0, %dma_wait3A_84] : memref<2x64xf32, #tpu.memory_space<hbm>> -> memref<1x64xf32, #tpu.memory_space<hbm>>
      %dma_wait3A_86 = tpu.memref_squeeze %dma_wait3A_85 : memref<1x64xf32, #tpu.memory_space<hbm>> -> memref<64xf32, #tpu.memory_space<hbm>>
      %dma_wait3A_87 = arith.constant 0 : i32
      %dma_wait3A_88 = tpu.memref_slice %arg11[%arg0, %dma_wait3A_87] : memref<2x64xf32, #tpu.memory_space<hbm>> -> memref<1x64xf32, #tpu.memory_space<hbm>>
      %dma_wait3A_89 = tpu.memref_squeeze %dma_wait3A_88 : memref<1x64xf32, #tpu.memory_space<hbm>> -> memref<64xf32, #tpu.memory_space<hbm>>
      tpu.wait_dma2 semaphore(%run_scoped3A : memref<!tpu.dma_semaphore, #tpu.memory_space<semaphore_mem>>) src(%dma_wait3A_89 : memref<64xf32, #tpu.memory_space<hbm>>) dst(%arg20 : memref<64xf32, #tpu.memory_space<vmem>>)
      tpu.yield
    }) : () -> ()
    %mul3A = arith.constant 320 : i32
    %mul3A_0 = arith.muli %arg1, %mul3A : i32
    "tpu.region"() ({
      %run_scoped3A = tpu.sem_alloc : memref<!tpu.dma_semaphore, #tpu.memory_space<semaphore_mem>>
      %dma_start3A_78 = arith.constant 0 : i32
      %dma_start3A_79 = tpu.memref_slice %arg37[%mul3A_0, %dma_start3A_78] : memref<5120x128xf32, #tpu.memory_space<vmem_shared>> -> memref<320x128xf32, #tpu.memory_space<vmem_shared>>
      %dma_start3A_80 = arith.constant 0 : i32
      %dma_start3A_81 = tpu.memref_slice %arg12[%mul3A_0, %dma_start3A_80] : memref<5120x128xf32, #tpu.memory_space<hbm>> -> memref<320x128xf32, #tpu.memory_space<hbm>>
      tpu.enqueue_dma source(%dma_start3A_81 : memref<320x128xf32, #tpu.memory_space<hbm>>) target(%dma_start3A_79 : memref<320x128xf32, #tpu.memory_space<vmem_shared>>) target_semaphore(%run_scoped3A : memref<!tpu.dma_semaphore, #tpu.memory_space<semaphore_mem>>)
      %dma_wait3A_82 = arith.constant 0 : i32
      %dma_wait3A_83 = tpu.memref_slice %arg37[%mul3A_0, %dma_wait3A_82] : memref<5120x128xf32, #tpu.memory_space<vmem_shared>> -> memref<320x128xf32, #tpu.memory_space<vmem_shared>>
      %dma_wait3A_84 = arith.constant 0 : i32
      %dma_wait3A_85 = tpu.memref_slice %arg12[%mul3A_0, %dma_wait3A_84] : memref<5120x128xf32, #tpu.memory_space<hbm>> -> memref<320x128xf32, #tpu.memory_space<hbm>>
      tpu.wait_dma2 semaphore(%run_scoped3A : memref<!tpu.dma_semaphore, #tpu.memory_space<semaphore_mem>>) src(%dma_wait3A_85 : memref<320x128xf32, #tpu.memory_space<hbm>>) dst(%dma_wait3A_83 : memref<320x128xf32, #tpu.memory_space<vmem_shared>>)
      tpu.yield
    }) : () -> ()
    %eq3A = arith.constant 0 : i32
    %eq3A_1 = arith.cmpi eq, %arg1, %eq3A : i32
    %convert_element_type3A = arith.extui %eq3A_1 : i1 to i32
    %cond3A = arith.constant 0 : i32
    %cond3A_2 = arith.cmpi ne, %convert_element_type3A, %cond3A : i32
    scf.if %cond3A_2 {
      "tpu.region"() ({
        %run_scoped3A = tpu.sem_alloc : memref<!tpu.dma_semaphore, #tpu.memory_space<semaphore_mem>>
        %dma_start3A_78 = arith.constant 0 : i32
        %dma_start3A_79 = arith.constant 0 : i32
        %dma_start3A_80 = tpu.memref_slice %arg38[%dma_start3A_78, %dma_start3A_79] : memref<80x128xf32, #tpu.memory_space<vmem_shared>> -> memref<80x128xf32, #tpu.memory_space<vmem_shared>>
        %dma_start3A_81 = arith.constant 0 : i32
        %dma_start3A_82 = arith.constant 0 : i32
        %dma_start3A_83 = tpu.memref_slice %arg12[%dma_start3A_81, %dma_start3A_82] : memref<5120x128xf32, #tpu.memory_space<hbm>> -> memref<80x128xf32, #tpu.memory_space<hbm>>
        tpu.enqueue_dma source(%dma_start3A_83 : memref<80x128xf32, #tpu.memory_space<hbm>>) target(%dma_start3A_80 : memref<80x128xf32, #tpu.memory_space<vmem_shared>>) target_semaphore(%run_scoped3A : memref<!tpu.dma_semaphore, #tpu.memory_space<semaphore_mem>>)
        %dma_wait3A_84 = arith.constant 0 : i32
        %dma_wait3A_85 = arith.constant 0 : i32
        %dma_wait3A_86 = tpu.memref_slice %arg38[%dma_wait3A_84, %dma_wait3A_85] : memref<80x128xf32, #tpu.memory_space<vmem_shared>> -> memref<80x128xf32, #tpu.memory_space<vmem_shared>>
        %dma_wait3A_87 = arith.constant 0 : i32
        %dma_wait3A_88 = arith.constant 0 : i32
        %dma_wait3A_89 = tpu.memref_slice %arg12[%dma_wait3A_87, %dma_wait3A_88] : memref<5120x128xf32, #tpu.memory_space<hbm>> -> memref<80x128xf32, #tpu.memory_space<hbm>>
        tpu.wait_dma2 semaphore(%run_scoped3A : memref<!tpu.dma_semaphore, #tpu.memory_space<semaphore_mem>>) src(%dma_wait3A_89 : memref<80x128xf32, #tpu.memory_space<hbm>>) dst(%dma_wait3A_86 : memref<80x128xf32, #tpu.memory_space<vmem_shared>>)
        tpu.yield
      }) : () -> ()
    } else {
    }
    %iota3A = tpu.iota {dimensions = array<i32: 0>} : vector<16xi32>
    %broadcast_in_dim3A = arith.constant 0 : i32
    %broadcast_in_dim3A_3 = vector.broadcast %broadcast_in_dim3A : i32 to vector<16xi32>
    %broadcast_in_dim3A_4 = arith.constant 0.000000e+00 : f32
    %broadcast_in_dim3A_5 = vector.broadcast %broadcast_in_dim3A_4 : f32 to vector<16xf32>
    %scan3A = arith.constant 0 : i32
    %scan3A_6 = arith.constant 0 : i32
    %scan3A_7 = arith.constant 640 : i32
    %scan3A_8 = arith.addi %scan3A_6, %scan3A_7 : i32
    %scan3A_9 = arith.constant 1 : i32
    %scan3A_10 = scf.for %scan3A_78 = %scan3A_6 to %scan3A_8 step %scan3A_9 iter_args(%scan3A_79 = %scan3A) -> (i32)  : i32 {
      %jit3A = arith.constant 8 : i32
      %div3A = arith.divsi %scan3A_78, %jit3A : i32
      %sign3A = arith.constant 0 : i32
      %sign3A_80 = arith.cmpi sgt, %scan3A_78, %sign3A : i32
      %sign3A_81 = arith.extui %sign3A_80 : i1 to i32
      %sign3A_82 = arith.constant 0 : i32
      %sign3A_83 = arith.cmpi slt, %scan3A_78, %sign3A_82 : i32
      %sign3A_84 = arith.extui %sign3A_83 : i1 to i32
      %sign3A_85 = arith.subi %sign3A_81, %sign3A_84 : i32
      %sign3A_86 = arith.constant 0 : i32
      %sign3A_87 = arith.cmpi sgt, %jit3A, %sign3A_86 : i32
      %sign3A_88 = arith.extui %sign3A_87 : i1 to i32
      %sign3A_89 = arith.constant 0 : i32
      %sign3A_90 = arith.cmpi slt, %jit3A, %sign3A_89 : i32
      %sign3A_91 = arith.extui %sign3A_90 : i1 to i32
      %sign3A_92 = arith.subi %sign3A_88, %sign3A_91 : i32
      %ne3A = arith.cmpi ne, %sign3A_85, %sign3A_92 : i32
      %rem3A = arith.remsi %scan3A_78, %jit3A : i32
      %ne3A_93 = arith.constant 0 : i32
      %ne3A_94 = arith.cmpi ne, %rem3A, %ne3A_93 : i32
      %and3A = arith.andi %ne3A, %ne3A_94 : i1
      %sub3A = arith.constant 1 : i32
      %sub3A_95 = arith.subi %div3A, %sub3A : i32
      %select_n3A = arith.select %and3A, %sub3A_95, %div3A : i32
      %jit3A_96 = arith.constant 8 : i32
      %eq3A_97 = arith.constant 0 : i32
      %eq3A_98 = arith.cmpi eq, %jit3A_96, %eq3A_97 : i32
      %jit3A_99 = arith.constant 1 : i32
      %select_n3A_100 = arith.select %eq3A_98, %jit3A_99, %jit3A_96 : i32
      %rem3A_101 = arith.remsi %scan3A_78, %select_n3A_100 : i32
      %ne3A_102 = arith.constant 0 : i32
      %ne3A_103 = arith.cmpi ne, %rem3A_101, %ne3A_102 : i32
      %lt3A = arith.constant 0 : i32
      %lt3A_104 = arith.cmpi slt, %rem3A_101, %lt3A : i32
      %lt3A_105 = arith.constant 0 : i32
      %lt3A_106 = arith.cmpi slt, %select_n3A_100, %lt3A_105 : i32
      %ne3A_107 = arith.xori %lt3A_104, %lt3A_106 : i1
      %and3A_108 = arith.andi %ne3A_107, %ne3A_103 : i1
      %add3A_109 = arith.addi %rem3A_101, %select_n3A_100 : i32
      %select_n3A_110 = arith.select %and3A_108, %add3A_109, %rem3A_101 : i32
      %mul3A_111 = arith.constant 16 : i32
      %mul3A_112 = arith.muli %select_n3A_110, %mul3A_111 : i32
      %swap3A = arith.index_cast %select_n3A : i32 to index
      %swap3A_113 = arith.index_cast %mul3A_112 : i32 to index
      %swap3A_114 = tpu.vector_load %arg33[%swap3A, %swap3A_113] {strides = array<i32>} : memref<80x128xf32, #tpu.memory_space<vmem>>, vector<16xf32>,
      tpu.vector_store %arg33[%swap3A, %swap3A_113], %broadcast_in_dim3A_5 {strides = array<i32>} : memref<80x128xf32, #tpu.memory_space<vmem>>, vector<16xf32>,
      %scan3A_115 = arith.constant 0 : i32
      scf.yield %scan3A_115 : i32
    }
    %scan3A_11 = arith.constant 640 : i32
    %scan3A_12 = arith.constant 0 : i32
    %scan3A_13 = arith.constant 0 : i32
    %scan3A_14 = arith.constant 5 : i32
    %scan3A_15 = arith.addi %scan3A_13, %scan3A_14 : i32
    %scan3A_16 = arith.constant 1 : i32
    %scan3A_17 = scf.for %scan3A_78 = %scan3A_13 to %scan3A_15 step %scan3A_16 iter_args(%scan3A_79 = %scan3A_12) -> (i32)  : i32 {
      %mul3A_80 = arith.constant 16 : i32
      %mul3A_81 = arith.muli %scan3A_78, %mul3A_80 : i32
      %add3A_82 = vector.broadcast %mul3A_81 : i32 to vector<16xi32>
      %add3A_83 = arith.addi %add3A_82, %iota3A : vector<16xi32>
      %mul3A_84 = arith.constant 16 : i32
      %mul3A_85 = arith.muli %scan3A_78, %mul3A_84 : i32
      %swap3A = arith.index_cast %mul3A_85 : i32 to index
      %swap3A_86 = tpu.vector_load %arg34[%swap3A] {strides = array<i32>} : memref<80xi32, #tpu.memory_space<vmem>>, vector<16xi32>,
      tpu.vector_store %arg34[%swap3A], %add3A_83 {strides = array<i32>} : memref<80xi32, #tpu.memory_space<vmem>>, vector<16xi32>,
      %scan3A_87 = arith.constant 0 : i32
      scf.yield %scan3A_87 : i32
    }
    %scan3A_18 = arith.constant 5 : i32
    %barrier3A = arith.constant 0 : index
    tpu.barrier barrier_id(%barrier3A)
    %mul3A_19 = arith.constant 20096 : i32
    %mul3A_20 = arith.muli %arg1, %mul3A_19 : i32
    %mul3A_21 = arith.constant 64 : i32
    %mul3A_22 = arith.muli %arg0, %mul3A_21 : i32
    %mul3A_23 = arith.constant 321536 : i32
    %mul3A_24 = arith.muli %arg0, %mul3A_23 : i32
    %add3A = arith.addi %mul3A_24, %mul3A_20 : i32
    %add3A_25 = arith.constant 0 : i32
    %add3A_26 = arith.addi %mul3A_20, %add3A_25 : i32
    %dma_start3A = tpu.memref_slice %arg5[%add3A_26] : memref<321536xi32, #tpu.memory_space<hbm>> -> memref<64xi32, #tpu.memory_space<hbm>>
    %dma_start3A_27 = tpu.memref_slice %arg5[%add3A_26] : memref<321536xi32, #tpu.memory_space<hbm>> -> memref<64xi32, #tpu.memory_space<hbm>>
    tpu.enqueue_dma source(%dma_start3A_27 : memref<64xi32, #tpu.memory_space<hbm>>) target(%arg21 : memref<64xi32, #tpu.memory_space<vmem>>) target_semaphore(%arg39 : memref<!tpu.dma_semaphore, #tpu.memory_space<semaphore_mem>>)
    %dma_start3A_28 = tpu.memref_slice %arg6[%add3A_26] : memref<321536xi32, #tpu.memory_space<hbm>> -> memref<64xi32, #tpu.memory_space<hbm>>
    %dma_start3A_29 = tpu.memref_slice %arg6[%add3A_26] : memref<321536xi32, #tpu.memory_space<hbm>> -> memref<64xi32, #tpu.memory_space<hbm>>
    tpu.enqueue_dma source(%dma_start3A_29 : memref<64xi32, #tpu.memory_space<hbm>>) target(%arg22 : memref<64xi32, #tpu.memory_space<vmem>>) target_semaphore(%arg39 : memref<!tpu.dma_semaphore, #tpu.memory_space<semaphore_mem>>)
    %dma_start3A_30 = tpu.memref_slice %arg7[%add3A_26] : memref<321536xi32, #tpu.memory_space<hbm>> -> memref<64xi32, #tpu.memory_space<hbm>>
    %dma_start3A_31 = tpu.memref_slice %arg7[%add3A_26] : memref<321536xi32, #tpu.memory_space<hbm>> -> memref<64xi32, #tpu.memory_space<hbm>>
    tpu.enqueue_dma source(%dma_start3A_31 : memref<64xi32, #tpu.memory_space<hbm>>) target(%arg23 : memref<64xi32, #tpu.memory_space<vmem>>) target_semaphore(%arg39 : memref<!tpu.dma_semaphore, #tpu.memory_space<semaphore_mem>>)
    %dma_start3A_32 = arith.constant 0 : i32
    %dma_start3A_33 = tpu.memref_slice %arg8[%add3A_26, %dma_start3A_32] : memref<321536x4xf32, #tpu.memory_space<hbm>> -> memref<64x4xf32, #tpu.memory_space<hbm>>
    %dma_start3A_34 = arith.constant 0 : i32
    %dma_start3A_35 = tpu.memref_slice %arg8[%add3A_26, %dma_start3A_34] : memref<321536x4xf32, #tpu.memory_space<hbm>> -> memref<64x4xf32, #tpu.memory_space<hbm>>
    tpu.enqueue_dma source(%dma_start3A_35 : memref<64x4xf32, #tpu.memory_space<hbm>>) target(%arg24 : memref<64x4xf32, #tpu.memory_space<vmem>>) target_semaphore(%arg39 : memref<!tpu.dma_semaphore, #tpu.memory_space<semaphore_mem>>)
    %dma_wait3A = tpu.memref_slice %arg5[%mul3A_20] : memref<321536xi32, #tpu.memory_space<hbm>> -> memref<64xi32, #tpu.memory_space<hbm>>
    %dma_wait3A_36 = tpu.memref_slice %arg5[%mul3A_20] : memref<321536xi32, #tpu.memory_space<hbm>> -> memref<64xi32, #tpu.memory_space<hbm>>
    tpu.wait_dma2 semaphore(%arg39 : memref<!tpu.dma_semaphore, #tpu.memory_space<semaphore_mem>>) src(%dma_wait3A_36 : memref<64xi32, #tpu.memory_space<hbm>>) dst(%arg21 : memref<64xi32, #tpu.memory_space<vmem>>)
    %dma_wait3A_37 = tpu.memref_slice %arg6[%mul3A_20] : memref<321536xi32, #tpu.memory_space<hbm>> -> memref<64xi32, #tpu.memory_space<hbm>>
    %dma_wait3A_38 = tpu.memref_slice %arg6[%mul3A_20] : memref<321536xi32, #tpu.memory_space<hbm>> -> memref<64xi32, #tpu.memory_space<hbm>>
    tpu.wait_dma2 semaphore(%arg39 : memref<!tpu.dma_semaphore, #tpu.memory_space<semaphore_mem>>) src(%dma_wait3A_38 : memref<64xi32, #tpu.memory_space<hbm>>) dst(%arg22 : memref<64xi32, #tpu.memory_space<vmem>>)
    %dma_wait3A_39 = tpu.memref_slice %arg7[%mul3A_20] : memref<321536xi32, #tpu.memory_space<hbm>> -> memref<64xi32, #tpu.memory_space<hbm>>
    %dma_wait3A_40 = tpu.memref_slice %arg7[%mul3A_20] : memref<321536xi32, #tpu.memory_space<hbm>> -> memref<64xi32, #tpu.memory_space<hbm>>
    tpu.wait_dma2 semaphore(%arg39 : memref<!tpu.dma_semaphore, #tpu.memory_space<semaphore_mem>>) src(%dma_wait3A_40 : memref<64xi32, #tpu.memory_space<hbm>>) dst(%arg23 : memref<64xi32, #tpu.memory_space<vmem>>)
    %dma_wait3A_41 = arith.constant 0 : i32
    %dma_wait3A_42 = tpu.memref_slice %arg8[%mul3A_20, %dma_wait3A_41] : memref<321536x4xf32, #tpu.memory_space<hbm>> -> memref<64x4xf32, #tpu.memory_space<hbm>>
    %dma_wait3A_43 = arith.constant 0 : i32
    %dma_wait3A_44 = tpu.memref_slice %arg8[%mul3A_20, %dma_wait3A_43] : memref<321536x4xf32, #tpu.memory_space<hbm>> -> memref<64x4xf32, #tpu.memory_space<hbm>>
    tpu.wait_dma2 semaphore(%arg39 : memref<!tpu.dma_semaphore, #tpu.memory_space<semaphore_mem>>) src(%dma_wait3A_44 : memref<64x4xf32, #tpu.memory_space<hbm>>) dst(%arg24 : memref<64x4xf32, #tpu.memory_space<vmem>>)
    %dma_start3A_45 = arith.constant 0 : i32
    %dma_start3A_46 = arith.constant 0 : i32
    %dma_start3A_47 = tpu.memref_slice %arg2[%dma_start3A_45, %dma_start3A_46] : memref<10240x128xf32, #tpu.memory_space<hbm>> -> memref<10240x128xf32, #tpu.memory_space<hbm>>
    tpu.enqueue_indirect_dma source(%dma_start3A_47 : memref<10240x128xf32, #tpu.memory_space<hbm>>) target(%arg25 : memref<64x128xf32, #tpu.memory_space<vmem>>) offsets(%arg21 : memref<64xi32, #tpu.memory_space<vmem>>) semaphore(%arg41 : memref<!tpu.dma_semaphore, #tpu.memory_space<semaphore_mem>>)
    %add3A_48 = arith.constant 64 : i32
    %add3A_49 = arith.addi %mul3A_20, %add3A_48 : i32
    %dma_start3A_50 = tpu.memref_slice %arg5[%add3A_49] : memref<321536xi32, #tpu.memory_space<hbm>> -> memref<64xi32, #tpu.memory_space<hbm>>
    %dma_start3A_51 = tpu.memref_slice %arg5[%add3A_49] : memref<321536xi32, #tpu.memory_space<hbm>> -> memref<64xi32, #tpu.memory_space<hbm>>
    tpu.enqueue_dma source(%dma_start3A_51 : memref<64xi32, #tpu.memory_space<hbm>>) target(%arg26 : memref<64xi32, #tpu.memory_space<vmem>>) target_semaphore(%arg40 : memref<!tpu.dma_semaphore, #tpu.memory_space<semaphore_mem>>)
    %dma_start3A_52 = tpu.memref_slice %arg6[%add3A_49] : memref<321536xi32, #tpu.memory_space<hbm>> -> memref<64xi32, #tpu.memory_space<hbm>>
    %dma_start3A_53 = tpu.memref_slice %arg6[%add3A_49] : memref<321536xi32, #tpu.memory_space<hbm>> -> memref<64xi32, #tpu.memory_space<hbm>>
    tpu.enqueue_dma source(%dma_start3A_53 : memref<64xi32, #tpu.memory_space<hbm>>) target(%arg27 : memref<64xi32, #tpu.memory_space<vmem>>) target_semaphore(%arg40 : memref<!tpu.dma_semaphore, #tpu.memory_space<semaphore_mem>>)
    %dma_start3A_54 = tpu.memref_slice %arg7[%add3A_49] : memref<321536xi32, #tpu.memory_space<hbm>> -> memref<64xi32, #tpu.memory_space<hbm>>
    %dma_start3A_55 = tpu.memref_slice %arg7[%add3A_49] : memref<321536xi32, #tpu.memory_space<hbm>> -> memref<64xi32, #tpu.memory_space<hbm>>
    tpu.enqueue_dma source(%dma_start3A_55 : memref<64xi32, #tpu.memory_space<hbm>>) target(%arg28 : memref<64xi32, #tpu.memory_space<vmem>>) target_semaphore(%arg40 : memref<!tpu.dma_semaphore, #tpu.memory_space<semaphore_mem>>)
    %dma_start3A_56 = arith.constant 0 : i32
    %dma_start3A_57 = tpu.memref_slice %arg8[%add3A_49, %dma_start3A_56] : memref<321536x4xf32, #tpu.memory_space<hbm>> -> memref<64x4xf32, #tpu.memory_space<hbm>>
    %dma_start3A_58 = arith.constant 0 : i32
    %dma_start3A_59 = tpu.memref_slice %arg8[%add3A_49, %dma_start3A_58] : memref<321536x4xf32, #tpu.memory_space<hbm>> -> memref<64x4xf32, #tpu.memory_space<hbm>>
    tpu.enqueue_dma source(%dma_start3A_59 : memref<64x4xf32, #tpu.memory_space<hbm>>) target(%arg29 : memref<64x4xf32, #tpu.memory_space<vmem>>) target_semaphore(%arg40 : memref<!tpu.dma_semaphore, #tpu.memory_space<semaphore_mem>>)
    %scan3A_60 = arith.constant 0 : i32
    %scan3A_61 = arith.constant 0 : i32
    %scan3A_62 = arith.constant 157 : i32
    %scan3A_63 = arith.addi %scan3A_61, %scan3A_62 : i32
    %scan3A_64 = arith.constant 1 : i32
    %scan3A_65 = scf.for %scan3A_78 = %scan3A_61 to %scan3A_63 step %scan3A_64 iter_args(%scan3A_79 = %scan3A_60) -> (i32)  : i32 {
      %mul3A_80 = arith.constant 2 : i32
      %mul3A_81 = arith.muli %mul3A_80, %scan3A_78 : i32
      %add3A_82 = arith.constant 1 : i32
      %add3A_83 = arith.addi %mul3A_81, %add3A_82 : i32
      %dma_wait3A_84 = tpu.memref_slice %arg5[%mul3A_20] : memref<321536xi32, #tpu.memory_space<hbm>> -> memref<64xi32, #tpu.memory_space<hbm>>
      %dma_wait3A_85 = tpu.memref_slice %arg5[%mul3A_20] : memref<321536xi32, #tpu.memory_space<hbm>> -> memref<64xi32, #tpu.memory_space<hbm>>
      tpu.wait_dma2 semaphore(%arg40 : memref<!tpu.dma_semaphore, #tpu.memory_space<semaphore_mem>>) src(%dma_wait3A_85 : memref<64xi32, #tpu.memory_space<hbm>>) dst(%arg26 : memref<64xi32, #tpu.memory_space<vmem>>)
      %dma_wait3A_86 = tpu.memref_slice %arg6[%mul3A_20] : memref<321536xi32, #tpu.memory_space<hbm>> -> memref<64xi32, #tpu.memory_space<hbm>>
      %dma_wait3A_87 = tpu.memref_slice %arg6[%mul3A_20] : memref<321536xi32, #tpu.memory_space<hbm>> -> memref<64xi32, #tpu.memory_space<hbm>>
      tpu.wait_dma2 semaphore(%arg40 : memref<!tpu.dma_semaphore, #tpu.memory_space<semaphore_mem>>) src(%dma_wait3A_87 : memref<64xi32, #tpu.memory_space<hbm>>) dst(%arg27 : memref<64xi32, #tpu.memory_space<vmem>>)
      %dma_wait3A_88 = tpu.memref_slice %arg7[%mul3A_20] : memref<321536xi32, #tpu.memory_space<hbm>> -> memref<64xi32, #tpu.memory_space<hbm>>
      %dma_wait3A_89 = tpu.memref_slice %arg7[%mul3A_20] : memref<321536xi32, #tpu.memory_space<hbm>> -> memref<64xi32, #tpu.memory_space<hbm>>
      tpu.wait_dma2 semaphore(%arg40 : memref<!tpu.dma_semaphore, #tpu.memory_space<semaphore_mem>>) src(%dma_wait3A_89 : memref<64xi32, #tpu.memory_space<hbm>>) dst(%arg28 : memref<64xi32, #tpu.memory_space<vmem>>)
      %dma_wait3A_90 = arith.constant 0 : i32
      %dma_wait3A_91 = tpu.memref_slice %arg8[%mul3A_20, %dma_wait3A_90] : memref<321536x4xf32, #tpu.memory_space<hbm>> -> memref<64x4xf32, #tpu.memory_space<hbm>>
      %dma_wait3A_92 = arith.constant 0 : i32
      %dma_wait3A_93 = tpu.memref_slice %arg8[%mul3A_20, %dma_wait3A_92] : memref<321536x4xf32, #tpu.memory_space<hbm>> -> memref<64x4xf32, #tpu.memory_space<hbm>>
      tpu.wait_dma2 semaphore(%arg40 : memref<!tpu.dma_semaphore, #tpu.memory_space<semaphore_mem>>) src(%dma_wait3A_93 : memref<64x4xf32, #tpu.memory_space<hbm>>) dst(%arg29 : memref<64x4xf32, #tpu.memory_space<vmem>>)
      %dma_start3A_94 = arith.constant 0 : i32
      %dma_start3A_95 = arith.constant 0 : i32
      %dma_start3A_96 = tpu.memref_slice %arg2[%dma_start3A_94, %dma_start3A_95] : memref<10240x128xf32, #tpu.memory_space<hbm>> -> memref<10240x128xf32, #tpu.memory_space<hbm>>
      tpu.enqueue_indirect_dma source(%dma_start3A_96 : memref<10240x128xf32, #tpu.memory_space<hbm>>) target(%arg30 : memref<64x128xf32, #tpu.memory_space<vmem>>) offsets(%arg26 : memref<64xi32, #tpu.memory_space<vmem>>) semaphore(%arg42 : memref<!tpu.dma_semaphore, #tpu.memory_space<semaphore_mem>>)
      %gt3A = arith.constant 0 : i32
      %gt3A_97 = arith.cmpi sgt, %scan3A_78, %gt3A : i32
      %convert_element_type3A_98 = arith.extui %gt3A_97 : i1 to i32
      %cond3A_99 = arith.constant 0 : i32
      %cond3A_100 = arith.cmpi ne, %convert_element_type3A_98, %cond3A_99 : i32
      scf.if %cond3A_100 {
        %dma_wait3A_183 = arith.constant 0 : i32
        %dma_wait3A_184 = arith.constant 0 : i32
        %dma_wait3A_185 = tpu.memref_slice %arg37[%dma_wait3A_183, %dma_wait3A_184] : memref<5120x128xf32, #tpu.memory_space<vmem_shared>> -> memref<5120x128xf32, #tpu.memory_space<vmem_shared>>
        tpu.wait_indirect_dma semaphore(%arg43 : memref<!tpu.dma_semaphore, #tpu.memory_space<semaphore_mem>>) src(%arg32 : memref<64x128xf32, #tpu.memory_space<vmem>>) dst(%dma_wait3A_185 : memref<5120x128xf32, #tpu.memory_space<vmem_shared>>)
        %dma_wait3A_186 = tpu.memref_slice %arg15[%add3A] : memref<643072xf32, #tpu.memory_space<hbm>> -> memref<64xf32, #tpu.memory_space<hbm>>
        %dma_wait3A_187 = tpu.memref_slice %arg15[%add3A] : memref<643072xf32, #tpu.memory_space<hbm>> -> memref<64xf32, #tpu.memory_space<hbm>>
        tpu.wait_dma2 semaphore(%arg44 : memref<!tpu.dma_semaphore, #tpu.memory_space<semaphore_mem>>) src(%arg36 : memref<64xf32, #tpu.memory_space<vmem>>) dst(%dma_wait3A_187 : memref<64xf32, #tpu.memory_space<hbm>>)
      } else {
      }
      %dma_wait3A_101 = arith.constant 0 : i32
      %dma_wait3A_102 = arith.constant 0 : i32
      %dma_wait3A_103 = tpu.memref_slice %arg2[%dma_wait3A_101, %dma_wait3A_102] : memref<10240x128xf32, #tpu.memory_space<hbm>> -> memref<10240x128xf32, #tpu.memory_space<hbm>>
      tpu.wait_indirect_dma semaphore(%arg41 : memref<!tpu.dma_semaphore, #tpu.memory_space<semaphore_mem>>) src(%dma_wait3A_103 : memref<10240x128xf32, #tpu.memory_space<hbm>>) dst(%arg25 : memref<64x128xf32, #tpu.memory_space<vmem>>)
      %mul3A_104 = arith.constant 64 : i32
      %mul3A_105 = arith.muli %mul3A_81, %mul3A_104 : i32
      %add3A_106 = arith.addi %mul3A_20, %mul3A_105 : i32
      %scan3A_107 = arith.constant 0 : i32
      %scan3A_108 = arith.constant 0 : i32
      %scan3A_109 = arith.constant 4 : i32
      %scan3A_110 = arith.addi %scan3A_108, %scan3A_109 : i32
      %scan3A_111 = arith.constant 1 : i32
      %scan3A_112 = scf.for %scan3A_183 = %scan3A_108 to %scan3A_110 step %scan3A_111 iter_args(%scan3A_184 = %scan3A_107) -> (i32)  : i32 {
        %mul3A_185 = arith.constant 16 : i32
        %mul3A_186 = arith.muli %scan3A_183, %mul3A_185 : i32
        %get3A = arith.index_cast %mul3A_186 : i32 to index
        %get3A_187 = tpu.vector_load %arg21[%get3A] {strides = array<i32>} : memref<64xi32, #tpu.memory_space<vmem>>, vector<16xi32>,
        %get3A_188 = arith.index_cast %mul3A_186 : i32 to index
        %get3A_189 = tpu.vector_load %arg22[%get3A_188] {strides = array<i32>} : memref<64xi32, #tpu.memory_space<vmem>>, vector<16xi32>,
        %shift_right_logical3A = arith.constant 1 : i32
        %shift_right_logical3A_190 = vector.broadcast %shift_right_logical3A : i32 to vector<16xi32>
        %shift_right_logical3A_191 = arith.shrui %get3A_189, %shift_right_logical3A_190 : vector<16xi32>
        %swap3A = arith.index_cast %mul3A_186 : i32 to index
        %swap3A_192 = tpu.vector_load %arg31[%swap3A] {strides = array<i32>} : memref<64xi32, #tpu.memory_space<vmem>>, vector<16xi32>,
        tpu.vector_store %arg31[%swap3A], %shift_right_logical3A_191 {strides = array<i32>} : memref<64xi32, #tpu.memory_space<vmem>>, vector<16xi32>,
        %gather3A = tpu.vector_load_idx %arg16[%get3A_187] : memref<10000xf32, #tpu.memory_space<vmem>>[vector<16xi32>], vector<16xf32>,
        %gather3A_193 = tpu.vector_load_idx %arg17[%get3A_189] : memref<10000xf32, #tpu.memory_space<vmem>>[vector<16xi32>], vector<16xf32>,
        %add3A_194 = arith.addf %gather3A, %gather3A_193 : vector<16xf32>
        %mul3A_195 = arith.constant 2.000000e-01 : f32
        %mul3A_196 = vector.broadcast %mul3A_195 : f32 to vector<16xf32>
        %mul3A_197 = arith.mulf %mul3A_196, %add3A_194 : vector<16xf32>
        %max3A = arith.maximumf %add3A_194, %mul3A_197 : vector<16xf32>
        %exp3A = math.exp %max3A : vector<16xf32>
        %mul3A_198 = arith.constant 16 : i32
        %mul3A_199 = arith.muli %scan3A_183, %mul3A_198 : i32
        %add3A_200 = arith.addi %add3A_106, %mul3A_199 : i32
        %add3A_201 = vector.broadcast %add3A_200 : i32 to vector<16xi32>
        %add3A_202 = arith.addi %add3A_201, %iota3A : vector<16xi32>
        %lt3A_203 = arith.constant 320000 : i32
        %lt3A_204 = vector.broadcast %lt3A_203 : i32 to vector<16xi32>
        %lt3A_205 = arith.cmpi slt, %add3A_202, %lt3A_204 : vector<16xi32>
        %jit3A = arith.constant 0.000000e+00 : f32
        %broadcast_in_dim3A_206 = vector.broadcast %jit3A : f32 to vector<16xf32>
        %select_n3A = arith.select %lt3A_205, %exp3A, %broadcast_in_dim3A_206 : vector<16xi1>, vector<16xf32>
        %swap3A_207 = arith.index_cast %mul3A_186 : i32 to index
        %swap3A_208 = tpu.vector_load %arg35[%swap3A_207] {strides = array<i32>} : memref<64xf32, #tpu.memory_space<vmem>>, vector<16xf32>,
        tpu.vector_store %arg35[%swap3A_207], %select_n3A {strides = array<i32>} : memref<64xf32, #tpu.memory_space<vmem>>, vector<16xf32>,
        %scan3A_209 = arith.constant 0 : i32
        scf.yield %scan3A_209 : i32
      }
      %scan3A_113 = arith.constant 4 : i32
      %scan3A_114 = arith.constant 0 : i32
      %scan3A_115 = arith.constant 0 : i32
      %scan3A_116 = arith.constant 32 : i32
      %scan3A_117 = arith.addi %scan3A_115, %scan3A_116 : i32
      %scan3A_118 = arith.constant 1 : i32
      %scan3A_119 = scf.for %scan3A_183 = %scan3A_115 to %scan3A_117 step %scan3A_118 iter_args(%scan3A_184 = %scan3A_114) -> (i32)  : i32 {
        %mul3A_185 = arith.constant 2 : i32
        %mul3A_186 = arith.muli %scan3A_183, %mul3A_185 : i32
        %add3A_187 = arith.constant 0 : i32
        %add3A_188 = arith.addi %mul3A_186, %add3A_187 : i32
        %broadcast_in_dim3A_189 = vector.broadcast %add3A_188 : i32 to vector<16xi32>
        %gather3A = tpu.vector_load_idx %arg35[%broadcast_in_dim3A_189] : memref<64xf32, #tpu.memory_space<vmem>>[vector<16xi32>], vector<16xf32>,
        %gather3A_190 = tpu.vector_load_idx %arg23[%broadcast_in_dim3A_189] : memref<64xi32, #tpu.memory_space<vmem>>[vector<16xi32>], vector<16xi32>,
        %mul3A_191 = arith.constant 64 : i32
        %mul3A_192 = vector.broadcast %mul3A_191 : i32 to vector<16xi32>
        %mul3A_193 = arith.muli %gather3A_190, %mul3A_192 : vector<16xi32>
        %gather3A_194 = tpu.vector_load_idx %arg22[%broadcast_in_dim3A_189] : memref<64xi32, #tpu.memory_space<vmem>>[vector<16xi32>], vector<16xi32>,
        %rem3A = arith.constant 2 : i32
        %rem3A_195 = vector.broadcast %rem3A : i32 to vector<16xi32>
        %rem3A_196 = arith.remsi %gather3A_194, %rem3A_195 : vector<16xi32>
        %mul3A_197 = arith.constant 64 : i32
        %mul3A_198 = vector.broadcast %mul3A_197 : i32 to vector<16xi32>
        %mul3A_199 = arith.muli %rem3A_196, %mul3A_198 : vector<16xi32>
        %sub3A = arith.constant 64 : i32
        %sub3A_200 = vector.broadcast %sub3A : i32 to vector<16xi32>
        %sub3A_201 = arith.subi %sub3A_200, %mul3A_199 : vector<16xi32>
        %shift_right_logical3A = arith.constant 7 : i32
        %shift_right_logical3A_202 = vector.broadcast %shift_right_logical3A : i32 to vector<16xi32>
        %shift_right_logical3A_203 = arith.shrui %gather3A_194, %shift_right_logical3A_202 : vector<16xi32>
        %rem3A_204 = arith.constant 128 : i32
        %rem3A_205 = vector.broadcast %rem3A_204 : i32 to vector<16xi32>
        %rem3A_206 = arith.remsi %gather3A_194, %rem3A_205 : vector<16xi32>
        %gather3A_207 = tpu.vector_load_idx %arg33[%shift_right_logical3A_203, %rem3A_206] : memref<80x128xf32, #tpu.memory_space<vmem>>[vector<16xi32>, vector<16xi32>], vector<16xf32>,
        %add3A_208 = arith.addf %gather3A_207, %gather3A : vector<16xf32>
        tpu.vector_store_idx %arg33[%shift_right_logical3A_203, %rem3A_206], %add3A_208 : memref<80x128xf32, #tpu.memory_space<vmem>>[vector<16xi32>, vector<16xi32>], vector<16xf32>,
        %gather3A_209 = tpu.vector_load_idx %arg24[%broadcast_in_dim3A_189, %broadcast_in_dim3A_3] : memref<64x4xf32, #tpu.memory_space<vmem>>[vector<16xi32>, vector<16xi32>], vector<16xf32>,
        %add3A_210 = arith.constant 1 : i32
        %add3A_211 = vector.broadcast %add3A_210 : i32 to vector<16xi32>
        %add3A_212 = arith.addi %broadcast_in_dim3A_3, %add3A_211 : vector<16xi32>
        %gather3A_213 = tpu.vector_load_idx %arg24[%broadcast_in_dim3A_189, %add3A_212] : memref<64x4xf32, #tpu.memory_space<vmem>>[vector<16xi32>, vector<16xi32>], vector<16xf32>,
        %add3A_214 = arith.constant 2 : i32
        %add3A_215 = vector.broadcast %add3A_214 : i32 to vector<16xi32>
        %add3A_216 = arith.addi %broadcast_in_dim3A_3, %add3A_215 : vector<16xi32>
        %gather3A_217 = tpu.vector_load_idx %arg24[%broadcast_in_dim3A_189, %add3A_216] : memref<64x4xf32, #tpu.memory_space<vmem>>[vector<16xi32>, vector<16xi32>], vector<16xf32>,
        %add3A_218 = arith.constant 3 : i32
        %add3A_219 = vector.broadcast %add3A_218 : i32 to vector<16xi32>
        %add3A_220 = arith.addi %broadcast_in_dim3A_3, %add3A_219 : vector<16xi32>
        %gather3A_221 = tpu.vector_load_idx %arg24[%broadcast_in_dim3A_189, %add3A_220] : memref<64x4xf32, #tpu.memory_space<vmem>>[vector<16xi32>, vector<16xi32>], vector<16xf32>,
        %add3A_222 = arith.constant 0 : i32
        %add3A_223 = vector.broadcast %add3A_222 : i32 to vector<16xi32>
        %add3A_224 = arith.addi %add3A_223, %iota3A : vector<16xi32>
        %add3A_225 = arith.addi %mul3A_193, %add3A_224 : vector<16xi32>
        %gather3A_226 = tpu.vector_load_idx %arg18[%add3A_225] : memref<256xf32, #tpu.memory_space<vmem>>[vector<16xi32>], vector<16xf32>,
        %get3A = arith.constant 0 : i32
        %get3A_227 = arith.index_cast %get3A : i32 to index
        %get3A_228 = arith.constant 0 : index
        %get3A_229 = tpu.vector_load %arg19[%get3A_227, %get3A_228] {strides = array<i32>} : memref<4x64xf32, #tpu.memory_space<vmem>>, vector<16xf32>,
        %mul3A_230 = arith.mulf %gather3A_209, %get3A_229 : vector<16xf32>
        %add3A_231 = arith.addf %gather3A_226, %mul3A_230 : vector<16xf32>
        %get3A_232 = arith.constant 1 : i32
        %get3A_233 = arith.index_cast %get3A_232 : i32 to index
        %get3A_234 = arith.constant 0 : index
        %get3A_235 = tpu.vector_load %arg19[%get3A_233, %get3A_234] {strides = array<i32>} : memref<4x64xf32, #tpu.memory_space<vmem>>, vector<16xf32>,
        %mul3A_236 = arith.mulf %gather3A_213, %get3A_235 : vector<16xf32>
        %add3A_237 = arith.addf %add3A_231, %mul3A_236 : vector<16xf32>
        %get3A_238 = arith.constant 2 : i32
        %get3A_239 = arith.index_cast %get3A_238 : i32 to index
        %get3A_240 = arith.constant 0 : index
        %get3A_241 = tpu.vector_load %arg19[%get3A_239, %get3A_240] {strides = array<i32>} : memref<4x64xf32, #tpu.memory_space<vmem>>, vector<16xf32>,
        %mul3A_242 = arith.mulf %gather3A_217, %get3A_241 : vector<16xf32>
        %add3A_243 = arith.addf %add3A_237, %mul3A_242 : vector<16xf32>
        %get3A_244 = arith.constant 3 : i32
        %get3A_245 = arith.index_cast %get3A_244 : i32 to index
        %get3A_246 = arith.constant 0 : index
        %get3A_247 = tpu.vector_load %arg19[%get3A_245, %get3A_246] {strides = array<i32>} : memref<4x64xf32, #tpu.memory_space<vmem>>, vector<16xf32>,
        %mul3A_248 = arith.mulf %gather3A_221, %get3A_247 : vector<16xf32>
        %add3A_249 = arith.addf %add3A_243, %mul3A_248 : vector<16xf32>
        %add3A_250 = vector.broadcast %mul3A_22 : i32 to vector<16xi32>
        %add3A_251 = arith.addi %add3A_250, %add3A_224 : vector<16xi32>
        %gather3A_252 = tpu.vector_load_idx %arg25[%broadcast_in_dim3A_189, %add3A_251] : memref<64x128xf32, #tpu.memory_space<vmem>>[vector<16xi32>, vector<16xi32>], vector<16xf32>,
        %add3A_253 = arith.addf %gather3A_252, %add3A_249 : vector<16xf32>
        %max3A = arith.constant 0.000000e+00 : f32
        %max3A_254 = vector.broadcast %max3A : f32 to vector<16xf32>
        %max3A_255 = arith.maximumf %add3A_253, %max3A_254 : vector<16xf32>
        %add3A_256 = arith.addi %mul3A_199, %add3A_224 : vector<16xi32>
        %mul3A_257 = arith.mulf %max3A_255, %gather3A : vector<16xf32>
        tpu.vector_store_idx %arg32[%broadcast_in_dim3A_189, %add3A_256], %mul3A_257 : memref<64x128xf32, #tpu.memory_space<vmem>>[vector<16xi32>, vector<16xi32>], vector<16xf32>,
        %add3A_258 = arith.addi %sub3A_201, %add3A_224 : vector<16xi32>
        tpu.vector_store_idx %arg32[%broadcast_in_dim3A_189, %add3A_258], %broadcast_in_dim3A_5 : memref<64x128xf32, #tpu.memory_space<vmem>>[vector<16xi32>, vector<16xi32>], vector<16xf32>,
        %get3A_259 = arith.constant 0 : index
        %get3A_260 = tpu.vector_load %arg20[%get3A_259] {strides = array<i32>} : memref<64xf32, #tpu.memory_space<vmem>>, vector<16xf32>,
        %mul3A_261 = arith.mulf %max3A_255, %get3A_260 : vector<16xf32>
        %add3A_262 = arith.addf %broadcast_in_dim3A_5, %mul3A_261 : vector<16xf32>
        %add3A_263 = arith.constant 16 : i32
        %add3A_264 = vector.broadcast %add3A_263 : i32 to vector<16xi32>
        %add3A_265 = arith.addi %add3A_264, %iota3A : vector<16xi32>
        %add3A_266 = arith.addi %mul3A_193, %add3A_265 : vector<16xi32>
        %gather3A_267 = tpu.vector_load_idx %arg18[%add3A_266] : memref<256xf32, #tpu.memory_space<vmem>>[vector<16xi32>], vector<16xf32>,
        %get3A_268 = arith.constant 0 : i32
        %get3A_269 = arith.index_cast %get3A_268 : i32 to index
        %get3A_270 = arith.constant 16 : index
        %get3A_271 = tpu.vector_load %arg19[%get3A_269, %get3A_270] {strides = array<i32>} : memref<4x64xf32, #tpu.memory_space<vmem>>, vector<16xf32>,
        %mul3A_272 = arith.mulf %gather3A_209, %get3A_271 : vector<16xf32>
        %add3A_273 = arith.addf %gather3A_267, %mul3A_272 : vector<16xf32>
        %get3A_274 = arith.constant 1 : i32
        %get3A_275 = arith.index_cast %get3A_274 : i32 to index
        %get3A_276 = arith.constant 16 : index
        %get3A_277 = tpu.vector_load %arg19[%get3A_275, %get3A_276] {strides = array<i32>} : memref<4x64xf32, #tpu.memory_space<vmem>>, vector<16xf32>,
        %mul3A_278 = arith.mulf %gather3A_213, %get3A_277 : vector<16xf32>
        %add3A_279 = arith.addf %add3A_273, %mul3A_278 : vector<16xf32>
        %get3A_280 = arith.constant 2 : i32
        %get3A_281 = arith.index_cast %get3A_280 : i32 to index
        %get3A_282 = arith.constant 16 : index
        %get3A_283 = tpu.vector_load %arg19[%get3A_281, %get3A_282] {strides = array<i32>} : memref<4x64xf32, #tpu.memory_space<vmem>>, vector<16xf32>,
        %mul3A_284 = arith.mulf %gather3A_217, %get3A_283 : vector<16xf32>
        %add3A_285 = arith.addf %add3A_279, %mul3A_284 : vector<16xf32>
        %get3A_286 = arith.constant 3 : i32
        %get3A_287 = arith.index_cast %get3A_286 : i32 to index
        %get3A_288 = arith.constant 16 : index
        %get3A_289 = tpu.vector_load %arg19[%get3A_287, %get3A_288] {strides = array<i32>} : memref<4x64xf32, #tpu.memory_space<vmem>>, vector<16xf32>,
        %mul3A_290 = arith.mulf %gather3A_221, %get3A_289 : vector<16xf32>
        %add3A_291 = arith.addf %add3A_285, %mul3A_290 : vector<16xf32>
        %add3A_292 = vector.broadcast %mul3A_22 : i32 to vector<16xi32>
        %add3A_293 = arith.addi %add3A_292, %add3A_265 : vector<16xi32>
        %gather3A_294 = tpu.vector_load_idx %arg25[%broadcast_in_dim3A_189, %add3A_293] : memref<64x128xf32, #tpu.memory_space<vmem>>[vector<16xi32>, vector<16xi32>], vector<16xf32>,
        %add3A_295 = arith.addf %gather3A_294, %add3A_291 : vector<16xf32>
        %max3A_296 = arith.constant 0.000000e+00 : f32
        %max3A_297 = vector.broadcast %max3A_296 : f32 to vector<16xf32>
        %max3A_298 = arith.maximumf %add3A_295, %max3A_297 : vector<16xf32>
        %add3A_299 = arith.addi %mul3A_199, %add3A_265 : vector<16xi32>
        %mul3A_300 = arith.mulf %max3A_298, %gather3A : vector<16xf32>
        tpu.vector_store_idx %arg32[%broadcast_in_dim3A_189, %add3A_299], %mul3A_300 : memref<64x128xf32, #tpu.memory_space<vmem>>[vector<16xi32>, vector<16xi32>], vector<16xf32>,
        %add3A_301 = arith.addi %sub3A_201, %add3A_265 : vector<16xi32>
        tpu.vector_store_idx %arg32[%broadcast_in_dim3A_189, %add3A_301], %broadcast_in_dim3A_5 : memref<64x128xf32, #tpu.memory_space<vmem>>[vector<16xi32>, vector<16xi32>], vector<16xf32>,
        %get3A_302 = arith.constant 16 : index
        %get3A_303 = tpu.vector_load %arg20[%get3A_302] {strides = array<i32>} : memref<64xf32, #tpu.memory_space<vmem>>, vector<16xf32>,
        %mul3A_304 = arith.mulf %max3A_298, %get3A_303 : vector<16xf32>
        %add3A_305 = arith.addf %add3A_262, %mul3A_304 : vector<16xf32>
        %add3A_306 = arith.constant 32 : i32
        %add3A_307 = vector.broadcast %add3A_306 : i32 to vector<16xi32>
        %add3A_308 = arith.addi %add3A_307, %iota3A : vector<16xi32>
        %add3A_309 = arith.addi %mul3A_193, %add3A_308 : vector<16xi32>
        %gather3A_310 = tpu.vector_load_idx %arg18[%add3A_309] : memref<256xf32, #tpu.memory_space<vmem>>[vector<16xi32>], vector<16xf32>,
        %get3A_311 = arith.constant 0 : i32
        %get3A_312 = arith.index_cast %get3A_311 : i32 to index
        %get3A_313 = arith.constant 32 : index
        %get3A_314 = tpu.vector_load %arg19[%get3A_312, %get3A_313] {strides = array<i32>} : memref<4x64xf32, #tpu.memory_space<vmem>>, vector<16xf32>,
        %mul3A_315 = arith.mulf %gather3A_209, %get3A_314 : vector<16xf32>
        %add3A_316 = arith.addf %gather3A_310, %mul3A_315 : vector<16xf32>
        %get3A_317 = arith.constant 1 : i32
        %get3A_318 = arith.index_cast %get3A_317 : i32 to index
        %get3A_319 = arith.constant 32 : index
        %get3A_320 = tpu.vector_load %arg19[%get3A_318, %get3A_319] {strides = array<i32>} : memref<4x64xf32, #tpu.memory_space<vmem>>, vector<16xf32>,
        %mul3A_321 = arith.mulf %gather3A_213, %get3A_320 : vector<16xf32>
        %add3A_322 = arith.addf %add3A_316, %mul3A_321 : vector<16xf32>
        %get3A_323 = arith.constant 2 : i32
        %get3A_324 = arith.index_cast %get3A_323 : i32 to index
        %get3A_325 = arith.constant 32 : index
        %get3A_326 = tpu.vector_load %arg19[%get3A_324, %get3A_325] {strides = array<i32>} : memref<4x64xf32, #tpu.memory_space<vmem>>, vector<16xf32>,
        %mul3A_327 = arith.mulf %gather3A_217, %get3A_326 : vector<16xf32>
        %add3A_328 = arith.addf %add3A_322, %mul3A_327 : vector<16xf32>
        %get3A_329 = arith.constant 3 : i32
        %get3A_330 = arith.index_cast %get3A_329 : i32 to index
        %get3A_331 = arith.constant 32 : index
        %get3A_332 = tpu.vector_load %arg19[%get3A_330, %get3A_331] {strides = array<i32>} : memref<4x64xf32, #tpu.memory_space<vmem>>, vector<16xf32>,
        %mul3A_333 = arith.mulf %gather3A_221, %get3A_332 : vector<16xf32>
        %add3A_334 = arith.addf %add3A_328, %mul3A_333 : vector<16xf32>
        %add3A_335 = vector.broadcast %mul3A_22 : i32 to vector<16xi32>
        %add3A_336 = arith.addi %add3A_335, %add3A_308 : vector<16xi32>
        %gather3A_337 = tpu.vector_load_idx %arg25[%broadcast_in_dim3A_189, %add3A_336] : memref<64x128xf32, #tpu.memory_space<vmem>>[vector<16xi32>, vector<16xi32>], vector<16xf32>,
        %add3A_338 = arith.addf %gather3A_337, %add3A_334 : vector<16xf32>
        %max3A_339 = arith.constant 0.000000e+00 : f32
        %max3A_340 = vector.broadcast %max3A_339 : f32 to vector<16xf32>
        %max3A_341 = arith.maximumf %add3A_338, %max3A_340 : vector<16xf32>
        %add3A_342 = arith.addi %mul3A_199, %add3A_308 : vector<16xi32>
        %mul3A_343 = arith.mulf %max3A_341, %gather3A : vector<16xf32>
        tpu.vector_store_idx %arg32[%broadcast_in_dim3A_189, %add3A_342], %mul3A_343 : memref<64x128xf32, #tpu.memory_space<vmem>>[vector<16xi32>, vector<16xi32>], vector<16xf32>,
        %add3A_344 = arith.addi %sub3A_201, %add3A_308 : vector<16xi32>
        tpu.vector_store_idx %arg32[%broadcast_in_dim3A_189, %add3A_344], %broadcast_in_dim3A_5 : memref<64x128xf32, #tpu.memory_space<vmem>>[vector<16xi32>, vector<16xi32>], vector<16xf32>,
        %get3A_345 = arith.constant 32 : index
        %get3A_346 = tpu.vector_load %arg20[%get3A_345] {strides = array<i32>} : memref<64xf32, #tpu.memory_space<vmem>>, vector<16xf32>,
        %mul3A_347 = arith.mulf %max3A_341, %get3A_346 : vector<16xf32>
        %add3A_348 = arith.addf %add3A_305, %mul3A_347 : vector<16xf32>
        %add3A_349 = arith.constant 48 : i32
        %add3A_350 = vector.broadcast %add3A_349 : i32 to vector<16xi32>
        %add3A_351 = arith.addi %add3A_350, %iota3A : vector<16xi32>
        %add3A_352 = arith.addi %mul3A_193, %add3A_351 : vector<16xi32>
        %gather3A_353 = tpu.vector_load_idx %arg18[%add3A_352] : memref<256xf32, #tpu.memory_space<vmem>>[vector<16xi32>], vector<16xf32>,
        %get3A_354 = arith.constant 0 : i32
        %get3A_355 = arith.index_cast %get3A_354 : i32 to index
        %get3A_356 = arith.constant 48 : index
        %get3A_357 = tpu.vector_load %arg19[%get3A_355, %get3A_356] {strides = array<i32>} : memref<4x64xf32, #tpu.memory_space<vmem>>, vector<16xf32>,
        %mul3A_358 = arith.mulf %gather3A_209, %get3A_357 : vector<16xf32>
        %add3A_359 = arith.addf %gather3A_353, %mul3A_358 : vector<16xf32>
        %get3A_360 = arith.constant 1 : i32
        %get3A_361 = arith.index_cast %get3A_360 : i32 to index
        %get3A_362 = arith.constant 48 : index
        %get3A_363 = tpu.vector_load %arg19[%get3A_361, %get3A_362] {strides = array<i32>} : memref<4x64xf32, #tpu.memory_space<vmem>>, vector<16xf32>,
        %mul3A_364 = arith.mulf %gather3A_213, %get3A_363 : vector<16xf32>
        %add3A_365 = arith.addf %add3A_359, %mul3A_364 : vector<16xf32>
        %get3A_366 = arith.constant 2 : i32
        %get3A_367 = arith.index_cast %get3A_366 : i32 to index
        %get3A_368 = arith.constant 48 : index
        %get3A_369 = tpu.vector_load %arg19[%get3A_367, %get3A_368] {strides = array<i32>} : memref<4x64xf32, #tpu.memory_space<vmem>>, vector<16xf32>,
        %mul3A_370 = arith.mulf %gather3A_217, %get3A_369 : vector<16xf32>
        %add3A_371 = arith.addf %add3A_365, %mul3A_370 : vector<16xf32>
        %get3A_372 = arith.constant 3 : i32
        %get3A_373 = arith.index_cast %get3A_372 : i32 to index
        %get3A_374 = arith.constant 48 : index
        %get3A_375 = tpu.vector_load %arg19[%get3A_373, %get3A_374] {strides = array<i32>} : memref<4x64xf32, #tpu.memory_space<vmem>>, vector<16xf32>,
        %mul3A_376 = arith.mulf %gather3A_221, %get3A_375 : vector<16xf32>
        %add3A_377 = arith.addf %add3A_371, %mul3A_376 : vector<16xf32>
        %add3A_378 = vector.broadcast %mul3A_22 : i32 to vector<16xi32>
        %add3A_379 = arith.addi %add3A_378, %add3A_351 : vector<16xi32>
        %gather3A_380 = tpu.vector_load_idx %arg25[%broadcast_in_dim3A_189, %add3A_379] : memref<64x128xf32, #tpu.memory_space<vmem>>[vector<16xi32>, vector<16xi32>], vector<16xf32>,
        %add3A_381 = arith.addf %gather3A_380, %add3A_377 : vector<16xf32>
        %max3A_382 = arith.constant 0.000000e+00 : f32
        %max3A_383 = vector.broadcast %max3A_382 : f32 to vector<16xf32>
        %max3A_384 = arith.maximumf %add3A_381, %max3A_383 : vector<16xf32>
        %add3A_385 = arith.addi %mul3A_199, %add3A_351 : vector<16xi32>
        %mul3A_386 = arith.mulf %max3A_384, %gather3A : vector<16xf32>
        tpu.vector_store_idx %arg32[%broadcast_in_dim3A_189, %add3A_385], %mul3A_386 : memref<64x128xf32, #tpu.memory_space<vmem>>[vector<16xi32>, vector<16xi32>], vector<16xf32>,
        %add3A_387 = arith.addi %sub3A_201, %add3A_351 : vector<16xi32>
        tpu.vector_store_idx %arg32[%broadcast_in_dim3A_189, %add3A_387], %broadcast_in_dim3A_5 : memref<64x128xf32, #tpu.memory_space<vmem>>[vector<16xi32>, vector<16xi32>], vector<16xf32>,
        %get3A_388 = arith.constant 48 : index
        %get3A_389 = tpu.vector_load %arg20[%get3A_388] {strides = array<i32>} : memref<64xf32, #tpu.memory_space<vmem>>, vector<16xf32>,
        %mul3A_390 = arith.mulf %max3A_384, %get3A_389 : vector<16xf32>
        %add3A_391 = arith.addf %add3A_348, %mul3A_390 : vector<16xf32>
        %broadcast_in_dim3A_392 = arith.constant true
        %broadcast_in_dim3A_393 = vector.broadcast %broadcast_in_dim3A_392 : i1 to vector<16xi1>
        %masked_cumsum3A = tpu.scan <sum>, %add3A_391 masked %broadcast_in_dim3A_393 : vector<16xf32>, vector<16xi1> -> vector<16xf32>
        %eq3A_394 = arith.constant 15 : i32
        %eq3A_395 = vector.broadcast %eq3A_394 : i32 to vector<16xi32>
        %eq3A_396 = arith.cmpi eq, %iota3A, %eq3A_395 : vector<16xi32>
        tpu.vector_store_idx %arg36[%broadcast_in_dim3A_189], %masked_cumsum3A masked %eq3A_396 : memref<64xf32, #tpu.memory_space<vmem>>[vector<16xi32>], vector<16xf32>, vector<16xi1>
        %mul3A_397 = arith.constant 2 : i32
        %mul3A_398 = arith.muli %scan3A_183, %mul3A_397 : i32
        %add3A_399 = arith.constant 1 : i32
        %add3A_400 = arith.addi %mul3A_398, %add3A_399 : i32
        %broadcast_in_dim3A_401 = vector.broadcast %add3A_400 : i32 to vector<16xi32>
        %gather3A_402 = tpu.vector_load_idx %arg35[%broadcast_in_dim3A_401] : memref<64xf32, #tpu.memory_space<vmem>>[vector<16xi32>], vector<16xf32>,
        %gather3A_403 = tpu.vector_load_idx %arg23[%broadcast_in_dim3A_401] : memref<64xi32, #tpu.memory_space<vmem>>[vector<16xi32>], vector<16xi32>,
        %mul3A_404 = arith.constant 64 : i32
        %mul3A_405 = vector.broadcast %mul3A_404 : i32 to vector<16xi32>
        %mul3A_406 = arith.muli %gather3A_403, %mul3A_405 : vector<16xi32>
        %gather3A_407 = tpu.vector_load_idx %arg22[%broadcast_in_dim3A_401] : memref<64xi32, #tpu.memory_space<vmem>>[vector<16xi32>], vector<16xi32>,
        %rem3A_408 = arith.constant 2 : i32
        %rem3A_409 = vector.broadcast %rem3A_408 : i32 to vector<16xi32>
        %rem3A_410 = arith.remsi %gather3A_407, %rem3A_409 : vector<16xi32>
        %mul3A_411 = arith.constant 64 : i32
        %mul3A_412 = vector.broadcast %mul3A_411 : i32 to vector<16xi32>
        %mul3A_413 = arith.muli %rem3A_410, %mul3A_412 : vector<16xi32>
        %sub3A_414 = arith.constant 64 : i32
        %sub3A_415 = vector.broadcast %sub3A_414 : i32 to vector<16xi32>
        %sub3A_416 = arith.subi %sub3A_415, %mul3A_413 : vector<16xi32>
        %shift_right_logical3A_417 = arith.constant 7 : i32
        %shift_right_logical3A_418 = vector.broadcast %shift_right_logical3A_417 : i32 to vector<16xi32>
        %shift_right_logical3A_419 = arith.shrui %gather3A_407, %shift_right_logical3A_418 : vector<16xi32>
        %rem3A_420 = arith.constant 128 : i32
        %rem3A_421 = vector.broadcast %rem3A_420 : i32 to vector<16xi32>
        %rem3A_422 = arith.remsi %gather3A_407, %rem3A_421 : vector<16xi32>
        %gather3A_423 = tpu.vector_load_idx %arg33[%shift_right_logical3A_419, %rem3A_422] : memref<80x128xf32, #tpu.memory_space<vmem>>[vector<16xi32>, vector<16xi32>], vector<16xf32>,
        %add3A_424 = arith.addf %gather3A_423, %gather3A_402 : vector<16xf32>
        tpu.vector_store_idx %arg33[%shift_right_logical3A_419, %rem3A_422], %add3A_424 : memref<80x128xf32, #tpu.memory_space<vmem>>[vector<16xi32>, vector<16xi32>], vector<16xf32>,
        %gather3A_425 = tpu.vector_load_idx %arg24[%broadcast_in_dim3A_401, %broadcast_in_dim3A_3] : memref<64x4xf32, #tpu.memory_space<vmem>>[vector<16xi32>, vector<16xi32>], vector<16xf32>,
        %add3A_426 = arith.constant 1 : i32
        %add3A_427 = vector.broadcast %add3A_426 : i32 to vector<16xi32>
        %add3A_428 = arith.addi %broadcast_in_dim3A_3, %add3A_427 : vector<16xi32>
        %gather3A_429 = tpu.vector_load_idx %arg24[%broadcast_in_dim3A_401, %add3A_428] : memref<64x4xf32, #tpu.memory_space<vmem>>[vector<16xi32>, vector<16xi32>], vector<16xf32>,
        %add3A_430 = arith.constant 2 : i32
        %add3A_431 = vector.broadcast %add3A_430 : i32 to vector<16xi32>
        %add3A_432 = arith.addi %broadcast_in_dim3A_3, %add3A_431 : vector<16xi32>
        %gather3A_433 = tpu.vector_load_idx %arg24[%broadcast_in_dim3A_401, %add3A_432] : memref<64x4xf32, #tpu.memory_space<vmem>>[vector<16xi32>, vector<16xi32>], vector<16xf32>,
        %add3A_434 = arith.constant 3 : i32
        %add3A_435 = vector.broadcast %add3A_434 : i32 to vector<16xi32>
        %add3A_436 = arith.addi %broadcast_in_dim3A_3, %add3A_435 : vector<16xi32>
        %gather3A_437 = tpu.vector_load_idx %arg24[%broadcast_in_dim3A_401, %add3A_436] : memref<64x4xf32, #tpu.memory_space<vmem>>[vector<16xi32>, vector<16xi32>], vector<16xf32>,
        %add3A_438 = arith.constant 0 : i32
        %add3A_439 = vector.broadcast %add3A_438 : i32 to vector<16xi32>
        %add3A_440 = arith.addi %add3A_439, %iota3A : vector<16xi32>
        %add3A_441 = arith.addi %mul3A_406, %add3A_440 : vector<16xi32>
        %gather3A_442 = tpu.vector_load_idx %arg18[%add3A_441] : memref<256xf32, #tpu.memory_space<vmem>>[vector<16xi32>], vector<16xf32>,
        %get3A_443 = arith.constant 0 : i32
        %get3A_444 = arith.index_cast %get3A_443 : i32 to index
        %get3A_445 = arith.constant 0 : index
        %get3A_446 = tpu.vector_load %arg19[%get3A_444, %get3A_445] {strides = array<i32>} : memref<4x64xf32, #tpu.memory_space<vmem>>, vector<16xf32>,
        %mul3A_447 = arith.mulf %gather3A_425, %get3A_446 : vector<16xf32>
        %add3A_448 = arith.addf %gather3A_442, %mul3A_447 : vector<16xf32>
        %get3A_449 = arith.constant 1 : i32
        %get3A_450 = arith.index_cast %get3A_449 : i32 to index
        %get3A_451 = arith.constant 0 : index
        %get3A_452 = tpu.vector_load %arg19[%get3A_450, %get3A_451] {strides = array<i32>} : memref<4x64xf32, #tpu.memory_space<vmem>>, vector<16xf32>,
        %mul3A_453 = arith.mulf %gather3A_429, %get3A_452 : vector<16xf32>
        %add3A_454 = arith.addf %add3A_448, %mul3A_453 : vector<16xf32>
        %get3A_455 = arith.constant 2 : i32
        %get3A_456 = arith.index_cast %get3A_455 : i32 to index
        %get3A_457 = arith.constant 0 : index
        %get3A_458 = tpu.vector_load %arg19[%get3A_456, %get3A_457] {strides = array<i32>} : memref<4x64xf32, #tpu.memory_space<vmem>>, vector<16xf32>,
        %mul3A_459 = arith.mulf %gather3A_433, %get3A_458 : vector<16xf32>
        %add3A_460 = arith.addf %add3A_454, %mul3A_459 : vector<16xf32>
        %get3A_461 = arith.constant 3 : i32
        %get3A_462 = arith.index_cast %get3A_461 : i32 to index
        %get3A_463 = arith.constant 0 : index
        %get3A_464 = tpu.vector_load %arg19[%get3A_462, %get3A_463] {strides = array<i32>} : memref<4x64xf32, #tpu.memory_space<vmem>>, vector<16xf32>,
        %mul3A_465 = arith.mulf %gather3A_437, %get3A_464 : vector<16xf32>
        %add3A_466 = arith.addf %add3A_460, %mul3A_465 : vector<16xf32>
        %add3A_467 = vector.broadcast %mul3A_22 : i32 to vector<16xi32>
        %add3A_468 = arith.addi %add3A_467, %add3A_440 : vector<16xi32>
        %gather3A_469 = tpu.vector_load_idx %arg25[%broadcast_in_dim3A_401, %add3A_468] : memref<64x128xf32, #tpu.memory_space<vmem>>[vector<16xi32>, vector<16xi32>], vector<16xf32>,
        %add3A_470 = arith.addf %gather3A_469, %add3A_466 : vector<16xf32>
        %max3A_471 = arith.constant 0.000000e+00 : f32
        %max3A_472 = vector.broadcast %max3A_471 : f32 to vector<16xf32>
        %max3A_473 = arith.maximumf %add3A_470, %max3A_472 : vector<16xf32>
        %add3A_474 = arith.addi %mul3A_413, %add3A_440 : vector<16xi32>
        %mul3A_475 = arith.mulf %max3A_473, %gather3A_402 : vector<16xf32>
        tpu.vector_store_idx %arg32[%broadcast_in_dim3A_401, %add3A_474], %mul3A_475 : memref<64x128xf32, #tpu.memory_space<vmem>>[vector<16xi32>, vector<16xi32>], vector<16xf32>,
        %add3A_476 = arith.addi %sub3A_416, %add3A_440 : vector<16xi32>
        tpu.vector_store_idx %arg32[%broadcast_in_dim3A_401, %add3A_476], %broadcast_in_dim3A_5 : memref<64x128xf32, #tpu.memory_space<vmem>>[vector<16xi32>, vector<16xi32>], vector<16xf32>,
        %get3A_477 = arith.constant 0 : index
        %get3A_478 = tpu.vector_load %arg20[%get3A_477] {strides = array<i32>} : memref<64xf32, #tpu.memory_space<vmem>>, vector<16xf32>,
        %mul3A_479 = arith.mulf %max3A_473, %get3A_478 : vector<16xf32>
        %add3A_480 = arith.addf %broadcast_in_dim3A_5, %mul3A_479 : vector<16xf32>
        %add3A_481 = arith.constant 16 : i32
        %add3A_482 = vector.broadcast %add3A_481 : i32 to vector<16xi32>
        %add3A_483 = arith.addi %add3A_482, %iota3A : vector<16xi32>
        %add3A_484 = arith.addi %mul3A_406, %add3A_483 : vector<16xi32>
        %gather3A_485 = tpu.vector_load_idx %arg18[%add3A_484] : memref<256xf32, #tpu.memory_space<vmem>>[vector<16xi32>], vector<16xf32>,
        %get3A_486 = arith.constant 0 : i32
        %get3A_487 = arith.index_cast %get3A_486 : i32 to index
        %get3A_488 = arith.constant 16 : index
        %get3A_489 = tpu.vector_load %arg19[%get3A_487, %get3A_488] {strides = array<i32>} : memref<4x64xf32, #tpu.memory_space<vmem>>, vector<16xf32>,
        %mul3A_490 = arith.mulf %gather3A_425, %get3A_489 : vector<16xf32>
        %add3A_491 = arith.addf %gather3A_485, %mul3A_490 : vector<16xf32>
        %get3A_492 = arith.constant 1 : i32
        %get3A_493 = arith.index_cast %get3A_492 : i32 to index
        %get3A_494 = arith.constant 16 : index
        %get3A_495 = tpu.vector_load %arg19[%get3A_493, %get3A_494] {strides = array<i32>} : memref<4x64xf32, #tpu.memory_space<vmem>>, vector<16xf32>,
        %mul3A_496 = arith.mulf %gather3A_429, %get3A_495 : vector<16xf32>
        %add3A_497 = arith.addf %add3A_491, %mul3A_496 : vector<16xf32>
        %get3A_498 = arith.constant 2 : i32
        %get3A_499 = arith.index_cast %get3A_498 : i32 to index
        %get3A_500 = arith.constant 16 : index
        %get3A_501 = tpu.vector_load %arg19[%get3A_499, %get3A_500] {strides = array<i32>} : memref<4x64xf32, #tpu.memory_space<vmem>>, vector<16xf32>,
        %mul3A_502 = arith.mulf %gather3A_433, %get3A_501 : vector<16xf32>
        %add3A_503 = arith.addf %add3A_497, %mul3A_502 : vector<16xf32>
        %get3A_504 = arith.constant 3 : i32
        %get3A_505 = arith.index_cast %get3A_504 : i32 to index
        %get3A_506 = arith.constant 16 : index
        %get3A_507 = tpu.vector_load %arg19[%get3A_505, %get3A_506] {strides = array<i32>} : memref<4x64xf32, #tpu.memory_space<vmem>>, vector<16xf32>,
        %mul3A_508 = arith.mulf %gather3A_437, %get3A_507 : vector<16xf32>
        %add3A_509 = arith.addf %add3A_503, %mul3A_508 : vector<16xf32>
        %add3A_510 = vector.broadcast %mul3A_22 : i32 to vector<16xi32>
        %add3A_511 = arith.addi %add3A_510, %add3A_483 : vector<16xi32>
        %gather3A_512 = tpu.vector_load_idx %arg25[%broadcast_in_dim3A_401, %add3A_511] : memref<64x128xf32, #tpu.memory_space<vmem>>[vector<16xi32>, vector<16xi32>], vector<16xf32>,
        %add3A_513 = arith.addf %gather3A_512, %add3A_509 : vector<16xf32>
        %max3A_514 = arith.constant 0.000000e+00 : f32
        %max3A_515 = vector.broadcast %max3A_514 : f32 to vector<16xf32>
        %max3A_516 = arith.maximumf %add3A_513, %max3A_515 : vector<16xf32>
        %add3A_517 = arith.addi %mul3A_413, %add3A_483 : vector<16xi32>
        %mul3A_518 = arith.mulf %max3A_516, %gather3A_402 : vector<16xf32>
        tpu.vector_store_idx %arg32[%broadcast_in_dim3A_401, %add3A_517], %mul3A_518 : memref<64x128xf32, #tpu.memory_space<vmem>>[vector<16xi32>, vector<16xi32>], vector<16xf32>,
        %add3A_519 = arith.addi %sub3A_416, %add3A_483 : vector<16xi32>
        tpu.vector_store_idx %arg32[%broadcast_in_dim3A_401, %add3A_519], %broadcast_in_dim3A_5 : memref<64x128xf32, #tpu.memory_space<vmem>>[vector<16xi32>, vector<16xi32>], vector<16xf32>,
        %get3A_520 = arith.constant 16 : index
        %get3A_521 = tpu.vector_load %arg20[%get3A_520] {strides = array<i32>} : memref<64xf32, #tpu.memory_space<vmem>>, vector<16xf32>,
        %mul3A_522 = arith.mulf %max3A_516, %get3A_521 : vector<16xf32>
        %add3A_523 = arith.addf %add3A_480, %mul3A_522 : vector<16xf32>
        %add3A_524 = arith.constant 32 : i32
        %add3A_525 = vector.broadcast %add3A_524 : i32 to vector<16xi32>
        %add3A_526 = arith.addi %add3A_525, %iota3A : vector<16xi32>
        %add3A_527 = arith.addi %mul3A_406, %add3A_526 : vector<16xi32>
        %gather3A_528 = tpu.vector_load_idx %arg18[%add3A_527] : memref<256xf32, #tpu.memory_space<vmem>>[vector<16xi32>], vector<16xf32>,
        %get3A_529 = arith.constant 0 : i32
        %get3A_530 = arith.index_cast %get3A_529 : i32 to index
        %get3A_531 = arith.constant 32 : index
        %get3A_532 = tpu.vector_load %arg19[%get3A_530, %get3A_531] {strides = array<i32>} : memref<4x64xf32, #tpu.memory_space<vmem>>, vector<16xf32>,
        %mul3A_533 = arith.mulf %gather3A_425, %get3A_532 : vector<16xf32>
        %add3A_534 = arith.addf %gather3A_528, %mul3A_533 : vector<16xf32>
        %get3A_535 = arith.constant 1 : i32
        %get3A_536 = arith.index_cast %get3A_535 : i32 to index
        %get3A_537 = arith.constant 32 : index
        %get3A_538 = tpu.vector_load %arg19[%get3A_536, %get3A_537] {strides = array<i32>} : memref<4x64xf32, #tpu.memory_space<vmem>>, vector<16xf32>,
        %mul3A_539 = arith.mulf %gather3A_429, %get3A_538 : vector<16xf32>
        %add3A_540 = arith.addf %add3A_534, %mul3A_539 : vector<16xf32>
        %get3A_541 = arith.constant 2 : i32
        %get3A_542 = arith.index_cast %get3A_541 : i32 to index
        %get3A_543 = arith.constant 32 : index
        %get3A_544 = tpu.vector_load %arg19[%get3A_542, %get3A_543] {strides = array<i32>} : memref<4x64xf32, #tpu.memory_space<vmem>>, vector<16xf32>,
        %mul3A_545 = arith.mulf %gather3A_433, %get3A_544 : vector<16xf32>
        %add3A_546 = arith.addf %add3A_540, %mul3A_545 : vector<16xf32>
        %get3A_547 = arith.constant 3 : i32
        %get3A_548 = arith.index_cast %get3A_547 : i32 to index
        %get3A_549 = arith.constant 32 : index
        %get3A_550 = tpu.vector_load %arg19[%get3A_548, %get3A_549] {strides = array<i32>} : memref<4x64xf32, #tpu.memory_space<vmem>>, vector<16xf32>,
        %mul3A_551 = arith.mulf %gather3A_437, %get3A_550 : vector<16xf32>
        %add3A_552 = arith.addf %add3A_546, %mul3A_551 : vector<16xf32>
        %add3A_553 = vector.broadcast %mul3A_22 : i32 to vector<16xi32>
        %add3A_554 = arith.addi %add3A_553, %add3A_526 : vector<16xi32>
        %gather3A_555 = tpu.vector_load_idx %arg25[%broadcast_in_dim3A_401, %add3A_554] : memref<64x128xf32, #tpu.memory_space<vmem>>[vector<16xi32>, vector<16xi32>], vector<16xf32>,
        %add3A_556 = arith.addf %gather3A_555, %add3A_552 : vector<16xf32>
        %max3A_557 = arith.constant 0.000000e+00 : f32
        %max3A_558 = vector.broadcast %max3A_557 : f32 to vector<16xf32>
        %max3A_559 = arith.maximumf %add3A_556, %max3A_558 : vector<16xf32>
        %add3A_560 = arith.addi %mul3A_413, %add3A_526 : vector<16xi32>
        %mul3A_561 = arith.mulf %max3A_559, %gather3A_402 : vector<16xf32>
        tpu.vector_store_idx %arg32[%broadcast_in_dim3A_401, %add3A_560], %mul3A_561 : memref<64x128xf32, #tpu.memory_space<vmem>>[vector<16xi32>, vector<16xi32>], vector<16xf32>,
        %add3A_562 = arith.addi %sub3A_416, %add3A_526 : vector<16xi32>
        tpu.vector_store_idx %arg32[%broadcast_in_dim3A_401, %add3A_562], %broadcast_in_dim3A_5 : memref<64x128xf32, #tpu.memory_space<vmem>>[vector<16xi32>, vector<16xi32>], vector<16xf32>,
        %get3A_563 = arith.constant 32 : index
        %get3A_564 = tpu.vector_load %arg20[%get3A_563] {strides = array<i32>} : memref<64xf32, #tpu.memory_space<vmem>>, vector<16xf32>,
        %mul3A_565 = arith.mulf %max3A_559, %get3A_564 : vector<16xf32>
        %add3A_566 = arith.addf %add3A_523, %mul3A_565 : vector<16xf32>
        %add3A_567 = arith.constant 48 : i32
        %add3A_568 = vector.broadcast %add3A_567 : i32 to vector<16xi32>
        %add3A_569 = arith.addi %add3A_568, %iota3A : vector<16xi32>
        %add3A_570 = arith.addi %mul3A_406, %add3A_569 : vector<16xi32>
        %gather3A_571 = tpu.vector_load_idx %arg18[%add3A_570] : memref<256xf32, #tpu.memory_space<vmem>>[vector<16xi32>], vector<16xf32>,
        %get3A_572 = arith.constant 0 : i32
        %get3A_573 = arith.index_cast %get3A_572 : i32 to index
        %get3A_574 = arith.constant 48 : index
        %get3A_575 = tpu.vector_load %arg19[%get3A_573, %get3A_574] {strides = array<i32>} : memref<4x64xf32, #tpu.memory_space<vmem>>, vector<16xf32>,
        %mul3A_576 = arith.mulf %gather3A_425, %get3A_575 : vector<16xf32>
        %add3A_577 = arith.addf %gather3A_571, %mul3A_576 : vector<16xf32>
        %get3A_578 = arith.constant 1 : i32
        %get3A_579 = arith.index_cast %get3A_578 : i32 to index
        %get3A_580 = arith.constant 48 : index
        %get3A_581 = tpu.vector_load %arg19[%get3A_579, %get3A_580] {strides = array<i32>} : memref<4x64xf32, #tpu.memory_space<vmem>>, vector<16xf32>,
        %mul3A_582 = arith.mulf %gather3A_429, %get3A_581 : vector<16xf32>
        %add3A_583 = arith.addf %add3A_577, %mul3A_582 : vector<16xf32>
        %get3A_584 = arith.constant 2 : i32
        %get3A_585 = arith.index_cast %get3A_584 : i32 to index
        %get3A_586 = arith.constant 48 : index
        %get3A_587 = tpu.vector_load %arg19[%get3A_585, %get3A_586] {strides = array<i32>} : memref<4x64xf32, #tpu.memory_space<vmem>>, vector<16xf32>,
        %mul3A_588 = arith.mulf %gather3A_433, %get3A_587 : vector<16xf32>
        %add3A_589 = arith.addf %add3A_583, %mul3A_588 : vector<16xf32>
        %get3A_590 = arith.constant 3 : i32
        %get3A_591 = arith.index_cast %get3A_590 : i32 to index
        %get3A_592 = arith.constant 48 : index
        %get3A_593 = tpu.vector_load %arg19[%get3A_591, %get3A_592] {strides = array<i32>} : memref<4x64xf32, #tpu.memory_space<vmem>>, vector<16xf32>,
        %mul3A_594 = arith.mulf %gather3A_437, %get3A_593 : vector<16xf32>
        %add3A_595 = arith.addf %add3A_589, %mul3A_594 : vector<16xf32>
        %add3A_596 = vector.broadcast %mul3A_22 : i32 to vector<16xi32>
        %add3A_597 = arith.addi %add3A_596, %add3A_569 : vector<16xi32>
        %gather3A_598 = tpu.vector_load_idx %arg25[%broadcast_in_dim3A_401, %add3A_597] : memref<64x128xf32, #tpu.memory_space<vmem>>[vector<16xi32>, vector<16xi32>], vector<16xf32>,
        %add3A_599 = arith.addf %gather3A_598, %add3A_595 : vector<16xf32>
        %max3A_600 = arith.constant 0.000000e+00 : f32
        %max3A_601 = vector.broadcast %max3A_600 : f32 to vector<16xf32>
        %max3A_602 = arith.maximumf %add3A_599, %max3A_601 : vector<16xf32>
        %add3A_603 = arith.addi %mul3A_413, %add3A_569 : vector<16xi32>
        %mul3A_604 = arith.mulf %max3A_602, %gather3A_402 : vector<16xf32>
        tpu.vector_store_idx %arg32[%broadcast_in_dim3A_401, %add3A_603], %mul3A_604 : memref<64x128xf32, #tpu.memory_space<vmem>>[vector<16xi32>, vector<16xi32>], vector<16xf32>,
        %add3A_605 = arith.addi %sub3A_416, %add3A_569 : vector<16xi32>
        tpu.vector_store_idx %arg32[%broadcast_in_dim3A_401, %add3A_605], %broadcast_in_dim3A_5 : memref<64x128xf32, #tpu.memory_space<vmem>>[vector<16xi32>, vector<16xi32>], vector<16xf32>,
        %get3A_606 = arith.constant 48 : index
        %get3A_607 = tpu.vector_load %arg20[%get3A_606] {strides = array<i32>} : memref<64xf32, #tpu.memory_space<vmem>>, vector<16xf32>,
        %mul3A_608 = arith.mulf %max3A_602, %get3A_607 : vector<16xf32>
        %add3A_609 = arith.addf %add3A_566, %mul3A_608 : vector<16xf32>
        %broadcast_in_dim3A_610 = arith.constant true
        %broadcast_in_dim3A_611 = vector.broadcast %broadcast_in_dim3A_610 : i1 to vector<16xi1>
        %masked_cumsum3A_612 = tpu.scan <sum>, %add3A_609 masked %broadcast_in_dim3A_611 : vector<16xf32>, vector<16xi1> -> vector<16xf32>
        %eq3A_613 = arith.constant 15 : i32
        %eq3A_614 = vector.broadcast %eq3A_613 : i32 to vector<16xi32>
        %eq3A_615 = arith.cmpi eq, %iota3A, %eq3A_614 : vector<16xi32>
        tpu.vector_store_idx %arg36[%broadcast_in_dim3A_401], %masked_cumsum3A_612 masked %eq3A_615 : memref<64xf32, #tpu.memory_space<vmem>>[vector<16xi32>], vector<16xf32>, vector<16xi1>
        %scan3A_616 = arith.constant 0 : i32
        scf.yield %scan3A_616 : i32
      }
      %scan3A_120 = arith.constant 32 : i32
      %dma_start3A_121 = arith.constant 0 : i32
      %dma_start3A_122 = arith.constant 0 : i32
      %dma_start3A_123 = tpu.memref_slice %arg37[%dma_start3A_121, %dma_start3A_122] : memref<5120x128xf32, #tpu.memory_space<vmem_shared>> -> memref<5120x128xf32, #tpu.memory_space<vmem_shared>>
      tpu.enqueue_indirect_dma source(%arg32 : memref<64x128xf32, #tpu.memory_space<vmem>>) target(%dma_start3A_123 : memref<5120x128xf32, #tpu.memory_space<vmem_shared>>) offsets(%arg31 : memref<64xi32, #tpu.memory_space<vmem>>) semaphore(%arg43 : memref<!tpu.dma_semaphore, #tpu.memory_space<semaphore_mem>>) {add = true}
      %mul3A_124 = arith.constant 64 : i32
      %mul3A_125 = arith.muli %mul3A_81, %mul3A_124 : i32
      %add3A_126 = arith.addi %add3A, %mul3A_125 : i32
      %dma_start3A_127 = tpu.memref_slice %arg15[%add3A_126] : memref<643072xf32, #tpu.memory_space<hbm>> -> memref<64xf32, #tpu.memory_space<hbm>>
      %dma_start3A_128 = tpu.memref_slice %arg15[%add3A_126] : memref<643072xf32, #tpu.memory_space<hbm>> -> memref<64xf32, #tpu.memory_space<hbm>>
      tpu.enqueue_dma source(%arg36 : memref<64xf32, #tpu.memory_space<vmem>>) target(%dma_start3A_128 : memref<64xf32, #tpu.memory_space<hbm>>) target_semaphore(%arg44 : memref<!tpu.dma_semaphore, #tpu.memory_space<semaphore_mem>>)
      %add3A_129 = arith.constant 2 : i32
      %add3A_130 = arith.addi %mul3A_81, %add3A_129 : i32
      %lt3A = arith.constant 314 : i32
      %lt3A_131 = arith.cmpi slt, %add3A_130, %lt3A : i32
      %convert_element_type3A_132 = arith.extui %lt3A_131 : i1 to i32
      %cond3A_133 = arith.constant 0 : i32
      %cond3A_134 = arith.cmpi ne, %convert_element_type3A_132, %cond3A_133 : i32
      scf.if %cond3A_134 {
        %add3A_183 = arith.constant 2 : i32
        %add3A_184 = arith.addi %mul3A_81, %add3A_183 : i32
        %mul3A_185 = arith.constant 64 : i32
        %mul3A_186 = arith.muli %add3A_184, %mul3A_185 : i32
        %add3A_187 = arith.addi %mul3A_20, %mul3A_186 : i32
        %dma_start3A_188 = tpu.memref_slice %arg5[%add3A_187] : memref<321536xi32, #tpu.memory_space<hbm>> -> memref<64xi32, #tpu.memory_space<hbm>>
        %dma_start3A_189 = tpu.memref_slice %arg5[%add3A_187] : memref<321536xi32, #tpu.memory_space<hbm>> -> memref<64xi32, #tpu.memory_space<hbm>>
        tpu.enqueue_dma source(%dma_start3A_189 : memref<64xi32, #tpu.memory_space<hbm>>) target(%arg21 : memref<64xi32, #tpu.memory_space<vmem>>) target_semaphore(%arg39 : memref<!tpu.dma_semaphore, #tpu.memory_space<semaphore_mem>>)
        %dma_start3A_190 = tpu.memref_slice %arg6[%add3A_187] : memref<321536xi32, #tpu.memory_space<hbm>> -> memref<64xi32, #tpu.memory_space<hbm>>
        %dma_start3A_191 = tpu.memref_slice %arg6[%add3A_187] : memref<321536xi32, #tpu.memory_space<hbm>> -> memref<64xi32, #tpu.memory_space<hbm>>
        tpu.enqueue_dma source(%dma_start3A_191 : memref<64xi32, #tpu.memory_space<hbm>>) target(%arg22 : memref<64xi32, #tpu.memory_space<vmem>>) target_semaphore(%arg39 : memref<!tpu.dma_semaphore, #tpu.memory_space<semaphore_mem>>)
        %dma_start3A_192 = tpu.memref_slice %arg7[%add3A_187] : memref<321536xi32, #tpu.memory_space<hbm>> -> memref<64xi32, #tpu.memory_space<hbm>>
        %dma_start3A_193 = tpu.memref_slice %arg7[%add3A_187] : memref<321536xi32, #tpu.memory_space<hbm>> -> memref<64xi32, #tpu.memory_space<hbm>>
        tpu.enqueue_dma source(%dma_start3A_193 : memref<64xi32, #tpu.memory_space<hbm>>) target(%arg23 : memref<64xi32, #tpu.memory_space<vmem>>) target_semaphore(%arg39 : memref<!tpu.dma_semaphore, #tpu.memory_space<semaphore_mem>>)
        %dma_start3A_194 = arith.constant 0 : i32
        %dma_start3A_195 = tpu.memref_slice %arg8[%add3A_187, %dma_start3A_194] : memref<321536x4xf32, #tpu.memory_space<hbm>> -> memref<64x4xf32, #tpu.memory_space<hbm>>
        %dma_start3A_196 = arith.constant 0 : i32
        %dma_start3A_197 = tpu.memref_slice %arg8[%add3A_187, %dma_start3A_196] : memref<321536x4xf32, #tpu.memory_space<hbm>> -> memref<64x4xf32, #tpu.memory_space<hbm>>
        tpu.enqueue_dma source(%dma_start3A_197 : memref<64x4xf32, #tpu.memory_space<hbm>>) target(%arg24 : memref<64x4xf32, #tpu.memory_space<vmem>>) target_semaphore(%arg39 : memref<!tpu.dma_semaphore, #tpu.memory_space<semaphore_mem>>)
      } else {
      }
      %add3A_135 = arith.constant 1 : i32
      %add3A_136 = arith.addi %add3A_83, %add3A_135 : i32
      %lt3A_137 = arith.constant 314 : i32
      %lt3A_138 = arith.cmpi slt, %add3A_136, %lt3A_137 : i32
      %convert_element_type3A_139 = arith.extui %lt3A_138 : i1 to i32
      %cond3A_140 = arith.constant 0 : i32
      %cond3A_141 = arith.cmpi ne, %convert_element_type3A_139, %cond3A_140 : i32
      scf.if %cond3A_141 {
        %dma_wait3A_183 = tpu.memref_slice %arg5[%mul3A_20] : memref<321536xi32, #tpu.memory_space<hbm>> -> memref<64xi32, #tpu.memory_space<hbm>>
        %dma_wait3A_184 = tpu.memref_slice %arg5[%mul3A_20] : memref<321536xi32, #tpu.memory_space<hbm>> -> memref<64xi32, #tpu.memory_space<hbm>>
        tpu.wait_dma2 semaphore(%arg39 : memref<!tpu.dma_semaphore, #tpu.memory_space<semaphore_mem>>) src(%dma_wait3A_184 : memref<64xi32, #tpu.memory_space<hbm>>) dst(%arg21 : memref<64xi32, #tpu.memory_space<vmem>>)
        %dma_wait3A_185 = tpu.memref_slice %arg6[%mul3A_20] : memref<321536xi32, #tpu.memory_space<hbm>> -> memref<64xi32, #tpu.memory_space<hbm>>
        %dma_wait3A_186 = tpu.memref_slice %arg6[%mul3A_20] : memref<321536xi32, #tpu.memory_space<hbm>> -> memref<64xi32, #tpu.memory_space<hbm>>
        tpu.wait_dma2 semaphore(%arg39 : memref<!tpu.dma_semaphore, #tpu.memory_space<semaphore_mem>>) src(%dma_wait3A_186 : memref<64xi32, #tpu.memory_space<hbm>>) dst(%arg22 : memref<64xi32, #tpu.memory_space<vmem>>)
        %dma_wait3A_187 = tpu.memref_slice %arg7[%mul3A_20] : memref<321536xi32, #tpu.memory_space<hbm>> -> memref<64xi32, #tpu.memory_space<hbm>>
        %dma_wait3A_188 = tpu.memref_slice %arg7[%mul3A_20] : memref<321536xi32, #tpu.memory_space<hbm>> -> memref<64xi32, #tpu.memory_space<hbm>>
        tpu.wait_dma2 semaphore(%arg39 : memref<!tpu.dma_semaphore, #tpu.memory_space<semaphore_mem>>) src(%dma_wait3A_188 : memref<64xi32, #tpu.memory_space<hbm>>) dst(%arg23 : memref<64xi32, #tpu.memory_space<vmem>>)
        %dma_wait3A_189 = arith.constant 0 : i32
        %dma_wait3A_190 = tpu.memref_slice %arg8[%mul3A_20, %dma_wait3A_189] : memref<321536x4xf32, #tpu.memory_space<hbm>> -> memref<64x4xf32, #tpu.memory_space<hbm>>
        %dma_wait3A_191 = arith.constant 0 : i32
        %dma_wait3A_192 = tpu.memref_slice %arg8[%mul3A_20, %dma_wait3A_191] : memref<321536x4xf32, #tpu.memory_space<hbm>> -> memref<64x4xf32, #tpu.memory_space<hbm>>
        tpu.wait_dma2 semaphore(%arg39 : memref<!tpu.dma_semaphore, #tpu.memory_space<semaphore_mem>>) src(%dma_wait3A_192 : memref<64x4xf32, #tpu.memory_space<hbm>>) dst(%arg24 : memref<64x4xf32, #tpu.memory_space<vmem>>)
        %dma_start3A_193 = arith.constant 0 : i32
        %dma_start3A_194 = arith.constant 0 : i32
        %dma_start3A_195 = tpu.memref_slice %arg2[%dma_start3A_193, %dma_start3A_194] : memref<10240x128xf32, #tpu.memory_space<hbm>> -> memref<10240x128xf32, #tpu.memory_space<hbm>>
        tpu.enqueue_indirect_dma source(%dma_start3A_195 : memref<10240x128xf32, #tpu.memory_space<hbm>>) target(%arg25 : memref<64x128xf32, #tpu.memory_space<vmem>>) offsets(%arg21 : memref<64xi32, #tpu.memory_space<vmem>>) semaphore(%arg41 : memref<!tpu.dma_semaphore, #tpu.memory_space<semaphore_mem>>)
      } else {
      }
      %dma_wait3A_142 = arith.constant 0 : i32
      %dma_wait3A_143 = arith.constant 0 : i32
      %dma_wait3A_144 = tpu.memref_slice %arg37[%dma_wait3A_142, %dma_wait3A_143] : memref<5120x128xf32, #tpu.memory_space<vmem_shared>> -> memref<5120x128xf32, #tpu.memory_space<vmem_shared>>
      tpu.wait_indirect_dma semaphore(%arg43 : memref<!tpu.dma_semaphore, #tpu.memory_space<semaphore_mem>>) src(%arg32 : memref<64x128xf32, #tpu.memory_space<vmem>>) dst(%dma_wait3A_144 : memref<5120x128xf32, #tpu.memory_space<vmem_shared>>)
      %dma_wait3A_145 = tpu.memref_slice %arg15[%add3A] : memref<643072xf32, #tpu.memory_space<hbm>> -> memref<64xf32, #tpu.memory_space<hbm>>
      %dma_wait3A_146 = tpu.memref_slice %arg15[%add3A] : memref<643072xf32, #tpu.memory_space<hbm>> -> memref<64xf32, #tpu.memory_space<hbm>>
      tpu.wait_dma2 semaphore(%arg44 : memref<!tpu.dma_semaphore, #tpu.memory_space<semaphore_mem>>) src(%arg36 : memref<64xf32, #tpu.memory_space<vmem>>) dst(%dma_wait3A_146 : memref<64xf32, #tpu.memory_space<hbm>>)
      %dma_wait3A_147 = arith.constant 0 : i32
      %dma_wait3A_148 = arith.constant 0 : i32
      %dma_wait3A_149 = tpu.memref_slice %arg2[%dma_wait3A_147, %dma_wait3A_148] : memref<10240x128xf32, #tpu.memory_space<hbm>> -> memref<10240x128xf32, #tpu.memory_space<hbm>>
      tpu.wait_indirect_dma semaphore(%arg42 : memref<!tpu.dma_semaphore, #tpu.memory_space<semaphore_mem>>) src(%dma_wait3A_149 : memref<10240x128xf32, #tpu.memory_space<hbm>>) dst(%arg30 : memref<64x128xf32, #tpu.memory_space<vmem>>)
      %mul3A_150 = arith.constant 64 : i32
      %mul3A_151 = arith.muli %add3A_83, %mul3A_150 : i32
      %add3A_152 = arith.addi %mul3A_20, %mul3A_151 : i32
      %scan3A_153 = arith.constant 0 : i32
      %scan3A_154 = arith.constant 0 : i32
      %scan3A_155 = arith.constant 4 : i32
      %scan3A_156 = arith.addi %scan3A_154, %scan3A_155 : i32
      %scan3A_157 = arith.constant 1 : i32
      %scan3A_158 = scf.for %scan3A_183 = %scan3A_154 to %scan3A_156 step %scan3A_157 iter_args(%scan3A_184 = %scan3A_153) -> (i32)  : i32 {
        %mul3A_185 = arith.constant 16 : i32
        %mul3A_186 = arith.muli %scan3A_183, %mul3A_185 : i32
        %get3A = arith.index_cast %mul3A_186 : i32 to index
        %get3A_187 = tpu.vector_load %arg26[%get3A] {strides = array<i32>} : memref<64xi32, #tpu.memory_space<vmem>>, vector<16xi32>,
        %get3A_188 = arith.index_cast %mul3A_186 : i32 to index
        %get3A_189 = tpu.vector_load %arg27[%get3A_188] {strides = array<i32>} : memref<64xi32, #tpu.memory_space<vmem>>, vector<16xi32>,
        %shift_right_logical3A = arith.constant 1 : i32
        %shift_right_logical3A_190 = vector.broadcast %shift_right_logical3A : i32 to vector<16xi32>
        %shift_right_logical3A_191 = arith.shrui %get3A_189, %shift_right_logical3A_190 : vector<16xi32>
        %swap3A = arith.index_cast %mul3A_186 : i32 to index
        %swap3A_192 = tpu.vector_load %arg31[%swap3A] {strides = array<i32>} : memref<64xi32, #tpu.memory_space<vmem>>, vector<16xi32>,
        tpu.vector_store %arg31[%swap3A], %shift_right_logical3A_191 {strides = array<i32>} : memref<64xi32, #tpu.memory_space<vmem>>, vector<16xi32>,
        %gather3A = tpu.vector_load_idx %arg16[%get3A_187] : memref<10000xf32, #tpu.memory_space<vmem>>[vector<16xi32>], vector<16xf32>,
        %gather3A_193 = tpu.vector_load_idx %arg17[%get3A_189] : memref<10000xf32, #tpu.memory_space<vmem>>[vector<16xi32>], vector<16xf32>,
        %add3A_194 = arith.addf %gather3A, %gather3A_193 : vector<16xf32>
        %mul3A_195 = arith.constant 2.000000e-01 : f32
        %mul3A_196 = vector.broadcast %mul3A_195 : f32 to vector<16xf32>
        %mul3A_197 = arith.mulf %mul3A_196, %add3A_194 : vector<16xf32>
        %max3A = arith.maximumf %add3A_194, %mul3A_197 : vector<16xf32>
        %exp3A = math.exp %max3A : vector<16xf32>
        %mul3A_198 = arith.constant 16 : i32
        %mul3A_199 = arith.muli %scan3A_183, %mul3A_198 : i32
        %add3A_200 = arith.addi %add3A_152, %mul3A_199 : i32
        %add3A_201 = vector.broadcast %add3A_200 : i32 to vector<16xi32>
        %add3A_202 = arith.addi %add3A_201, %iota3A : vector<16xi32>
        %lt3A_203 = arith.constant 320000 : i32
        %lt3A_204 = vector.broadcast %lt3A_203 : i32 to vector<16xi32>
        %lt3A_205 = arith.cmpi slt, %add3A_202, %lt3A_204 : vector<16xi32>
        %jit3A = arith.constant 0.000000e+00 : f32
        %broadcast_in_dim3A_206 = vector.broadcast %jit3A : f32 to vector<16xf32>
        %select_n3A = arith.select %lt3A_205, %exp3A, %broadcast_in_dim3A_206 : vector<16xi1>, vector<16xf32>
        %swap3A_207 = arith.index_cast %mul3A_186 : i32 to index
        %swap3A_208 = tpu.vector_load %arg35[%swap3A_207] {strides = array<i32>} : memref<64xf32, #tpu.memory_space<vmem>>, vector<16xf32>,
        tpu.vector_store %arg35[%swap3A_207], %select_n3A {strides = array<i32>} : memref<64xf32, #tpu.memory_space<vmem>>, vector<16xf32>,
        %scan3A_209 = arith.constant 0 : i32
        scf.yield %scan3A_209 : i32
      }
      %scan3A_159 = arith.constant 4 : i32
      %scan3A_160 = arith.constant 0 : i32
      %scan3A_161 = arith.constant 0 : i32
      %scan3A_162 = arith.constant 32 : i32
      %scan3A_163 = arith.addi %scan3A_161, %scan3A_162 : i32
      %scan3A_164 = arith.constant 1 : i32
      %scan3A_165 = scf.for %scan3A_183 = %scan3A_161 to %scan3A_163 step %scan3A_164 iter_args(%scan3A_184 = %scan3A_160) -> (i32)  : i32 {
        %mul3A_185 = arith.constant 2 : i32
        %mul3A_186 = arith.muli %scan3A_183, %mul3A_185 : i32
        %add3A_187 = arith.constant 0 : i32
        %add3A_188 = arith.addi %mul3A_186, %add3A_187 : i32
        %broadcast_in_dim3A_189 = vector.broadcast %add3A_188 : i32 to vector<16xi32>
        %gather3A = tpu.vector_load_idx %arg35[%broadcast_in_dim3A_189] : memref<64xf32, #tpu.memory_space<vmem>>[vector<16xi32>], vector<16xf32>,
        %gather3A_190 = tpu.vector_load_idx %arg28[%broadcast_in_dim3A_189] : memref<64xi32, #tpu.memory_space<vmem>>[vector<16xi32>], vector<16xi32>,
        %mul3A_191 = arith.constant 64 : i32
        %mul3A_192 = vector.broadcast %mul3A_191 : i32 to vector<16xi32>
        %mul3A_193 = arith.muli %gather3A_190, %mul3A_192 : vector<16xi32>
        %gather3A_194 = tpu.vector_load_idx %arg27[%broadcast_in_dim3A_189] : memref<64xi32, #tpu.memory_space<vmem>>[vector<16xi32>], vector<16xi32>,
        %rem3A = arith.constant 2 : i32
        %rem3A_195 = vector.broadcast %rem3A : i32 to vector<16xi32>
        %rem3A_196 = arith.remsi %gather3A_194, %rem3A_195 : vector<16xi32>
        %mul3A_197 = arith.constant 64 : i32
        %mul3A_198 = vector.broadcast %mul3A_197 : i32 to vector<16xi32>
        %mul3A_199 = arith.muli %rem3A_196, %mul3A_198 : vector<16xi32>
        %sub3A = arith.constant 64 : i32
        %sub3A_200 = vector.broadcast %sub3A : i32 to vector<16xi32>
        %sub3A_201 = arith.subi %sub3A_200, %mul3A_199 : vector<16xi32>
        %shift_right_logical3A = arith.constant 7 : i32
        %shift_right_logical3A_202 = vector.broadcast %shift_right_logical3A : i32 to vector<16xi32>
        %shift_right_logical3A_203 = arith.shrui %gather3A_194, %shift_right_logical3A_202 : vector<16xi32>
        %rem3A_204 = arith.constant 128 : i32
        %rem3A_205 = vector.broadcast %rem3A_204 : i32 to vector<16xi32>
        %rem3A_206 = arith.remsi %gather3A_194, %rem3A_205 : vector<16xi32>
        %gather3A_207 = tpu.vector_load_idx %arg33[%shift_right_logical3A_203, %rem3A_206] : memref<80x128xf32, #tpu.memory_space<vmem>>[vector<16xi32>, vector<16xi32>], vector<16xf32>,
        %add3A_208 = arith.addf %gather3A_207, %gather3A : vector<16xf32>
        tpu.vector_store_idx %arg33[%shift_right_logical3A_203, %rem3A_206], %add3A_208 : memref<80x128xf32, #tpu.memory_space<vmem>>[vector<16xi32>, vector<16xi32>], vector<16xf32>,
        %gather3A_209 = tpu.vector_load_idx %arg29[%broadcast_in_dim3A_189, %broadcast_in_dim3A_3] : memref<64x4xf32, #tpu.memory_space<vmem>>[vector<16xi32>, vector<16xi32>], vector<16xf32>,
        %add3A_210 = arith.constant 1 : i32
        %add3A_211 = vector.broadcast %add3A_210 : i32 to vector<16xi32>
        %add3A_212 = arith.addi %broadcast_in_dim3A_3, %add3A_211 : vector<16xi32>
        %gather3A_213 = tpu.vector_load_idx %arg29[%broadcast_in_dim3A_189, %add3A_212] : memref<64x4xf32, #tpu.memory_space<vmem>>[vector<16xi32>, vector<16xi32>], vector<16xf32>,
        %add3A_214 = arith.constant 2 : i32
        %add3A_215 = vector.broadcast %add3A_214 : i32 to vector<16xi32>
        %add3A_216 = arith.addi %broadcast_in_dim3A_3, %add3A_215 : vector<16xi32>
        %gather3A_217 = tpu.vector_load_idx %arg29[%broadcast_in_dim3A_189, %add3A_216] : memref<64x4xf32, #tpu.memory_space<vmem>>[vector<16xi32>, vector<16xi32>], vector<16xf32>,
        %add3A_218 = arith.constant 3 : i32
        %add3A_219 = vector.broadcast %add3A_218 : i32 to vector<16xi32>
        %add3A_220 = arith.addi %broadcast_in_dim3A_3, %add3A_219 : vector<16xi32>
        %gather3A_221 = tpu.vector_load_idx %arg29[%broadcast_in_dim3A_189, %add3A_220] : memref<64x4xf32, #tpu.memory_space<vmem>>[vector<16xi32>, vector<16xi32>], vector<16xf32>,
        %add3A_222 = arith.constant 0 : i32
        %add3A_223 = vector.broadcast %add3A_222 : i32 to vector<16xi32>
        %add3A_224 = arith.addi %add3A_223, %iota3A : vector<16xi32>
        %add3A_225 = arith.addi %mul3A_193, %add3A_224 : vector<16xi32>
        %gather3A_226 = tpu.vector_load_idx %arg18[%add3A_225] : memref<256xf32, #tpu.memory_space<vmem>>[vector<16xi32>], vector<16xf32>,
        %get3A = arith.constant 0 : i32
        %get3A_227 = arith.index_cast %get3A : i32 to index
        %get3A_228 = arith.constant 0 : index
        %get3A_229 = tpu.vector_load %arg19[%get3A_227, %get3A_228] {strides = array<i32>} : memref<4x64xf32, #tpu.memory_space<vmem>>, vector<16xf32>,
        %mul3A_230 = arith.mulf %gather3A_209, %get3A_229 : vector<16xf32>
        %add3A_231 = arith.addf %gather3A_226, %mul3A_230 : vector<16xf32>
        %get3A_232 = arith.constant 1 : i32
        %get3A_233 = arith.index_cast %get3A_232 : i32 to index
        %get3A_234 = arith.constant 0 : index
        %get3A_235 = tpu.vector_load %arg19[%get3A_233, %get3A_234] {strides = array<i32>} : memref<4x64xf32, #tpu.memory_space<vmem>>, vector<16xf32>,
        %mul3A_236 = arith.mulf %gather3A_213, %get3A_235 : vector<16xf32>
        %add3A_237 = arith.addf %add3A_231, %mul3A_236 : vector<16xf32>
        %get3A_238 = arith.constant 2 : i32
        %get3A_239 = arith.index_cast %get3A_238 : i32 to index
        %get3A_240 = arith.constant 0 : index
        %get3A_241 = tpu.vector_load %arg19[%get3A_239, %get3A_240] {strides = array<i32>} : memref<4x64xf32, #tpu.memory_space<vmem>>, vector<16xf32>,
        %mul3A_242 = arith.mulf %gather3A_217, %get3A_241 : vector<16xf32>
        %add3A_243 = arith.addf %add3A_237, %mul3A_242 : vector<16xf32>
        %get3A_244 = arith.constant 3 : i32
        %get3A_245 = arith.index_cast %get3A_244 : i32 to index
        %get3A_246 = arith.constant 0 : index
        %get3A_247 = tpu.vector_load %arg19[%get3A_245, %get3A_246] {strides = array<i32>} : memref<4x64xf32, #tpu.memory_space<vmem>>, vector<16xf32>,
        %mul3A_248 = arith.mulf %gather3A_221, %get3A_247 : vector<16xf32>
        %add3A_249 = arith.addf %add3A_243, %mul3A_248 : vector<16xf32>
        %add3A_250 = vector.broadcast %mul3A_22 : i32 to vector<16xi32>
        %add3A_251 = arith.addi %add3A_250, %add3A_224 : vector<16xi32>
        %gather3A_252 = tpu.vector_load_idx %arg30[%broadcast_in_dim3A_189, %add3A_251] : memref<64x128xf32, #tpu.memory_space<vmem>>[vector<16xi32>, vector<16xi32>], vector<16xf32>,
        %add3A_253 = arith.addf %gather3A_252, %add3A_249 : vector<16xf32>
        %max3A = arith.constant 0.000000e+00 : f32
        %max3A_254 = vector.broadcast %max3A : f32 to vector<16xf32>
        %max3A_255 = arith.maximumf %add3A_253, %max3A_254 : vector<16xf32>
        %add3A_256 = arith.addi %mul3A_199, %add3A_224 : vector<16xi32>
        %mul3A_257 = arith.mulf %max3A_255, %gather3A : vector<16xf32>
        tpu.vector_store_idx %arg32[%broadcast_in_dim3A_189, %add3A_256], %mul3A_257 : memref<64x128xf32, #tpu.memory_space<vmem>>[vector<16xi32>, vector<16xi32>], vector<16xf32>,
        %add3A_258 = arith.addi %sub3A_201, %add3A_224 : vector<16xi32>
        tpu.vector_store_idx %arg32[%broadcast_in_dim3A_189, %add3A_258], %broadcast_in_dim3A_5 : memref<64x128xf32, #tpu.memory_space<vmem>>[vector<16xi32>, vector<16xi32>], vector<16xf32>,
        %get3A_259 = arith.constant 0 : index
        %get3A_260 = tpu.vector_load %arg20[%get3A_259] {strides = array<i32>} : memref<64xf32, #tpu.memory_space<vmem>>, vector<16xf32>,
        %mul3A_261 = arith.mulf %max3A_255, %get3A_260 : vector<16xf32>
        %add3A_262 = arith.addf %broadcast_in_dim3A_5, %mul3A_261 : vector<16xf32>
        %add3A_263 = arith.constant 16 : i32
        %add3A_264 = vector.broadcast %add3A_263 : i32 to vector<16xi32>
        %add3A_265 = arith.addi %add3A_264, %iota3A : vector<16xi32>
        %add3A_266 = arith.addi %mul3A_193, %add3A_265 : vector<16xi32>
        %gather3A_267 = tpu.vector_load_idx %arg18[%add3A_266] : memref<256xf32, #tpu.memory_space<vmem>>[vector<16xi32>], vector<16xf32>,
        %get3A_268 = arith.constant 0 : i32
        %get3A_269 = arith.index_cast %get3A_268 : i32 to index
        %get3A_270 = arith.constant 16 : index
        %get3A_271 = tpu.vector_load %arg19[%get3A_269, %get3A_270] {strides = array<i32>} : memref<4x64xf32, #tpu.memory_space<vmem>>, vector<16xf32>,
        %mul3A_272 = arith.mulf %gather3A_209, %get3A_271 : vector<16xf32>
        %add3A_273 = arith.addf %gather3A_267, %mul3A_272 : vector<16xf32>
        %get3A_274 = arith.constant 1 : i32
        %get3A_275 = arith.index_cast %get3A_274 : i32 to index
        %get3A_276 = arith.constant 16 : index
        %get3A_277 = tpu.vector_load %arg19[%get3A_275, %get3A_276] {strides = array<i32>} : memref<4x64xf32, #tpu.memory_space<vmem>>, vector<16xf32>,
        %mul3A_278 = arith.mulf %gather3A_213, %get3A_277 : vector<16xf32>
        %add3A_279 = arith.addf %add3A_273, %mul3A_278 : vector<16xf32>
        %get3A_280 = arith.constant 2 : i32
        %get3A_281 = arith.index_cast %get3A_280 : i32 to index
        %get3A_282 = arith.constant 16 : index
        %get3A_283 = tpu.vector_load %arg19[%get3A_281, %get3A_282] {strides = array<i32>} : memref<4x64xf32, #tpu.memory_space<vmem>>, vector<16xf32>,
        %mul3A_284 = arith.mulf %gather3A_217, %get3A_283 : vector<16xf32>
        %add3A_285 = arith.addf %add3A_279, %mul3A_284 : vector<16xf32>
        %get3A_286 = arith.constant 3 : i32
        %get3A_287 = arith.index_cast %get3A_286 : i32 to index
        %get3A_288 = arith.constant 16 : index
        %get3A_289 = tpu.vector_load %arg19[%get3A_287, %get3A_288] {strides = array<i32>} : memref<4x64xf32, #tpu.memory_space<vmem>>, vector<16xf32>,
        %mul3A_290 = arith.mulf %gather3A_221, %get3A_289 : vector<16xf32>
        %add3A_291 = arith.addf %add3A_285, %mul3A_290 : vector<16xf32>
        %add3A_292 = vector.broadcast %mul3A_22 : i32 to vector<16xi32>
        %add3A_293 = arith.addi %add3A_292, %add3A_265 : vector<16xi32>
        %gather3A_294 = tpu.vector_load_idx %arg30[%broadcast_in_dim3A_189, %add3A_293] : memref<64x128xf32, #tpu.memory_space<vmem>>[vector<16xi32>, vector<16xi32>], vector<16xf32>,
        %add3A_295 = arith.addf %gather3A_294, %add3A_291 : vector<16xf32>
        %max3A_296 = arith.constant 0.000000e+00 : f32
        %max3A_297 = vector.broadcast %max3A_296 : f32 to vector<16xf32>
        %max3A_298 = arith.maximumf %add3A_295, %max3A_297 : vector<16xf32>
        %add3A_299 = arith.addi %mul3A_199, %add3A_265 : vector<16xi32>
        %mul3A_300 = arith.mulf %max3A_298, %gather3A : vector<16xf32>
        tpu.vector_store_idx %arg32[%broadcast_in_dim3A_189, %add3A_299], %mul3A_300 : memref<64x128xf32, #tpu.memory_space<vmem>>[vector<16xi32>, vector<16xi32>], vector<16xf32>,
        %add3A_301 = arith.addi %sub3A_201, %add3A_265 : vector<16xi32>
        tpu.vector_store_idx %arg32[%broadcast_in_dim3A_189, %add3A_301], %broadcast_in_dim3A_5 : memref<64x128xf32, #tpu.memory_space<vmem>>[vector<16xi32>, vector<16xi32>], vector<16xf32>,
        %get3A_302 = arith.constant 16 : index
        %get3A_303 = tpu.vector_load %arg20[%get3A_302] {strides = array<i32>} : memref<64xf32, #tpu.memory_space<vmem>>, vector<16xf32>,
        %mul3A_304 = arith.mulf %max3A_298, %get3A_303 : vector<16xf32>
        %add3A_305 = arith.addf %add3A_262, %mul3A_304 : vector<16xf32>
        %add3A_306 = arith.constant 32 : i32
        %add3A_307 = vector.broadcast %add3A_306 : i32 to vector<16xi32>
        %add3A_308 = arith.addi %add3A_307, %iota3A : vector<16xi32>
        %add3A_309 = arith.addi %mul3A_193, %add3A_308 : vector<16xi32>
        %gather3A_310 = tpu.vector_load_idx %arg18[%add3A_309] : memref<256xf32, #tpu.memory_space<vmem>>[vector<16xi32>], vector<16xf32>,
        %get3A_311 = arith.constant 0 : i32
        %get3A_312 = arith.index_cast %get3A_311 : i32 to index
        %get3A_313 = arith.constant 32 : index
        %get3A_314 = tpu.vector_load %arg19[%get3A_312, %get3A_313] {strides = array<i32>} : memref<4x64xf32, #tpu.memory_space<vmem>>, vector<16xf32>,
        %mul3A_315 = arith.mulf %gather3A_209, %get3A_314 : vector<16xf32>
        %add3A_316 = arith.addf %gather3A_310, %mul3A_315 : vector<16xf32>
        %get3A_317 = arith.constant 1 : i32
        %get3A_318 = arith.index_cast %get3A_317 : i32 to index
        %get3A_319 = arith.constant 32 : index
        %get3A_320 = tpu.vector_load %arg19[%get3A_318, %get3A_319] {strides = array<i32>} : memref<4x64xf32, #tpu.memory_space<vmem>>, vector<16xf32>,
        %mul3A_321 = arith.mulf %gather3A_213, %get3A_320 : vector<16xf32>
        %add3A_322 = arith.addf %add3A_316, %mul3A_321 : vector<16xf32>
        %get3A_323 = arith.constant 2 : i32
        %get3A_324 = arith.index_cast %get3A_323 : i32 to index
        %get3A_325 = arith.constant 32 : index
        %get3A_326 = tpu.vector_load %arg19[%get3A_324, %get3A_325] {strides = array<i32>} : memref<4x64xf32, #tpu.memory_space<vmem>>, vector<16xf32>,
        %mul3A_327 = arith.mulf %gather3A_217, %get3A_326 : vector<16xf32>
        %add3A_328 = arith.addf %add3A_322, %mul3A_327 : vector<16xf32>
        %get3A_329 = arith.constant 3 : i32
        %get3A_330 = arith.index_cast %get3A_329 : i32 to index
        %get3A_331 = arith.constant 32 : index
        %get3A_332 = tpu.vector_load %arg19[%get3A_330, %get3A_331] {strides = array<i32>} : memref<4x64xf32, #tpu.memory_space<vmem>>, vector<16xf32>,
        %mul3A_333 = arith.mulf %gather3A_221, %get3A_332 : vector<16xf32>
        %add3A_334 = arith.addf %add3A_328, %mul3A_333 : vector<16xf32>
        %add3A_335 = vector.broadcast %mul3A_22 : i32 to vector<16xi32>
        %add3A_336 = arith.addi %add3A_335, %add3A_308 : vector<16xi32>
        %gather3A_337 = tpu.vector_load_idx %arg30[%broadcast_in_dim3A_189, %add3A_336] : memref<64x128xf32, #tpu.memory_space<vmem>>[vector<16xi32>, vector<16xi32>], vector<16xf32>,
        %add3A_338 = arith.addf %gather3A_337, %add3A_334 : vector<16xf32>
        %max3A_339 = arith.constant 0.000000e+00 : f32
        %max3A_340 = vector.broadcast %max3A_339 : f32 to vector<16xf32>
        %max3A_341 = arith.maximumf %add3A_338, %max3A_340 : vector<16xf32>
        %add3A_342 = arith.addi %mul3A_199, %add3A_308 : vector<16xi32>
        %mul3A_343 = arith.mulf %max3A_341, %gather3A : vector<16xf32>
        tpu.vector_store_idx %arg32[%broadcast_in_dim3A_189, %add3A_342], %mul3A_343 : memref<64x128xf32, #tpu.memory_space<vmem>>[vector<16xi32>, vector<16xi32>], vector<16xf32>,
        %add3A_344 = arith.addi %sub3A_201, %add3A_308 : vector<16xi32>
        tpu.vector_store_idx %arg32[%broadcast_in_dim3A_189, %add3A_344], %broadcast_in_dim3A_5 : memref<64x128xf32, #tpu.memory_space<vmem>>[vector<16xi32>, vector<16xi32>], vector<16xf32>,
        %get3A_345 = arith.constant 32 : index
        %get3A_346 = tpu.vector_load %arg20[%get3A_345] {strides = array<i32>} : memref<64xf32, #tpu.memory_space<vmem>>, vector<16xf32>,
        %mul3A_347 = arith.mulf %max3A_341, %get3A_346 : vector<16xf32>
        %add3A_348 = arith.addf %add3A_305, %mul3A_347 : vector<16xf32>
        %add3A_349 = arith.constant 48 : i32
        %add3A_350 = vector.broadcast %add3A_349 : i32 to vector<16xi32>
        %add3A_351 = arith.addi %add3A_350, %iota3A : vector<16xi32>
        %add3A_352 = arith.addi %mul3A_193, %add3A_351 : vector<16xi32>
        %gather3A_353 = tpu.vector_load_idx %arg18[%add3A_352] : memref<256xf32, #tpu.memory_space<vmem>>[vector<16xi32>], vector<16xf32>,
        %get3A_354 = arith.constant 0 : i32
        %get3A_355 = arith.index_cast %get3A_354 : i32 to index
        %get3A_356 = arith.constant 48 : index
        %get3A_357 = tpu.vector_load %arg19[%get3A_355, %get3A_356] {strides = array<i32>} : memref<4x64xf32, #tpu.memory_space<vmem>>, vector<16xf32>,
        %mul3A_358 = arith.mulf %gather3A_209, %get3A_357 : vector<16xf32>
        %add3A_359 = arith.addf %gather3A_353, %mul3A_358 : vector<16xf32>
        %get3A_360 = arith.constant 1 : i32
        %get3A_361 = arith.index_cast %get3A_360 : i32 to index
        %get3A_362 = arith.constant 48 : index
        %get3A_363 = tpu.vector_load %arg19[%get3A_361, %get3A_362] {strides = array<i32>} : memref<4x64xf32, #tpu.memory_space<vmem>>, vector<16xf32>,
        %mul3A_364 = arith.mulf %gather3A_213, %get3A_363 : vector<16xf32>
        %add3A_365 = arith.addf %add3A_359, %mul3A_364 : vector<16xf32>
        %get3A_366 = arith.constant 2 : i32
        %get3A_367 = arith.index_cast %get3A_366 : i32 to index
        %get3A_368 = arith.constant 48 : index
        %get3A_369 = tpu.vector_load %arg19[%get3A_367, %get3A_368] {strides = array<i32>} : memref<4x64xf32, #tpu.memory_space<vmem>>, vector<16xf32>,
        %mul3A_370 = arith.mulf %gather3A_217, %get3A_369 : vector<16xf32>
        %add3A_371 = arith.addf %add3A_365, %mul3A_370 : vector<16xf32>
        %get3A_372 = arith.constant 3 : i32
        %get3A_373 = arith.index_cast %get3A_372 : i32 to index
        %get3A_374 = arith.constant 48 : index
        %get3A_375 = tpu.vector_load %arg19[%get3A_373, %get3A_374] {strides = array<i32>} : memref<4x64xf32, #tpu.memory_space<vmem>>, vector<16xf32>,
        %mul3A_376 = arith.mulf %gather3A_221, %get3A_375 : vector<16xf32>
        %add3A_377 = arith.addf %add3A_371, %mul3A_376 : vector<16xf32>
        %add3A_378 = vector.broadcast %mul3A_22 : i32 to vector<16xi32>
        %add3A_379 = arith.addi %add3A_378, %add3A_351 : vector<16xi32>
        %gather3A_380 = tpu.vector_load_idx %arg30[%broadcast_in_dim3A_189, %add3A_379] : memref<64x128xf32, #tpu.memory_space<vmem>>[vector<16xi32>, vector<16xi32>], vector<16xf32>,
        %add3A_381 = arith.addf %gather3A_380, %add3A_377 : vector<16xf32>
        %max3A_382 = arith.constant 0.000000e+00 : f32
        %max3A_383 = vector.broadcast %max3A_382 : f32 to vector<16xf32>
        %max3A_384 = arith.maximumf %add3A_381, %max3A_383 : vector<16xf32>
        %add3A_385 = arith.addi %mul3A_199, %add3A_351 : vector<16xi32>
        %mul3A_386 = arith.mulf %max3A_384, %gather3A : vector<16xf32>
        tpu.vector_store_idx %arg32[%broadcast_in_dim3A_189, %add3A_385], %mul3A_386 : memref<64x128xf32, #tpu.memory_space<vmem>>[vector<16xi32>, vector<16xi32>], vector<16xf32>,
        %add3A_387 = arith.addi %sub3A_201, %add3A_351 : vector<16xi32>
        tpu.vector_store_idx %arg32[%broadcast_in_dim3A_189, %add3A_387], %broadcast_in_dim3A_5 : memref<64x128xf32, #tpu.memory_space<vmem>>[vector<16xi32>, vector<16xi32>], vector<16xf32>,
        %get3A_388 = arith.constant 48 : index
        %get3A_389 = tpu.vector_load %arg20[%get3A_388] {strides = array<i32>} : memref<64xf32, #tpu.memory_space<vmem>>, vector<16xf32>,
        %mul3A_390 = arith.mulf %max3A_384, %get3A_389 : vector<16xf32>
        %add3A_391 = arith.addf %add3A_348, %mul3A_390 : vector<16xf32>
        %broadcast_in_dim3A_392 = arith.constant true
        %broadcast_in_dim3A_393 = vector.broadcast %broadcast_in_dim3A_392 : i1 to vector<16xi1>
        %masked_cumsum3A = tpu.scan <sum>, %add3A_391 masked %broadcast_in_dim3A_393 : vector<16xf32>, vector<16xi1> -> vector<16xf32>
        %eq3A_394 = arith.constant 15 : i32
        %eq3A_395 = vector.broadcast %eq3A_394 : i32 to vector<16xi32>
        %eq3A_396 = arith.cmpi eq, %iota3A, %eq3A_395 : vector<16xi32>
        tpu.vector_store_idx %arg36[%broadcast_in_dim3A_189], %masked_cumsum3A masked %eq3A_396 : memref<64xf32, #tpu.memory_space<vmem>>[vector<16xi32>], vector<16xf32>, vector<16xi1>
        %mul3A_397 = arith.constant 2 : i32
        %mul3A_398 = arith.muli %scan3A_183, %mul3A_397 : i32
        %add3A_399 = arith.constant 1 : i32
        %add3A_400 = arith.addi %mul3A_398, %add3A_399 : i32
        %broadcast_in_dim3A_401 = vector.broadcast %add3A_400 : i32 to vector<16xi32>
        %gather3A_402 = tpu.vector_load_idx %arg35[%broadcast_in_dim3A_401] : memref<64xf32, #tpu.memory_space<vmem>>[vector<16xi32>], vector<16xf32>,
        %gather3A_403 = tpu.vector_load_idx %arg28[%broadcast_in_dim3A_401] : memref<64xi32, #tpu.memory_space<vmem>>[vector<16xi32>], vector<16xi32>,
        %mul3A_404 = arith.constant 64 : i32
        %mul3A_405 = vector.broadcast %mul3A_404 : i32 to vector<16xi32>
        %mul3A_406 = arith.muli %gather3A_403, %mul3A_405 : vector<16xi32>
        %gather3A_407 = tpu.vector_load_idx %arg27[%broadcast_in_dim3A_401] : memref<64xi32, #tpu.memory_space<vmem>>[vector<16xi32>], vector<16xi32>,
        %rem3A_408 = arith.constant 2 : i32
        %rem3A_409 = vector.broadcast %rem3A_408 : i32 to vector<16xi32>
        %rem3A_410 = arith.remsi %gather3A_407, %rem3A_409 : vector<16xi32>
        %mul3A_411 = arith.constant 64 : i32
        %mul3A_412 = vector.broadcast %mul3A_411 : i32 to vector<16xi32>
        %mul3A_413 = arith.muli %rem3A_410, %mul3A_412 : vector<16xi32>
        %sub3A_414 = arith.constant 64 : i32
        %sub3A_415 = vector.broadcast %sub3A_414 : i32 to vector<16xi32>
        %sub3A_416 = arith.subi %sub3A_415, %mul3A_413 : vector<16xi32>
        %shift_right_logical3A_417 = arith.constant 7 : i32
        %shift_right_logical3A_418 = vector.broadcast %shift_right_logical3A_417 : i32 to vector<16xi32>
        %shift_right_logical3A_419 = arith.shrui %gather3A_407, %shift_right_logical3A_418 : vector<16xi32>
        %rem3A_420 = arith.constant 128 : i32
        %rem3A_421 = vector.broadcast %rem3A_420 : i32 to vector<16xi32>
        %rem3A_422 = arith.remsi %gather3A_407, %rem3A_421 : vector<16xi32>
        %gather3A_423 = tpu.vector_load_idx %arg33[%shift_right_logical3A_419, %rem3A_422] : memref<80x128xf32, #tpu.memory_space<vmem>>[vector<16xi32>, vector<16xi32>], vector<16xf32>,
        %add3A_424 = arith.addf %gather3A_423, %gather3A_402 : vector<16xf32>
        tpu.vector_store_idx %arg33[%shift_right_logical3A_419, %rem3A_422], %add3A_424 : memref<80x128xf32, #tpu.memory_space<vmem>>[vector<16xi32>, vector<16xi32>], vector<16xf32>,
        %gather3A_425 = tpu.vector_load_idx %arg29[%broadcast_in_dim3A_401, %broadcast_in_dim3A_3] : memref<64x4xf32, #tpu.memory_space<vmem>>[vector<16xi32>, vector<16xi32>], vector<16xf32>,
        %add3A_426 = arith.constant 1 : i32
        %add3A_427 = vector.broadcast %add3A_426 : i32 to vector<16xi32>
        %add3A_428 = arith.addi %broadcast_in_dim3A_3, %add3A_427 : vector<16xi32>
        %gather3A_429 = tpu.vector_load_idx %arg29[%broadcast_in_dim3A_401, %add3A_428] : memref<64x4xf32, #tpu.memory_space<vmem>>[vector<16xi32>, vector<16xi32>], vector<16xf32>,
        %add3A_430 = arith.constant 2 : i32
        %add3A_431 = vector.broadcast %add3A_430 : i32 to vector<16xi32>
        %add3A_432 = arith.addi %broadcast_in_dim3A_3, %add3A_431 : vector<16xi32>
        %gather3A_433 = tpu.vector_load_idx %arg29[%broadcast_in_dim3A_401, %add3A_432] : memref<64x4xf32, #tpu.memory_space<vmem>>[vector<16xi32>, vector<16xi32>], vector<16xf32>,
        %add3A_434 = arith.constant 3 : i32
        %add3A_435 = vector.broadcast %add3A_434 : i32 to vector<16xi32>
        %add3A_436 = arith.addi %broadcast_in_dim3A_3, %add3A_435 : vector<16xi32>
        %gather3A_437 = tpu.vector_load_idx %arg29[%broadcast_in_dim3A_401, %add3A_436] : memref<64x4xf32, #tpu.memory_space<vmem>>[vector<16xi32>, vector<16xi32>], vector<16xf32>,
        %add3A_438 = arith.constant 0 : i32
        %add3A_439 = vector.broadcast %add3A_438 : i32 to vector<16xi32>
        %add3A_440 = arith.addi %add3A_439, %iota3A : vector<16xi32>
        %add3A_441 = arith.addi %mul3A_406, %add3A_440 : vector<16xi32>
        %gather3A_442 = tpu.vector_load_idx %arg18[%add3A_441] : memref<256xf32, #tpu.memory_space<vmem>>[vector<16xi32>], vector<16xf32>,
        %get3A_443 = arith.constant 0 : i32
        %get3A_444 = arith.index_cast %get3A_443 : i32 to index
        %get3A_445 = arith.constant 0 : index
        %get3A_446 = tpu.vector_load %arg19[%get3A_444, %get3A_445] {strides = array<i32>} : memref<4x64xf32, #tpu.memory_space<vmem>>, vector<16xf32>,
        %mul3A_447 = arith.mulf %gather3A_425, %get3A_446 : vector<16xf32>
        %add3A_448 = arith.addf %gather3A_442, %mul3A_447 : vector<16xf32>
        %get3A_449 = arith.constant 1 : i32
        %get3A_450 = arith.index_cast %get3A_449 : i32 to index
        %get3A_451 = arith.constant 0 : index
        %get3A_452 = tpu.vector_load %arg19[%get3A_450, %get3A_451] {strides = array<i32>} : memref<4x64xf32, #tpu.memory_space<vmem>>, vector<16xf32>,
        %mul3A_453 = arith.mulf %gather3A_429, %get3A_452 : vector<16xf32>
        %add3A_454 = arith.addf %add3A_448, %mul3A_453 : vector<16xf32>
        %get3A_455 = arith.constant 2 : i32
        %get3A_456 = arith.index_cast %get3A_455 : i32 to index
        %get3A_457 = arith.constant 0 : index
        %get3A_458 = tpu.vector_load %arg19[%get3A_456, %get3A_457] {strides = array<i32>} : memref<4x64xf32, #tpu.memory_space<vmem>>, vector<16xf32>,
        %mul3A_459 = arith.mulf %gather3A_433, %get3A_458 : vector<16xf32>
        %add3A_460 = arith.addf %add3A_454, %mul3A_459 : vector<16xf32>
        %get3A_461 = arith.constant 3 : i32
        %get3A_462 = arith.index_cast %get3A_461 : i32 to index
        %get3A_463 = arith.constant 0 : index
        %get3A_464 = tpu.vector_load %arg19[%get3A_462, %get3A_463] {strides = array<i32>} : memref<4x64xf32, #tpu.memory_space<vmem>>, vector<16xf32>,
        %mul3A_465 = arith.mulf %gather3A_437, %get3A_464 : vector<16xf32>
        %add3A_466 = arith.addf %add3A_460, %mul3A_465 : vector<16xf32>
        %add3A_467 = vector.broadcast %mul3A_22 : i32 to vector<16xi32>
        %add3A_468 = arith.addi %add3A_467, %add3A_440 : vector<16xi32>
        %gather3A_469 = tpu.vector_load_idx %arg30[%broadcast_in_dim3A_401, %add3A_468] : memref<64x128xf32, #tpu.memory_space<vmem>>[vector<16xi32>, vector<16xi32>], vector<16xf32>,
        %add3A_470 = arith.addf %gather3A_469, %add3A_466 : vector<16xf32>
        %max3A_471 = arith.constant 0.000000e+00 : f32
        %max3A_472 = vector.broadcast %max3A_471 : f32 to vector<16xf32>
        %max3A_473 = arith.maximumf %add3A_470, %max3A_472 : vector<16xf32>
        %add3A_474 = arith.addi %mul3A_413, %add3A_440 : vector<16xi32>
        %mul3A_475 = arith.mulf %max3A_473, %gather3A_402 : vector<16xf32>
        tpu.vector_store_idx %arg32[%broadcast_in_dim3A_401, %add3A_474], %mul3A_475 : memref<64x128xf32, #tpu.memory_space<vmem>>[vector<16xi32>, vector<16xi32>], vector<16xf32>,
        %add3A_476 = arith.addi %sub3A_416, %add3A_440 : vector<16xi32>
        tpu.vector_store_idx %arg32[%broadcast_in_dim3A_401, %add3A_476], %broadcast_in_dim3A_5 : memref<64x128xf32, #tpu.memory_space<vmem>>[vector<16xi32>, vector<16xi32>], vector<16xf32>,
        %get3A_477 = arith.constant 0 : index
        %get3A_478 = tpu.vector_load %arg20[%get3A_477] {strides = array<i32>} : memref<64xf32, #tpu.memory_space<vmem>>, vector<16xf32>,
        %mul3A_479 = arith.mulf %max3A_473, %get3A_478 : vector<16xf32>
        %add3A_480 = arith.addf %broadcast_in_dim3A_5, %mul3A_479 : vector<16xf32>
        %add3A_481 = arith.constant 16 : i32
        %add3A_482 = vector.broadcast %add3A_481 : i32 to vector<16xi32>
        %add3A_483 = arith.addi %add3A_482, %iota3A : vector<16xi32>
        %add3A_484 = arith.addi %mul3A_406, %add3A_483 : vector<16xi32>
        %gather3A_485 = tpu.vector_load_idx %arg18[%add3A_484] : memref<256xf32, #tpu.memory_space<vmem>>[vector<16xi32>], vector<16xf32>,
        %get3A_486 = arith.constant 0 : i32
        %get3A_487 = arith.index_cast %get3A_486 : i32 to index
        %get3A_488 = arith.constant 16 : index
        %get3A_489 = tpu.vector_load %arg19[%get3A_487, %get3A_488] {strides = array<i32>} : memref<4x64xf32, #tpu.memory_space<vmem>>, vector<16xf32>,
        %mul3A_490 = arith.mulf %gather3A_425, %get3A_489 : vector<16xf32>
        %add3A_491 = arith.addf %gather3A_485, %mul3A_490 : vector<16xf32>
        %get3A_492 = arith.constant 1 : i32
        %get3A_493 = arith.index_cast %get3A_492 : i32 to index
        %get3A_494 = arith.constant 16 : index
        %get3A_495 = tpu.vector_load %arg19[%get3A_493, %get3A_494] {strides = array<i32>} : memref<4x64xf32, #tpu.memory_space<vmem>>, vector<16xf32>,
        %mul3A_496 = arith.mulf %gather3A_429, %get3A_495 : vector<16xf32>
        %add3A_497 = arith.addf %add3A_491, %mul3A_496 : vector<16xf32>
        %get3A_498 = arith.constant 2 : i32
        %get3A_499 = arith.index_cast %get3A_498 : i32 to index
        %get3A_500 = arith.constant 16 : index
        %get3A_501 = tpu.vector_load %arg19[%get3A_499, %get3A_500] {strides = array<i32>} : memref<4x64xf32, #tpu.memory_space<vmem>>, vector<16xf32>,
        %mul3A_502 = arith.mulf %gather3A_433, %get3A_501 : vector<16xf32>
        %add3A_503 = arith.addf %add3A_497, %mul3A_502 : vector<16xf32>
        %get3A_504 = arith.constant 3 : i32
        %get3A_505 = arith.index_cast %get3A_504 : i32 to index
        %get3A_506 = arith.constant 16 : index
        %get3A_507 = tpu.vector_load %arg19[%get3A_505, %get3A_506] {strides = array<i32>} : memref<4x64xf32, #tpu.memory_space<vmem>>, vector<16xf32>,
        %mul3A_508 = arith.mulf %gather3A_437, %get3A_507 : vector<16xf32>
        %add3A_509 = arith.addf %add3A_503, %mul3A_508 : vector<16xf32>
        %add3A_510 = vector.broadcast %mul3A_22 : i32 to vector<16xi32>
        %add3A_511 = arith.addi %add3A_510, %add3A_483 : vector<16xi32>
        %gather3A_512 = tpu.vector_load_idx %arg30[%broadcast_in_dim3A_401, %add3A_511] : memref<64x128xf32, #tpu.memory_space<vmem>>[vector<16xi32>, vector<16xi32>], vector<16xf32>,
        %add3A_513 = arith.addf %gather3A_512, %add3A_509 : vector<16xf32>
        %max3A_514 = arith.constant 0.000000e+00 : f32
        %max3A_515 = vector.broadcast %max3A_514 : f32 to vector<16xf32>
        %max3A_516 = arith.maximumf %add3A_513, %max3A_515 : vector<16xf32>
        %add3A_517 = arith.addi %mul3A_413, %add3A_483 : vector<16xi32>
        %mul3A_518 = arith.mulf %max3A_516, %gather3A_402 : vector<16xf32>
        tpu.vector_store_idx %arg32[%broadcast_in_dim3A_401, %add3A_517], %mul3A_518 : memref<64x128xf32, #tpu.memory_space<vmem>>[vector<16xi32>, vector<16xi32>], vector<16xf32>,
        %add3A_519 = arith.addi %sub3A_416, %add3A_483 : vector<16xi32>
        tpu.vector_store_idx %arg32[%broadcast_in_dim3A_401, %add3A_519], %broadcast_in_dim3A_5 : memref<64x128xf32, #tpu.memory_space<vmem>>[vector<16xi32>, vector<16xi32>], vector<16xf32>,
        %get3A_520 = arith.constant 16 : index
        %get3A_521 = tpu.vector_load %arg20[%get3A_520] {strides = array<i32>} : memref<64xf32, #tpu.memory_space<vmem>>, vector<16xf32>,
        %mul3A_522 = arith.mulf %max3A_516, %get3A_521 : vector<16xf32>
        %add3A_523 = arith.addf %add3A_480, %mul3A_522 : vector<16xf32>
        %add3A_524 = arith.constant 32 : i32
        %add3A_525 = vector.broadcast %add3A_524 : i32 to vector<16xi32>
        %add3A_526 = arith.addi %add3A_525, %iota3A : vector<16xi32>
        %add3A_527 = arith.addi %mul3A_406, %add3A_526 : vector<16xi32>
        %gather3A_528 = tpu.vector_load_idx %arg18[%add3A_527] : memref<256xf32, #tpu.memory_space<vmem>>[vector<16xi32>], vector<16xf32>,
        %get3A_529 = arith.constant 0 : i32
        %get3A_530 = arith.index_cast %get3A_529 : i32 to index
        %get3A_531 = arith.constant 32 : index
        %get3A_532 = tpu.vector_load %arg19[%get3A_530, %get3A_531] {strides = array<i32>} : memref<4x64xf32, #tpu.memory_space<vmem>>, vector<16xf32>,
        %mul3A_533 = arith.mulf %gather3A_425, %get3A_532 : vector<16xf32>
        %add3A_534 = arith.addf %gather3A_528, %mul3A_533 : vector<16xf32>
        %get3A_535 = arith.constant 1 : i32
        %get3A_536 = arith.index_cast %get3A_535 : i32 to index
        %get3A_537 = arith.constant 32 : index
        %get3A_538 = tpu.vector_load %arg19[%get3A_536, %get3A_537] {strides = array<i32>} : memref<4x64xf32, #tpu.memory_space<vmem>>, vector<16xf32>,
        %mul3A_539 = arith.mulf %gather3A_429, %get3A_538 : vector<16xf32>
        %add3A_540 = arith.addf %add3A_534, %mul3A_539 : vector<16xf32>
        %get3A_541 = arith.constant 2 : i32
        %get3A_542 = arith.index_cast %get3A_541 : i32 to index
        %get3A_543 = arith.constant 32 : index
        %get3A_544 = tpu.vector_load %arg19[%get3A_542, %get3A_543] {strides = array<i32>} : memref<4x64xf32, #tpu.memory_space<vmem>>, vector<16xf32>,
        %mul3A_545 = arith.mulf %gather3A_433, %get3A_544 : vector<16xf32>
        %add3A_546 = arith.addf %add3A_540, %mul3A_545 : vector<16xf32>
        %get3A_547 = arith.constant 3 : i32
        %get3A_548 = arith.index_cast %get3A_547 : i32 to index
        %get3A_549 = arith.constant 32 : index
        %get3A_550 = tpu.vector_load %arg19[%get3A_548, %get3A_549] {strides = array<i32>} : memref<4x64xf32, #tpu.memory_space<vmem>>, vector<16xf32>,
        %mul3A_551 = arith.mulf %gather3A_437, %get3A_550 : vector<16xf32>
        %add3A_552 = arith.addf %add3A_546, %mul3A_551 : vector<16xf32>
        %add3A_553 = vector.broadcast %mul3A_22 : i32 to vector<16xi32>
        %add3A_554 = arith.addi %add3A_553, %add3A_526 : vector<16xi32>
        %gather3A_555 = tpu.vector_load_idx %arg30[%broadcast_in_dim3A_401, %add3A_554] : memref<64x128xf32, #tpu.memory_space<vmem>>[vector<16xi32>, vector<16xi32>], vector<16xf32>,
        %add3A_556 = arith.addf %gather3A_555, %add3A_552 : vector<16xf32>
        %max3A_557 = arith.constant 0.000000e+00 : f32
        %max3A_558 = vector.broadcast %max3A_557 : f32 to vector<16xf32>
        %max3A_559 = arith.maximumf %add3A_556, %max3A_558 : vector<16xf32>
        %add3A_560 = arith.addi %mul3A_413, %add3A_526 : vector<16xi32>
        %mul3A_561 = arith.mulf %max3A_559, %gather3A_402 : vector<16xf32>
        tpu.vector_store_idx %arg32[%broadcast_in_dim3A_401, %add3A_560], %mul3A_561 : memref<64x128xf32, #tpu.memory_space<vmem>>[vector<16xi32>, vector<16xi32>], vector<16xf32>,
        %add3A_562 = arith.addi %sub3A_416, %add3A_526 : vector<16xi32>
        tpu.vector_store_idx %arg32[%broadcast_in_dim3A_401, %add3A_562], %broadcast_in_dim3A_5 : memref<64x128xf32, #tpu.memory_space<vmem>>[vector<16xi32>, vector<16xi32>], vector<16xf32>,
        %get3A_563 = arith.constant 32 : index
        %get3A_564 = tpu.vector_load %arg20[%get3A_563] {strides = array<i32>} : memref<64xf32, #tpu.memory_space<vmem>>, vector<16xf32>,
        %mul3A_565 = arith.mulf %max3A_559, %get3A_564 : vector<16xf32>
        %add3A_566 = arith.addf %add3A_523, %mul3A_565 : vector<16xf32>
        %add3A_567 = arith.constant 48 : i32
        %add3A_568 = vector.broadcast %add3A_567 : i32 to vector<16xi32>
        %add3A_569 = arith.addi %add3A_568, %iota3A : vector<16xi32>
        %add3A_570 = arith.addi %mul3A_406, %add3A_569 : vector<16xi32>
        %gather3A_571 = tpu.vector_load_idx %arg18[%add3A_570] : memref<256xf32, #tpu.memory_space<vmem>>[vector<16xi32>], vector<16xf32>,
        %get3A_572 = arith.constant 0 : i32
        %get3A_573 = arith.index_cast %get3A_572 : i32 to index
        %get3A_574 = arith.constant 48 : index
        %get3A_575 = tpu.vector_load %arg19[%get3A_573, %get3A_574] {strides = array<i32>} : memref<4x64xf32, #tpu.memory_space<vmem>>, vector<16xf32>,
        %mul3A_576 = arith.mulf %gather3A_425, %get3A_575 : vector<16xf32>
        %add3A_577 = arith.addf %gather3A_571, %mul3A_576 : vector<16xf32>
        %get3A_578 = arith.constant 1 : i32
        %get3A_579 = arith.index_cast %get3A_578 : i32 to index
        %get3A_580 = arith.constant 48 : index
        %get3A_581 = tpu.vector_load %arg19[%get3A_579, %get3A_580] {strides = array<i32>} : memref<4x64xf32, #tpu.memory_space<vmem>>, vector<16xf32>,
        %mul3A_582 = arith.mulf %gather3A_429, %get3A_581 : vector<16xf32>
        %add3A_583 = arith.addf %add3A_577, %mul3A_582 : vector<16xf32>
        %get3A_584 = arith.constant 2 : i32
        %get3A_585 = arith.index_cast %get3A_584 : i32 to index
        %get3A_586 = arith.constant 48 : index
        %get3A_587 = tpu.vector_load %arg19[%get3A_585, %get3A_586] {strides = array<i32>} : memref<4x64xf32, #tpu.memory_space<vmem>>, vector<16xf32>,
        %mul3A_588 = arith.mulf %gather3A_433, %get3A_587 : vector<16xf32>
        %add3A_589 = arith.addf %add3A_583, %mul3A_588 : vector<16xf32>
        %get3A_590 = arith.constant 3 : i32
        %get3A_591 = arith.index_cast %get3A_590 : i32 to index
        %get3A_592 = arith.constant 48 : index
        %get3A_593 = tpu.vector_load %arg19[%get3A_591, %get3A_592] {strides = array<i32>} : memref<4x64xf32, #tpu.memory_space<vmem>>, vector<16xf32>,
        %mul3A_594 = arith.mulf %gather3A_437, %get3A_593 : vector<16xf32>
        %add3A_595 = arith.addf %add3A_589, %mul3A_594 : vector<16xf32>
        %add3A_596 = vector.broadcast %mul3A_22 : i32 to vector<16xi32>
        %add3A_597 = arith.addi %add3A_596, %add3A_569 : vector<16xi32>
        %gather3A_598 = tpu.vector_load_idx %arg30[%broadcast_in_dim3A_401, %add3A_597] : memref<64x128xf32, #tpu.memory_space<vmem>>[vector<16xi32>, vector<16xi32>], vector<16xf32>,
        %add3A_599 = arith.addf %gather3A_598, %add3A_595 : vector<16xf32>
        %max3A_600 = arith.constant 0.000000e+00 : f32
        %max3A_601 = vector.broadcast %max3A_600 : f32 to vector<16xf32>
        %max3A_602 = arith.maximumf %add3A_599, %max3A_601 : vector<16xf32>
        %add3A_603 = arith.addi %mul3A_413, %add3A_569 : vector<16xi32>
        %mul3A_604 = arith.mulf %max3A_602, %gather3A_402 : vector<16xf32>
        tpu.vector_store_idx %arg32[%broadcast_in_dim3A_401, %add3A_603], %mul3A_604 : memref<64x128xf32, #tpu.memory_space<vmem>>[vector<16xi32>, vector<16xi32>], vector<16xf32>,
        %add3A_605 = arith.addi %sub3A_416, %add3A_569 : vector<16xi32>
        tpu.vector_store_idx %arg32[%broadcast_in_dim3A_401, %add3A_605], %broadcast_in_dim3A_5 : memref<64x128xf32, #tpu.memory_space<vmem>>[vector<16xi32>, vector<16xi32>], vector<16xf32>,
        %get3A_606 = arith.constant 48 : index
        %get3A_607 = tpu.vector_load %arg20[%get3A_606] {strides = array<i32>} : memref<64xf32, #tpu.memory_space<vmem>>, vector<16xf32>,
        %mul3A_608 = arith.mulf %max3A_602, %get3A_607 : vector<16xf32>
        %add3A_609 = arith.addf %add3A_566, %mul3A_608 : vector<16xf32>
        %broadcast_in_dim3A_610 = arith.constant true
        %broadcast_in_dim3A_611 = vector.broadcast %broadcast_in_dim3A_610 : i1 to vector<16xi1>
        %masked_cumsum3A_612 = tpu.scan <sum>, %add3A_609 masked %broadcast_in_dim3A_611 : vector<16xf32>, vector<16xi1> -> vector<16xf32>
        %eq3A_613 = arith.constant 15 : i32
        %eq3A_614 = vector.broadcast %eq3A_613 : i32 to vector<16xi32>
        %eq3A_615 = arith.cmpi eq, %iota3A, %eq3A_614 : vector<16xi32>
        tpu.vector_store_idx %arg36[%broadcast_in_dim3A_401], %masked_cumsum3A_612 masked %eq3A_615 : memref<64xf32, #tpu.memory_space<vmem>>[vector<16xi32>], vector<16xf32>, vector<16xi1>
        %scan3A_616 = arith.constant 0 : i32
        scf.yield %scan3A_616 : i32
      }
      %scan3A_166 = arith.constant 32 : i32
      %dma_start3A_167 = arith.constant 0 : i32
      %dma_start3A_168 = arith.constant 0 : i32
      %dma_start3A_169 = tpu.memref_slice %arg37[%dma_start3A_167, %dma_start3A_168] : memref<5120x128xf32, #tpu.memory_space<vmem_shared>> -> memref<5120x128xf32, #tpu.memory_space<vmem_shared>>
      tpu.enqueue_indirect_dma source(%arg32 : memref<64x128xf32, #tpu.memory_space<vmem>>) target(%dma_start3A_169 : memref<5120x128xf32, #tpu.memory_space<vmem_shared>>) offsets(%arg31 : memref<64xi32, #tpu.memory_space<vmem>>) semaphore(%arg43 : memref<!tpu.dma_semaphore, #tpu.memory_space<semaphore_mem>>) {add = true}
      %mul3A_170 = arith.constant 64 : i32
      %mul3A_171 = arith.muli %add3A_83, %mul3A_170 : i32
      %add3A_172 = arith.addi %add3A, %mul3A_171 : i32
      %dma_start3A_173 = tpu.memref_slice %arg15[%add3A_172] : memref<643072xf32, #tpu.memory_space<hbm>> -> memref<64xf32, #tpu.memory_space<hbm>>
      %dma_start3A_174 = tpu.memref_slice %arg15[%add3A_172] : memref<643072xf32, #tpu.memory_space<hbm>> -> memref<64xf32, #tpu.memory_space<hbm>>
      tpu.enqueue_dma source(%arg36 : memref<64xf32, #tpu.memory_space<vmem>>) target(%dma_start3A_174 : memref<64xf32, #tpu.memory_space<hbm>>) target_semaphore(%arg44 : memref<!tpu.dma_semaphore, #tpu.memory_space<semaphore_mem>>)
      %add3A_175 = arith.constant 2 : i32
      %add3A_176 = arith.addi %add3A_83, %add3A_175 : i32
      %lt3A_177 = arith.constant 314 : i32
      %lt3A_178 = arith.cmpi slt, %add3A_176, %lt3A_177 : i32
      %convert_element_type3A_179 = arith.extui %lt3A_178 : i1 to i32
      %cond3A_180 = arith.constant 0 : i32
      %cond3A_181 = arith.cmpi ne, %convert_element_type3A_179, %cond3A_180 : i32
      scf.if %cond3A_181 {
        %add3A_183 = arith.constant 2 : i32
        %add3A_184 = arith.addi %add3A_83, %add3A_183 : i32
        %mul3A_185 = arith.constant 64 : i32
        %mul3A_186 = arith.muli %add3A_184, %mul3A_185 : i32
        %add3A_187 = arith.addi %mul3A_20, %mul3A_186 : i32
        %dma_start3A_188 = tpu.memref_slice %arg5[%add3A_187] : memref<321536xi32, #tpu.memory_space<hbm>> -> memref<64xi32, #tpu.memory_space<hbm>>
        %dma_start3A_189 = tpu.memref_slice %arg5[%add3A_187] : memref<321536xi32, #tpu.memory_space<hbm>> -> memref<64xi32, #tpu.memory_space<hbm>>
        tpu.enqueue_dma source(%dma_start3A_189 : memref<64xi32, #tpu.memory_space<hbm>>) target(%arg26 : memref<64xi32, #tpu.memory_space<vmem>>) target_semaphore(%arg40 : memref<!tpu.dma_semaphore, #tpu.memory_space<semaphore_mem>>)
        %dma_start3A_190 = tpu.memref_slice %arg6[%add3A_187] : memref<321536xi32, #tpu.memory_space<hbm>> -> memref<64xi32, #tpu.memory_space<hbm>>
        %dma_start3A_191 = tpu.memref_slice %arg6[%add3A_187] : memref<321536xi32, #tpu.memory_space<hbm>> -> memref<64xi32, #tpu.memory_space<hbm>>
        tpu.enqueue_dma source(%dma_start3A_191 : memref<64xi32, #tpu.memory_space<hbm>>) target(%arg27 : memref<64xi32, #tpu.memory_space<vmem>>) target_semaphore(%arg40 : memref<!tpu.dma_semaphore, #tpu.memory_space<semaphore_mem>>)
        %dma_start3A_192 = tpu.memref_slice %arg7[%add3A_187] : memref<321536xi32, #tpu.memory_space<hbm>> -> memref<64xi32, #tpu.memory_space<hbm>>
        %dma_start3A_193 = tpu.memref_slice %arg7[%add3A_187] : memref<321536xi32, #tpu.memory_space<hbm>> -> memref<64xi32, #tpu.memory_space<hbm>>
        tpu.enqueue_dma source(%dma_start3A_193 : memref<64xi32, #tpu.memory_space<hbm>>) target(%arg28 : memref<64xi32, #tpu.memory_space<vmem>>) target_semaphore(%arg40 : memref<!tpu.dma_semaphore, #tpu.memory_space<semaphore_mem>>)
        %dma_start3A_194 = arith.constant 0 : i32
        %dma_start3A_195 = tpu.memref_slice %arg8[%add3A_187, %dma_start3A_194] : memref<321536x4xf32, #tpu.memory_space<hbm>> -> memref<64x4xf32, #tpu.memory_space<hbm>>
        %dma_start3A_196 = arith.constant 0 : i32
        %dma_start3A_197 = tpu.memref_slice %arg8[%add3A_187, %dma_start3A_196] : memref<321536x4xf32, #tpu.memory_space<hbm>> -> memref<64x4xf32, #tpu.memory_space<hbm>>
        tpu.enqueue_dma source(%dma_start3A_197 : memref<64x4xf32, #tpu.memory_space<hbm>>) target(%arg29 : memref<64x4xf32, #tpu.memory_space<vmem>>) target_semaphore(%arg40 : memref<!tpu.dma_semaphore, #tpu.memory_space<semaphore_mem>>)
      } else {
      }
      %scan3A_182 = arith.constant 0 : i32
      scf.yield %scan3A_182 : i32
    }
    %scan3A_66 = arith.constant 157 : i32
    %dma_wait3A_67 = arith.constant 0 : i32
    %dma_wait3A_68 = arith.constant 0 : i32
    %dma_wait3A_69 = tpu.memref_slice %arg37[%dma_wait3A_67, %dma_wait3A_68] : memref<5120x128xf32, #tpu.memory_space<vmem_shared>> -> memref<5120x128xf32, #tpu.memory_space<vmem_shared>>
    tpu.wait_indirect_dma semaphore(%arg43 : memref<!tpu.dma_semaphore, #tpu.memory_space<semaphore_mem>>) src(%arg32 : memref<64x128xf32, #tpu.memory_space<vmem>>) dst(%dma_wait3A_69 : memref<5120x128xf32, #tpu.memory_space<vmem_shared>>)
    %dma_wait3A_70 = tpu.memref_slice %arg15[%add3A] : memref<643072xf32, #tpu.memory_space<hbm>> -> memref<64xf32, #tpu.memory_space<hbm>>
    %dma_wait3A_71 = tpu.memref_slice %arg15[%add3A] : memref<643072xf32, #tpu.memory_space<hbm>> -> memref<64xf32, #tpu.memory_space<hbm>>
    tpu.wait_dma2 semaphore(%arg44 : memref<!tpu.dma_semaphore, #tpu.memory_space<semaphore_mem>>) src(%arg36 : memref<64xf32, #tpu.memory_space<vmem>>) dst(%dma_wait3A_71 : memref<64xf32, #tpu.memory_space<hbm>>)
    "tpu.region"() ({
      %run_scoped3A = tpu.sem_alloc : memref<!tpu.dma_semaphore, #tpu.memory_space<semaphore_mem>>
      %dma_start3A_78 = arith.constant 0 : i32
      %dma_start3A_79 = arith.constant 0 : i32
      %dma_start3A_80 = tpu.memref_slice %arg38[%dma_start3A_78, %dma_start3A_79] : memref<80x128xf32, #tpu.memory_space<vmem_shared>> -> memref<80x128xf32, #tpu.memory_space<vmem_shared>>
      tpu.enqueue_indirect_dma source(%arg33 : memref<80x128xf32, #tpu.memory_space<vmem>>) target(%dma_start3A_80 : memref<80x128xf32, #tpu.memory_space<vmem_shared>>) offsets(%arg34 : memref<80xi32, #tpu.memory_space<vmem>>) semaphore(%run_scoped3A : memref<!tpu.dma_semaphore, #tpu.memory_space<semaphore_mem>>) {add = true}
      %dma_wait3A_81 = arith.constant 0 : i32
      %dma_wait3A_82 = arith.constant 0 : i32
      %dma_wait3A_83 = tpu.memref_slice %arg38[%dma_wait3A_81, %dma_wait3A_82] : memref<80x128xf32, #tpu.memory_space<vmem_shared>> -> memref<80x128xf32, #tpu.memory_space<vmem_shared>>
      tpu.wait_indirect_dma semaphore(%run_scoped3A : memref<!tpu.dma_semaphore, #tpu.memory_space<semaphore_mem>>) src(%arg33 : memref<80x128xf32, #tpu.memory_space<vmem>>) dst(%dma_wait3A_83 : memref<80x128xf32, #tpu.memory_space<vmem_shared>>)
      tpu.yield
    }) : () -> ()
    %barrier3A_72 = arith.constant 0 : index
    tpu.barrier barrier_id(%barrier3A_72)
    "tpu.region"() ({
      %run_scoped3A = tpu.sem_alloc : memref<!tpu.dma_semaphore, #tpu.memory_space<semaphore_mem>>
      %dma_start3A_78 = arith.constant 0 : i32
      %dma_start3A_79 = tpu.memref_slice %arg13[%arg0, %mul3A_0, %dma_start3A_78] : memref<2x5120x128xf32, #tpu.memory_space<hbm>> -> memref<1x320x128xf32, #tpu.memory_space<hbm>>
      %dma_start3A_80 = tpu.memref_squeeze %dma_start3A_79 : memref<1x320x128xf32, #tpu.memory_space<hbm>> -> memref<320x128xf32, #tpu.memory_space<hbm>>
      %dma_start3A_81 = arith.constant 0 : i32
      %dma_start3A_82 = tpu.memref_slice %arg37[%mul3A_0, %dma_start3A_81] : memref<5120x128xf32, #tpu.memory_space<vmem_shared>> -> memref<320x128xf32, #tpu.memory_space<vmem_shared>>
      tpu.enqueue_dma source(%dma_start3A_82 : memref<320x128xf32, #tpu.memory_space<vmem_shared>>) target(%dma_start3A_80 : memref<320x128xf32, #tpu.memory_space<hbm>>) target_semaphore(%run_scoped3A : memref<!tpu.dma_semaphore, #tpu.memory_space<semaphore_mem>>)
      %dma_wait3A_83 = arith.constant 0 : i32
      %dma_wait3A_84 = tpu.memref_slice %arg13[%arg0, %mul3A_0, %dma_wait3A_83] : memref<2x5120x128xf32, #tpu.memory_space<hbm>> -> memref<1x320x128xf32, #tpu.memory_space<hbm>>
      %dma_wait3A_85 = tpu.memref_squeeze %dma_wait3A_84 : memref<1x320x128xf32, #tpu.memory_space<hbm>> -> memref<320x128xf32, #tpu.memory_space<hbm>>
      %dma_wait3A_86 = arith.constant 0 : i32
      %dma_wait3A_87 = tpu.memref_slice %arg37[%mul3A_0, %dma_wait3A_86] : memref<5120x128xf32, #tpu.memory_space<vmem_shared>> -> memref<320x128xf32, #tpu.memory_space<vmem_shared>>
      tpu.wait_dma2 semaphore(%run_scoped3A : memref<!tpu.dma_semaphore, #tpu.memory_space<semaphore_mem>>) src(%dma_wait3A_87 : memref<320x128xf32, #tpu.memory_space<vmem_shared>>) dst(%dma_wait3A_85 : memref<320x128xf32, #tpu.memory_space<hbm>>)
      tpu.yield
    }) : () -> ()
    %eq3A_73 = arith.constant 0 : i32
    %eq3A_74 = arith.cmpi eq, %arg1, %eq3A_73 : i32
    %convert_element_type3A_75 = arith.extui %eq3A_74 : i1 to i32
    %cond3A_76 = arith.constant 0 : i32
    %cond3A_77 = arith.cmpi ne, %convert_element_type3A_75, %cond3A_76 : i32
    scf.if %cond3A_77 {
      "tpu.region"() ({
        %run_scoped3A = tpu.sem_alloc : memref<!tpu.dma_semaphore, #tpu.memory_space<semaphore_mem>>
        %dma_start3A_78 = arith.constant 0 : i32
        %dma_start3A_79 = arith.constant 0 : i32
        %dma_start3A_80 = tpu.memref_slice %arg14[%arg0, %dma_start3A_78, %dma_start3A_79] : memref<2x80x128xf32, #tpu.memory_space<hbm>> -> memref<1x80x128xf32, #tpu.memory_space<hbm>>
        %dma_start3A_81 = tpu.memref_squeeze %dma_start3A_80 : memref<1x80x128xf32, #tpu.memory_space<hbm>> -> memref<80x128xf32, #tpu.memory_space<hbm>>
        %dma_start3A_82 = arith.constant 0 : i32
        %dma_start3A_83 = arith.constant 0 : i32
        %dma_start3A_84 = tpu.memref_slice %arg38[%dma_start3A_82, %dma_start3A_83] : memref<80x128xf32, #tpu.memory_space<vmem_shared>> -> memref<80x128xf32, #tpu.memory_space<vmem_shared>>
        tpu.enqueue_dma source(%dma_start3A_84 : memref<80x128xf32, #tpu.memory_space<vmem_shared>>) target(%dma_start3A_81 : memref<80x128xf32, #tpu.memory_space<hbm>>) target_semaphore(%run_scoped3A : memref<!tpu.dma_semaphore, #tpu.memory_space<semaphore_mem>>)
        %dma_wait3A_85 = arith.constant 0 : i32
        %dma_wait3A_86 = arith.constant 0 : i32
        %dma_wait3A_87 = tpu.memref_slice %arg14[%arg0, %dma_wait3A_85, %dma_wait3A_86] : memref<2x80x128xf32, #tpu.memory_space<hbm>> -> memref<1x80x128xf32, #tpu.memory_space<hbm>>
        %dma_wait3A_88 = tpu.memref_squeeze %dma_wait3A_87 : memref<1x80x128xf32, #tpu.memory_space<hbm>> -> memref<80x128xf32, #tpu.memory_space<hbm>>
        %dma_wait3A_89 = arith.constant 0 : i32
        %dma_wait3A_90 = arith.constant 0 : i32
        %dma_wait3A_91 = tpu.memref_slice %arg38[%dma_wait3A_89, %dma_wait3A_90] : memref<80x128xf32, #tpu.memory_space<vmem_shared>> -> memref<80x128xf32, #tpu.memory_space<vmem_shared>>
        tpu.wait_dma2 semaphore(%run_scoped3A : memref<!tpu.dma_semaphore, #tpu.memory_space<semaphore_mem>>) src(%dma_wait3A_91 : memref<80x128xf32, #tpu.memory_space<vmem_shared>>) dst(%dma_wait3A_88 : memref<80x128xf32, #tpu.memory_space<hbm>>)
        tpu.yield
      }) : () -> ()
    } else {
    }
    return
  }
}

module attributes {stable_mosaic.version = 14 : i64} {
  func.func @_tc1_body(%arg0: i32, %arg1: memref<256x128xf32, #tpu.memory_space<vmem>>, %arg2: memref<256x8xf32, #tpu.memory_space<vmem>>, %arg3: memref<128x128xf32, #tpu.memory_space<vmem>>, %arg4: memref<8x128xf32, #tpu.memory_space<vmem>>, %arg5: memref<128x128xf32, #tpu.memory_space<vmem>>, %arg6: memref<128x8xf32, #tpu.memory_space<vmem>>, %arg7: memref<256x128xf32, #tpu.memory_space<vmem>>, %arg8: memref<256x128xf32, #tpu.memory_space<vmem>>, %arg9: memref<256x8xf32, #tpu.memory_space<vmem>>) attributes {dimension_semantics = [#tpu.dimension_semantics<arbitrary>], iteration_bounds = array<i64: 40>, scalar_prefetch = 0 : i64, scratch_operands = 0 : i64, tpu.core_type = #tpu.core_type<tc>, window_params = [{transform_indices = @transform_0, window_bounds = array<i64: 256, 128>}, {transform_indices = @transform_1, window_bounds = array<i64: 256, 8>}, {pipeline_mode = #tpu.pipeline_mode<synchronous>, transform_indices = @transform_2, window_bounds = array<i64: 128, 128>}, {pipeline_mode = #tpu.pipeline_mode<synchronous>, transform_indices = @transform_3, window_bounds = array<i64: 8, 128>}, {pipeline_mode = #tpu.pipeline_mode<synchronous>, transform_indices = @transform_4, window_bounds = array<i64: 128, 128>}, {pipeline_mode = #tpu.pipeline_mode<synchronous>, transform_indices = @transform_5, window_bounds = array<i64: 128, 8>}, {transform_indices = @transform_6, window_bounds = array<i64: 256, 128>}, {transform_indices = @transform_7, window_bounds = array<i64: 256, 128>}, {transform_indices = @transform_8, window_bounds = array<i64: 256, 8>}]} {
    %get3A = arith.constant 0 : index
    %get3A_0 = arith.constant 0 : index
    %get3A_1 = vector.load %arg1[%get3A, %get3A_0] : memref<256x128xf32, #tpu.memory_space<vmem>>, vector<256x128xf32>
    %get3A_2 = arith.constant 0 : index
    %get3A_3 = arith.constant 0 : index
    %get3A_4 = vector.load %arg3[%get3A_2, %get3A_3] : memref<128x128xf32, #tpu.memory_space<vmem>>, vector<128x128xf32>
    %dot_general3A = arith.constant dense<0.000000e+00> : vector<256x128xf32>
    %dot_general3A_5 = tpu.matmul %get3A_1, %get3A_4, %dot_general3A {dimension_numbers = #tpu.dot_dimension_numbers<[1], [0], [0], [1], [0, 0, 1, 1], [], []>, transpose_lhs_hint = false} : vector<256x128xf32>, vector<128x128xf32>, vector<256x128xf32> -> vector<256x128xf32>
    %get3A_6 = arith.constant 0 : index
    %get3A_7 = arith.constant 0 : index
    %get3A_8 = vector.load %arg2[%get3A_6, %get3A_7] : memref<256x8xf32, #tpu.memory_space<vmem>>, vector<256x8xf32>
    %get3A_9 = arith.constant 0 : index
    %get3A_10 = arith.constant 0 : index
    %get3A_11 = vector.load %arg4[%get3A_9, %get3A_10] : memref<8x128xf32, #tpu.memory_space<vmem>>, vector<8x128xf32>
    %dot_general3A_12 = arith.constant dense<0.000000e+00> : vector<256x128xf32>
    %dot_general3A_13 = tpu.matmul %get3A_8, %get3A_11, %dot_general3A_12 {dimension_numbers = #tpu.dot_dimension_numbers<[1], [0], [0], [1], [0, 0, 1, 1], [], []>, transpose_lhs_hint = false} : vector<256x8xf32>, vector<8x128xf32>, vector<256x128xf32> -> vector<256x128xf32>
    %add3A = arith.addf %dot_general3A_5, %dot_general3A_13 : vector<256x128xf32>
    %max3A = arith.constant 0.000000e+00 : f32
    %max3A_14 = vector.broadcast %max3A : f32 to vector<256x128xf32>
    %max3A_15 = arith.maximumf %add3A, %max3A_14 : vector<256x128xf32>
    %swap3A = arith.constant 0 : index
    %swap3A_16 = arith.constant 0 : index
    %swap3A_17 = vector.load %arg7[%swap3A, %swap3A_16] : memref<256x128xf32, #tpu.memory_space<vmem>>, vector<256x128xf32>
    tpu.vector_store %arg7[%swap3A, %swap3A_16], %max3A_15 {strides = array<i32>} : memref<256x128xf32, #tpu.memory_space<vmem>>, vector<256x128xf32>,
    %get3A_18 = arith.constant 0 : index
    %get3A_19 = arith.constant 0 : index
    %get3A_20 = vector.load %arg5[%get3A_18, %get3A_19] : memref<128x128xf32, #tpu.memory_space<vmem>>, vector<128x128xf32>
    %dot_general3A_21 = arith.constant dense<0.000000e+00> : vector<256x128xf32>
    %dot_general3A_22 = tpu.matmul %max3A_15, %get3A_20, %dot_general3A_21 {dimension_numbers = #tpu.dot_dimension_numbers<[1], [0], [0], [1], [0, 0, 1, 1], [], []>, transpose_lhs_hint = false} : vector<256x128xf32>, vector<128x128xf32>, vector<256x128xf32> -> vector<256x128xf32>
    %swap3A_23 = arith.constant 0 : index
    %swap3A_24 = arith.constant 0 : index
    %swap3A_25 = vector.load %arg8[%swap3A_23, %swap3A_24] : memref<256x128xf32, #tpu.memory_space<vmem>>, vector<256x128xf32>
    tpu.vector_store %arg8[%swap3A_23, %swap3A_24], %dot_general3A_22 {strides = array<i32>} : memref<256x128xf32, #tpu.memory_space<vmem>>, vector<256x128xf32>,
    %get3A_26 = arith.constant 0 : index
    %get3A_27 = arith.constant 0 : index
    %get3A_28 = vector.load %arg6[%get3A_26, %get3A_27] : memref<128x8xf32, #tpu.memory_space<vmem>>, vector<128x8xf32>
    %dot_general3A_29 = arith.constant dense<0.000000e+00> : vector<256x8xf32>
    %dot_general3A_30 = tpu.matmul %max3A_15, %get3A_28, %dot_general3A_29 {dimension_numbers = #tpu.dot_dimension_numbers<[1], [0], [0], [1], [0, 0, 1, 1], [], []>, transpose_lhs_hint = false} : vector<256x128xf32>, vector<128x8xf32>, vector<256x8xf32> -> vector<256x8xf32>
    %swap3A_31 = arith.constant 0 : index
    %swap3A_32 = arith.constant 0 : index
    %swap3A_33 = vector.load %arg9[%swap3A_31, %swap3A_32] : memref<256x8xf32, #tpu.memory_space<vmem>>, vector<256x8xf32>
    tpu.vector_store %arg9[%swap3A_31, %swap3A_32], %dot_general3A_30 {strides = array<i32>} : memref<256x8xf32, #tpu.memory_space<vmem>>, vector<256x8xf32>,
    return
  }
  func.func @transform_0(%arg0: i32) -> (i32, i32) {
    %c0_i32 = arith.constant 0 : i32
    %c0_i32_0 = arith.constant 0 : i32
    return %arg0, %c0_i32 : i32, i32
  }
  func.func @transform_1(%arg0: i32) -> (i32, i32) {
    %c0_i32 = arith.constant 0 : i32
    %c0_i32_0 = arith.constant 0 : i32
    return %arg0, %c0_i32 : i32, i32
  }
  func.func @transform_2(%arg0: i32) -> (i32, i32) {
    %c0_i32 = arith.constant 0 : i32
    %c0_i32_0 = arith.constant 0 : i32
    %c0_i32_1 = arith.constant 0 : i32
    return %c0_i32, %c0_i32_0 : i32, i32
  }
  func.func @transform_3(%arg0: i32) -> (i32, i32) {
    %c0_i32 = arith.constant 0 : i32
    %c0_i32_0 = arith.constant 0 : i32
    %c0_i32_1 = arith.constant 0 : i32
    return %c0_i32, %c0_i32_0 : i32, i32
  }
  func.func @transform_4(%arg0: i32) -> (i32, i32) {
    %c0_i32 = arith.constant 0 : i32
    %c0_i32_0 = arith.constant 0 : i32
    %c0_i32_1 = arith.constant 0 : i32
    return %c0_i32, %c0_i32_0 : i32, i32
  }
  func.func @transform_5(%arg0: i32) -> (i32, i32) {
    %c0_i32 = arith.constant 0 : i32
    %c0_i32_0 = arith.constant 0 : i32
    %c0_i32_1 = arith.constant 0 : i32
    return %c0_i32, %c0_i32_0 : i32, i32
  }
  func.func @transform_6(%arg0: i32) -> (i32, i32) {
    %c0_i32 = arith.constant 0 : i32
    %c0_i32_0 = arith.constant 0 : i32
    return %arg0, %c0_i32 : i32, i32
  }
  func.func @transform_7(%arg0: i32) -> (i32, i32) {
    %c0_i32 = arith.constant 0 : i32
    %c0_i32_0 = arith.constant 0 : i32
    return %arg0, %c0_i32 : i32, i32
  }
  func.func @transform_8(%arg0: i32) -> (i32, i32) {
    %c0_i32 = arith.constant 0 : i32
    %c0_i32_0 = arith.constant 0 : i32
    return %arg0, %c0_i32 : i32, i32
  }
}

module attributes {stable_mosaic.version = 14 : i64} {
  func.func @_tc2_body(%arg0: i32, %arg1: memref<256x128xf32, #tpu.memory_space<vmem>>, %arg2: memref<256x128xf32, #tpu.memory_space<vmem>>, %arg3: memref<256x1xf32, #tpu.memory_space<vmem>>, %arg4: memref<128x8xf32, #tpu.memory_space<vmem>>, %arg5: memref<256x8xf32, #tpu.memory_space<vmem>>) attributes {dimension_semantics = [#tpu.dimension_semantics<arbitrary>], iteration_bounds = array<i64: 40>, scalar_prefetch = 0 : i64, scratch_operands = 0 : i64, tpu.core_type = #tpu.core_type<tc>, window_params = [{transform_indices = @transform_0, window_bounds = array<i64: 256, 128>}, {transform_indices = @transform_1, window_bounds = array<i64: 256, 128>}, {transform_indices = @transform_2, window_bounds = array<i64: 256, 1>}, {pipeline_mode = #tpu.pipeline_mode<synchronous>, transform_indices = @transform_3, window_bounds = array<i64: 128, 8>}, {transform_indices = @transform_4, window_bounds = array<i64: 256, 8>}]} {
    %get3A = arith.constant 0 : index
    %get3A_0 = arith.constant 0 : index
    %get3A_1 = vector.load %arg3[%get3A, %get3A_0] : memref<256x1xf32, #tpu.memory_space<vmem>>, vector<256x1xf32>
    %add3A = arith.constant 9.99999971E-10 : f32
    %add3A_2 = vector.broadcast %add3A : f32 to vector<256x1xf32>
    %add3A_3 = arith.addf %get3A_1, %add3A_2 : vector<256x1xf32>
    %get3A_4 = arith.constant 0 : index
    %get3A_5 = arith.constant 0 : index
    %get3A_6 = vector.load %arg2[%get3A_4, %get3A_5] : memref<256x128xf32, #tpu.memory_space<vmem>>, vector<256x128xf32>
    %div3A = vector.broadcast %add3A_3 : vector<256x1xf32> to vector<256x128xf32>
    %div3A_7 = arith.divf %get3A_6, %div3A : vector<256x128xf32>
    %get3A_8 = arith.constant 0 : index
    %get3A_9 = arith.constant 0 : index
    %get3A_10 = vector.load %arg1[%get3A_8, %get3A_9] : memref<256x128xf32, #tpu.memory_space<vmem>>, vector<256x128xf32>
    %add3A_11 = arith.addf %get3A_10, %div3A_7 : vector<256x128xf32>
    %max3A = arith.constant 0.000000e+00 : f32
    %max3A_12 = vector.broadcast %max3A : f32 to vector<256x128xf32>
    %max3A_13 = arith.maximumf %add3A_11, %max3A_12 : vector<256x128xf32>
    %get3A_14 = arith.constant 0 : index
    %get3A_15 = arith.constant 0 : index
    %get3A_16 = vector.load %arg4[%get3A_14, %get3A_15] : memref<128x8xf32, #tpu.memory_space<vmem>>, vector<128x8xf32>
    %dot_general3A = arith.constant dense<0.000000e+00> : vector<256x8xf32>
    %dot_general3A_17 = tpu.matmul %max3A_13, %get3A_16, %dot_general3A {dimension_numbers = #tpu.dot_dimension_numbers<[1], [0], [0], [1], [0, 0, 1, 1], [], []>, transpose_lhs_hint = false} : vector<256x128xf32>, vector<128x8xf32>, vector<256x8xf32> -> vector<256x8xf32>
    %swap3A = arith.constant 0 : index
    %swap3A_18 = arith.constant 0 : index
    %swap3A_19 = vector.load %arg5[%swap3A, %swap3A_18] : memref<256x8xf32, #tpu.memory_space<vmem>>, vector<256x8xf32>
    tpu.vector_store %arg5[%swap3A, %swap3A_18], %dot_general3A_17 {strides = array<i32>} : memref<256x8xf32, #tpu.memory_space<vmem>>, vector<256x8xf32>,
    return
  }
  func.func @transform_0(%arg0: i32) -> (i32, i32) {
    %c0_i32 = arith.constant 0 : i32
    %c0_i32_0 = arith.constant 0 : i32
    return %arg0, %c0_i32 : i32, i32
  }
  func.func @transform_1(%arg0: i32) -> (i32, i32) {
    %c0_i32 = arith.constant 0 : i32
    %c0_i32_0 = arith.constant 0 : i32
    return %arg0, %c0_i32 : i32, i32
  }
  func.func @transform_2(%arg0: i32) -> (i32, i32) {
    %c0_i32 = arith.constant 0 : i32
    %c0_i32_0 = arith.constant 0 : i32
    return %arg0, %c0_i32 : i32, i32
  }
  func.func @transform_3(%arg0: i32) -> (i32, i32) {
    %c0_i32 = arith.constant 0 : i32
    %c0_i32_0 = arith.constant 0 : i32
    %c0_i32_1 = arith.constant 0 : i32
    return %c0_i32, %c0_i32_0 : i32, i32
  }
  func.func @transform_4(%arg0: i32) -> (i32, i32) {
    %c0_i32 = arith.constant 0 : i32
    %c0_i32_0 = arith.constant 0 : i32
    return %arg0, %c0_i32 : i32, i32
  }
}

module attributes {stable_mosaic.version = 14 : i64} {
  func.func @_tc3_body(%arg0: i32, %arg1: memref<2x2512x128xf32, #tpu.memory_space<vmem>>, %arg2: memref<2512x128xf32, #tpu.memory_space<vmem>>) attributes {dimension_semantics = [#tpu.dimension_semantics<arbitrary>], iteration_bounds = array<i64: 1>, scalar_prefetch = 0 : i64, scratch_operands = 0 : i64, tpu.core_type = #tpu.core_type<tc>, window_params = [{pipeline_mode = #tpu.pipeline_mode<synchronous>, transform_indices = @transform_0, window_bounds = array<i64: 2, 2512, 128>}, {pipeline_mode = #tpu.pipeline_mode<synchronous>, transform_indices = @transform_1, window_bounds = array<i64: 2512, 128>}]} {
    %get3A = arith.constant 0 : index
    %get3A_0 = arith.constant 0 : index
    %get3A_1 = arith.constant 0 : index
    %get3A_2 = vector.load %arg1[%get3A, %get3A_0, %get3A_1] : memref<2x2512x128xf32, #tpu.memory_space<vmem>>, vector<2x2512x128xf32>
    %slice3A = vector.extract_strided_slice %get3A_2 {offsets = [0, 0, 0], sizes = [1, 2512, 128], strides = [1, 1, 1]} : vector<2x2512x128xf32> to vector<1x2512x128xf32>
    %squeeze3A = vector.shape_cast %slice3A : vector<1x2512x128xf32> to vector<2512x128xf32>
    %slice3A_3 = vector.extract_strided_slice %get3A_2 {offsets = [1, 0, 0], sizes = [1, 2512, 128], strides = [1, 1, 1]} : vector<2x2512x128xf32> to vector<1x2512x128xf32>
    %squeeze3A_4 = vector.shape_cast %slice3A_3 : vector<1x2512x128xf32> to vector<2512x128xf32>
    %add3A = arith.addf %squeeze3A, %squeeze3A_4 : vector<2512x128xf32>
    %swap3A = arith.constant 0 : index
    %swap3A_5 = arith.constant 0 : index
    %swap3A_6 = vector.load %arg2[%swap3A, %swap3A_5] : memref<2512x128xf32, #tpu.memory_space<vmem>>, vector<2512x128xf32>
    tpu.vector_store %arg2[%swap3A, %swap3A_5], %add3A {strides = array<i32>} : memref<2512x128xf32, #tpu.memory_space<vmem>>, vector<2512x128xf32>,
    return
  }
  func.func @transform_0(%arg0: i32) -> (i32, i32, i32) {
    %c0_i32 = arith.constant 0 : i32
    %c0_i32_0 = arith.constant 0 : i32
    %c0_i32_1 = arith.constant 0 : i32
    %c0_i32_2 = arith.constant 0 : i32
    return %c0_i32, %c0_i32_0, %c0_i32_1 : i32, i32, i32
  }
  func.func @transform_1(%arg0: i32) -> (i32, i32) {
    %c0_i32 = arith.constant 0 : i32
    %c0_i32_0 = arith.constant 0 : i32
    %c0_i32_1 = arith.constant 0 : i32
    return %c0_i32, %c0_i32_0 : i32, i32
  }
}

</mosaic_0001>

<sc_bundles>
// kernel: _run.6.cloned.1.call-start
scs
__scs_entry_jumppad:
0x0: {  	(pc) =	sbr.rel $0x88, $3  }
0x1: {  	(tag) =	ssettag $0x0;
	lr =	simm.s32 $0x1  }
0x2: {  	[smem:$0x3F92] =	sst lr;
	_ =	strace $0xD0000000  }
0x3: {  	_ = 	snop  }
0x4: {  	_ = 	snop  }
0x5: {  	_ = 	snop  }
0x6: {  	_ = 	snop  }
0x7: {  	_ = 	snop  }
__scs_overlays_trampoline_lowered:
0x8: {  	[smem:$0x3FA1] =	sst s0  }
0x9: {  	[smem:$0x3FA2] =	sst s1  }
0xa: {  	[smem:$0x3FA3] =	sst s2  }
0xb: {  	[smem:$0x3FA4] =	sst s3  }
0xc: {  	[smem:$0x3FA5] =	sst s4  }
0xd: {  	[smem:$0x3FA6] =	sst s5  }
0xe: {  	[smem:$0x3FA7] =	sst s6  }
0xf: {  	[smem:$0x3FA8] =	sst s7  }
0x10: {  	[smem:$0x3FA9] =	sst s8  }
0x11: {  	[smem:$0x3FAA] =	sst s9;
	s0 =	simm.s32 @!p0 $0x0  }
0x12: {  	s1 =	sld [smem:$0x3F90];
	s0 =	simm.s32 @p0 $0x1  }
0x13: {  	[smem:$0x3FAB] =	sst s0;
	s0 =	simm.s32 @!p1 $0x0  }
0x14: {  	s2 =	sld [smem:$0x3F8F];
	s0 =	simm.s32 @p1 $0x1  }
0x15: {  	[smem:$0x3FAC] =	sst s0;
	s0 =	simm.s32 @!p2 $0x0  }
0x16: {  	s3 =	sld [smem:$0x3FDB];
	s0 =	simm.s32 @p2 $0x1  }
0x17: {  	s4 =	simm.s32 $0x1BF5;
	[smem:$0x3FAE] =	sst s0  }
0x18: {  	s0 =	sld [smem:$0x3F91];
	_ =	swait.ge [sflag:s4], $0x0  }
0x19: {  	s7 =	sld [smem:$0x3F92]  }
0x1a: {  	s8 =	sadd.s32 $0xFFFFE003, lr  }
0x1b: {  	s9 =	sadd.s32 $0xFFFFFEF7, lr;
	s5 =	simm.s32 $0xFFFFFFFF;
	p2 =	slt.u32 s8, $0xFFFFF086  }
0x1c: {  	p1 =	slt.u32 s9, $0xF7A;
	s5 =	simm.s32 @!p2 $0x0  }
0x1d: {  	s5 =	simm.s32 @p1 $0x1;
	p0 =	seq.s32 s7, s2  }
0x1e: {  	s7 =	smul.u32 @!p0 $0xF7A, s2;
	p2 =	seq.s32 @!p0 s5, $0x0  }
0x1f: {  	s9 =	smul.u32 $0xF7A, s1;
	s8 =	simm.s32 @!p0 $0x1BF5;
	p2 =	por !p2, p0  }
0x20: {  	[sflag:s8] =	ssyncset.s32 @!p0 $0xFFFFF086;
	s6 =	sadd.s32 @!p0 s3, s7;
	s7 =	simm.s32 @!p0 $0x108  }
0x21: {  	s3 =	sadd.s32 s3, s9;
	s6 =	sadd.s32 @!p0 $0x88, s6;
	s7 =	simm.s32 @p2 $0x1082  }
0x22: {  	[simem:s7], [sflag:s8] =	dma.local @!p0 [hbm:s6], $0xF7A  }
0x23: {  	s9 =	sor.u32 $0xD0000000, s2;
	s6 =	simm.s32 $0x108;
	_ =	swait.ge @!p0 [sflag:s8], $0x0  }
0x24: {  	s3 =	sadd.s32 $0x88, s3;
	s6 =	simm.s32 @!p1 $0x1082;
	[sflag:s4] =	ssyncset.s32 $0xFFFFF086  }
0x25: {  	[simem:s6], [sflag:s4] =	dma.local [hbm:s3], $0xF7A  }
0x26: {  	[smem:$0x3F92] =	sst s1;
	(tag) =	ssettag s2;
	_ =	strace s9  }
0x27: {  	s1 =	sld [smem:$0x3FA2]  }
0x28: {  	s2 =	sld [smem:$0x3FA3]  }
0x29: {  	s4 =	sld [smem:$0x3FA5]  }
0x2a: {  	p0 =	seq.s32 s5, $0x0;
	s5 =	sld [smem:$0x3FA6]  }
0x2b: {  	s6 =	sld [smem:$0x3FA7]  }
0x2c: {  	s7 =	sld [smem:$0x3FA8]  }
0x2d: {  	s3 =	simm.s32 $0x108;
	s8 =	sld [smem:$0x3FA9]  }
0x2e: {  	s3 =	simm.s32 @!p0 $0x1082;
	s9 =	sld [smem:$0x3FAA]  }
0x2f: {  	lr =	sadd.s32 s0, s3;
	s0 =	sld [smem:$0x3FA1]  }
0x30: {  	s3 =	sld [smem:$0x3FA4]  }
0x31: {  	[smem:$0x3FAD] =	sst s10  }
0x32: {  	s10 =	sld [smem:$0x3FAB];
	_ =	sdelay $0x3  }
0x33: {  	p0 =	seq.s32 s10, $0x1;
	s10 =	sld [smem:$0x3FAD];
	_ =	sdelay $0x3  }
0x34: {  	[smem:$0x3FAD] =	sst s10  }
0x35: {  	s10 =	sld [smem:$0x3FAC];
	_ =	sdelay $0x3  }
0x36: {  	p1 =	seq.s32 s10, $0x1;
	s10 =	sld [smem:$0x3FAD];
	_ =	sdelay $0x3  }
0x37: {  	[smem:$0x3FAD] =	sst s10  }
0x38: {  	s10 =	sld [smem:$0x3FAE]  }
0x39: {  	_ = 	snop;
	(pc) =	sbr.ind lr, $3  }
0x3a: {  	_ = 	snop  }
0x3b: {  	_ = 	snop  }
0x3c: {  	p2 =	seq.s32 s10, $0x1;
	s10 =	sld [smem:$0x3FAD]  }
0x3d: {  	_ =	shalt  }
0x3e: {  	_ =	shalt  }
0x3f: {  	_ =	shalt  }
0x40: {  	_ =	shalt  }
0x41: {  	_ =	shalt  }
0x42: {  	_ =	shalt  }
0x43: {  	_ =	shalt  }
0x44: {  	_ =	shalt  }
0x45: {  	_ =	shalt  }
0x46: {  	_ =	shalt  }
0x47: {  	_ =	shalt  }
0x48: {  	_ =	shalt  }
0x49: {  	_ =	shalt  }
0x4a: {  	_ =	shalt  }
0x4b: {  	_ =	shalt  }
0x4c: {  	_ =	shalt  }
0x4d: {  	_ =	shalt  }
0x4e: {  	_ =	shalt  }
0x4f: {  	_ =	shalt  }
0x50: {  	_ =	shalt  }
0x51: {  	_ =	shalt  }
0x52: {  	_ =	shalt  }
0x53: {  	_ =	shalt  }
0x54: {  	_ =	shalt  }
0x55: {  	_ =	shalt  }
0x56: {  	_ =	shalt  }
0x57: {  	_ =	shalt  }
0x58: {  	_ =	shalt  }
0x59: {  	_ =	shalt  }
0x5a: {  	_ =	shalt  }
0x5b: {  	_ =	shalt  }
0x5c: {  	_ =	shalt  }
0x5d: {  	_ =	shalt  }
0x5e: {  	_ =	shalt  }
0x5f: {  	_ =	shalt  }
0x60: {  	_ =	shalt  }
0x61: {  	_ =	shalt  }
0x62: {  	_ =	shalt  }
0x63: {  	_ =	shalt  }
0x64: {  	_ =	shalt  }
0x65: {  	_ =	shalt  }
0x66: {  	_ =	shalt  }
0x67: {  	_ =	shalt  }
0x68: {  	_ =	shalt  }
0x69: {  	_ =	shalt  }
0x6a: {  	_ =	shalt  }
0x6b: {  	_ =	shalt  }
0x6c: {  	_ =	shalt  }
0x6d: {  	_ =	shalt  }
0x6e: {  	_ =	shalt  }
0x6f: {  	_ =	shalt  }
0x70: {  	_ =	shalt  }
0x71: {  	_ =	shalt  }
0x72: {  	_ =	shalt  }
0x73: {  	_ =	shalt  }
0x74: {  	_ =	shalt  }
0x75: {  	_ =	shalt  }
0x76: {  	_ =	shalt  }
0x77: {  	_ =	shalt  }
0x78: {  	_ =	shalt  }
0x79: {  	_ =	shalt  }
0x7a: {  	_ =	shalt  }
0x7b: {  	_ =	shalt  }
0x7c: {  	_ =	shalt  }
0x7d: {  	_ =	shalt  }
0x7e: {  	_ =	shalt  }
0x7f: {  	_ =	shalt  }
0x80: {  	_ =	shalt  }
0x81: {  	_ =	shalt  }
0x82: {  	_ =	shalt  }
0x83: {  	_ =	shalt  }
0x84: {  	_ =	shalt  }
0x85: {  	_ =	shalt  }
0x86: {  	_ =	shalt  }
0x87: {  	_ =	shalt  }
.Lfunc_end0:
.L_simem_size_0:
called_computation_lowered:
.L_overlay_start_0:
0x88: {  	s2 =	sld [smem:$0x3FD9]  }
0x89: {  	s3 =	sld [smem:$0x3FFE];
	_ =	sdelay $0x1  }
0x8a: {  	s1 =	srdreg.scid  }
0x8b: {  	s0 =	sand.u32 $0x1, s1  }
0x8c: {  	s14 =	sshll.u32 s0, $0xA;
	s2 =	sadd.s32 s3, s2  }
0x8d: {  	s2 =	sadd.s32 s2, s14  }
0x8e: {  	[smem:$0x3FB9] =	sst s2  }
0x8f: {  	_ = 	snop  }
0x90: {  	s2 =	sld [smem:$0x3FD0];
	_ =	sdelay $0x2  }
0x91: {  	s15 =	simm.s32 $0xA;
	s4 =	simm.s32 $0x10  }
0x92: {  	[smem:s4], [sflag:s15] =	dma.local [hbm:s2], $0x1  }
0x93: {  	_ =	swait.eq [sflag:s15], $0x1  }
0x94: {  	[sflag:s15] =	ssyncset.done $0x0  }
0x95: {  	s16 =	sld [smem:$0x10];
	[sflag:s15] =	ssyncadd.s32 $0xFFFFFFFF  }
0x96: {  	s17 =	sld [smem:$0x11];
	(tm) =	ssettm $0x1  }
0x97: {  	s18 =	sld [smem:$0x3FFB];
	_ =	sdelay $0x3  }
0x98: {  	_ =	strace s18  }
0x99: {  	s4 =	sld [smem:$0x3FFC];
	_ =	sdelay $0x3  }
0x9a: {  	_ =	strace s4  }
0x9b: {  	s4 =	sld [smem:$0x3FFD];
	_ =	sdelay $0x3  }
0x9c: {  	_ =	strace s4  }
0x9d: {  	_ =	strace $0x8FFFFFFF  }
0x9e: {  	s19 =	sld [smem:$0x3FDB];
	_ =	sdelay $0x1  }
0x9f: {  	s5 =	simm.s32 $_scs_section_size  }
0xa0: {  	s6 =	simm.s32 $_size__tile_overlayer_lowered;
	s7 =	simm.s32 $_tile_overlayer_lowered  }
0xa1: {  	s22 =	simm.s32 $0x1BFF;
	s21 =	sshll.u32 s7, $0x1;
	s4 =	sadd.s32 s5, s19  }
0xa2: {  	s8 =	simm.s32 $0x0;
	s20 =	sshll.u32 s6, $0x1;
	s6 =	sadd.s32 s21, s4  }
0xa3: {  	[timem:s8], [sflag:s22] =	dma.local [hbm:s6], s20  }
0xa4: {  	_ =	swait.ge [sflag:s22], s20  }
0xa5: {  	s5 =	ssub.s32 $0x0, s20;
	[sflag:s22] =	ssyncset.done $0x0  }
0xa6: {  	[sflag:s22] =	ssyncadd.s32 s5;
	_ =	sdelay $0x1  }
0xa7: {  	s23 =	simm.s32 $0x1B8B  }
0xa8: {  	_ =	swait.ge [sflag:s23], $0x1  }
0xa9: {  	[sflag:s23] =	ssyncset.done $0x0  }
0xaa: {  	s25 =	simm.s32 $0x1B8E;
	s24 =	sld [smem:$0x3FFE];
	[sflag:s23] =	ssyncadd.s32 $0xFFFFFFFF  }
0xab: {  	s26 =	simm.s32 $execute0_lowered;
	[smem:$0x3FD2] =	sst s25  }
0xac: {  	s6 =	sshll.u32 s26, $0x1;
	_ =	strace $0x80000046;
	[dreg:$0x1] =	wrdreg $0xFFFFFFFF  }
0xad: {  	s28 =	simm.s32 $_size_execute0_lowered;
	s4 =	sadd.s32 s4, s6;
	[dreg:$0x0] =	wrdreg $0x0  }
0xae: {  	s6 =	sshll.u32 s28, $0x1;
	[dreg:$0x2] =	wrdreg s4  }
0xaf: {  	[dreg:$0x3] =	wrdreg s6  }
0xb0: {  	[dreg:$0x4] =	wrdreg $0xC0  }
0xb1: {  	_ =	task [dreg:s8], $0x5FFFF  }
0xb2: {  	[dreg:$0x1] =	wrdreg $0xFFFFFFFF  }
0xb3: {  	[dreg:$0x0] =	wrdreg $0x60  }
0xb4: {  	[dreg:$0x2] =	wrdreg s24  }
0xb5: {  	[dreg:$0x3] =	wrdreg s16  }
0xb6: {  	[dreg:$0x4] =	wrdreg s17  }
0xb7: {  	[dreg:$0x5] =	wrdreg $0x11F800  }
0xb8: {  	[dreg:$0x6] =	wrdreg $0x1BF800  }
0xb9: {  	[dreg:$0x7] =	wrdreg $0x9  }
0xba: {  	_ =	task.clear_ibuf [dreg:s8], $0x8FFFF;
	_ =	strace $0x90000046  }
0xbb: {  	s29 =	simm.s32 $0x9;
	_ =	strace $0x80000048  }
0xbc: {  	_ =	swait.ge [sflag:s29], $0x1  }
0xbd: {  	[sflag:s29] =	ssyncadd.s32 $0xFFFFFFFF  }
0xbe: {  	_ =	strace $0x90000048  }
0xbf: {  	_ =	sfence  }
0xc0: {  	s30 =	sld [smem:$0x0];
	_ =	sdelay $0x2  }
0xc1: {  	s31 =	sshll.u32 s1, $0xD;
	s1 =	sshrl.u32 s1, $0x2  }
0xc2: {  	s3 =	sand.u32 $0x4000, s31;
	s1 =	sadd.s32 s1, s30  }
0xc3: {  	s0 =	sor.u32 s3, s0;
	s1 =	sshll.u32 s1, $0x11  }
0xc4: {  	s0 =	sor.u32 s1, s0  }
0xc5: {  	s0 =	sadd.s32 $0x8F2B, s0  }
0xc6: {  	[sflag:s0] =	ssyncadd.remote.s32 $0x1  }
0xc7: {  	_ =	sfence.sel $0xFFFF  }
0xc8: {  	[dreg:$0x0] =	wrdreg $0xFFFFFFFF;
	(pc) =	sbr.abs _section_cstart, $3  }
0xc9: {  	[dreg:$0x1] =	wrdreg $0xFFFFFFFF  }
0xca: {  	_ =	task.clear_ibuf [dreg:s8], $0x2FFFF;
	_ =	strace $0x9FFFFFFF  }
0xcb: {  	(tm) =	ssettm $0x7FFFFFFF  }
tec
execute0_lowered:
.L_overlay_start_1:
0x0: {  	(tag) =	ssettag $0x1  }
0x1: {  	s0 =	rddreg [dreg:$0x0]  }
0x2: {  	s1 =	rddreg [dreg:$0x1]  }
0x3: {  	s2 =	rddreg [dreg:$0x2]  }
0x4: {  	s8 =	rddreg [dreg:$0x3]  }
0x5: {  	s9 =	rddreg [dreg:$0x4]  }
0x6: {  	s3 =	simm.s32 $0x0;
	s4 =	srdreg.scid;
	s10 =	stileid.u32  }
0x7: {  	s28 =	simm.s32 $0x2;
	s29 =	simm.s32 $0xB580;
	s31 =	simm.s32 $0x11E80  }
0x8: {  	[smem:$0x7FF] =	sst s3;
	s5 =	sadd.s32 $0x2BC00, s0;
	s4 =	sand.u32 $0x1, s4  }
0x9: {  	s6 =	smul.u32 $0xA000, s10;
	s7 =	sadd.s32 $0x54200, s0;
	s24 =	sadd.s32 $0x53C00, s0  }
0xa: {  	s16 =	sadd.s32 $0x5E600, s0;
	s17 =	sadd.s32 $0x68400, s0;
	s18 =	sadd.s32 $0x54800, s0  }
0xb: {  	s19 =	sadd.s32 $0x536800, s0;
	_ =	strace $0x80000047;
	[dreg:$0x8] =	wrdreg s5  }
0xc: {  	s26 =	sadd.s32 $0x72600, s0;
	s30 =	smul.u32 $0x28000, s10;
	[dreg:$0x6] =	wrdreg s7  }
0xd: {  	s22 =	smul.u32 $0x4E80, s10;
	p0 =	sne.s32 s10, $0x0;
	[dreg:$0x7] =	wrdreg s24  }
0xe: {  	v0 =	vlaneseq.u32;
	s25 =	smul.u32 $0xA0000, s4;
	s12 =	sshll.u32 s4, $0x4;
	s14 =	ssub.s32 $0x2, s4  }
0xf: {  	v2 =	vor.u32 $0x10, v0;
	s21 =	sshll.u32 s4, $0x6;
	[dreg:$0x9] =	wrdreg s26;
	s12 =	sadd.s32 s12, s0  }
0x10: {  	v3 =	vor.u32 $0x20, v0;
	v4 =	vor.u32 $0x30, v0;
	s15 =	sshrl.u32 s14, $0x1;
	s1 =	sadd.s32 s1, s21;
	s20 =	sshrl.u32 s30, $0x2;
	v1 =	vor.u32 s21, v0  }
0x11: {  	v5 =	vor.u32 s21, v2;
	v6 =	vor.u32 s21, v3;
	v7 =	vor.u32 s21, v4;
	s21 =	simm.s32 $0x11F00;
	s11 =	sadd.s32 $0x72200, s12;
	[dreg:$0xc] =	wrdreg s1  }
0x12: {  	s7 =	sadd.s32 s6, s25;
	s13 =	sadd.s32 $0x72400, s12;
	[dreg:$0xb] =	wrdreg s11  }
0x13: {  	s6 =	sshrl.u32 s6, $0x3;
	s23 =	sadd.s32 s20, s8;
	[dreg:$0xd] =	wrdreg s13  }
0x14: {  	s25 =	sshrl.u32 s22, $0x3;
	s7 =	sshrl.u32 s7, $0x3;
	[dreg:$0xe] =	wrdreg s23  }
0x15: {  	s5 =	sadd.s32 s26, s6;
	s26 =	smul.u32 $0x4E800, s10;
	s30 =	sadd.s32 s16, s25  }
0x16: {  	s6 =	sor.u32 $0x40, s22;
	s13 =	smov.u32 s18;
	s10 =	simm.s32 $0x9400  }
0x17: {  	s7 =	sadd.s32 s7, s0;
	s0 =	sadd.s32 $0xAE600, s0;
	[dreg:$0xf] =	wrdreg s5  }
0x18: {  	[dreg:$0x12] =	wrdreg s30;
	s5 =	sadd.s32 s17, s25;
	s12 =	sshrl.u32 s6, $0x3  }
0x19: {  	[dreg:$0xa] =	wrdreg s0;
	s0 =	ssub.s32 s14, s15;
	s15 =	smul.u32 $0x4E800, s4  }
0x1a: {  	s30 =	sadd.s32 $0xC0, s22;
	s4 =	smul.u32 $0x500, s4;
	[dreg:$0x13] =	wrdreg s5  }
0x1b: {  	s11 =	sadd.s32 s19, s26;
	s14 =	sshll.u32 s6, $0x4;
	[dreg:$0x1d] =	wrdreg s30  }
0x1c: {  	s20 =	sadd.s32 s16, s12;
	s5 =	smov.u32 s17;
	[dreg:$0x15] =	wrdreg s11  }
0x1d: {  	s23 =	sadd.s32 s17, s12;
	s26 =	sadd.s32 $0x80, s22;
	[dreg:$0x16] =	wrdreg s20  }
0x1e: {  	s6 =	simm.s32 $0x7;
	s17 =	simm.s32 $0x5300;
	[dreg:$0x17] =	wrdreg s23  }
0x1f: {  	s11 =	smov.u32 s16;
	s0 =	smax.u32 s0, $0x1;
	[dreg:$0x1c] =	wrdreg s26  }
0x20: {  	s20 =	smov.u32 s22;
	s23 =	simm.s32 $0x7400;
	s16 =	simm.s32 $0x9500  }
0x21: {  	s26 =	simm.s32 $0x9580;
	s1 =	sadd.s32 s22, s15;
	[dreg:$0x1b] =	wrdreg s0  }
0x22: {  	s24 =	sadd.s32 s2, s4;
	s15 =	smov.u32 s19;
	[dreg:$0x10] =	wrdreg s1  }
0x23: {  	s0 =	simm.s32 $0xD600;
	s4 =	simm.s32 $0x0;
	[dreg:$0x11] =	wrdreg s24  }
.Ltmp0:
0x24: {  	s1 =	sadd.s32 s18, s25;
	s24 =	sadd.s32 s19, s14;
	(pc) =	sbr.rel .LBB2_1-.Ltmp0, $4  }
0x25: {  	s25 =	sadd.s32 $0x86600, s7;
	s7 =	simm.s32 $0x2780;
	[dreg:$0x14] =	wrdreg s1  }
0x26: {  	s14 =	simm.s32 $0x4F00;
	s19 =	simm.s32 $0x5400;
	[dreg:$0x19] =	wrdreg s24  }
0x27: {  	v8 =	vimm.f32 $0.0e+00;
	vm0 =	vcmask $0x3F3C;
	v9 =	vor.u32 $0x40, v0;
	s1 =	sadd.s32 s18, s12;
	[dreg:$0x1a] =	wrdreg s25;
	s18 =	simm.s32 $0x5380  }
0x28: {  	v10 =	vor.u32 $0x50, v0;
	v11 =	vor.u32 $0x60, v0;
	v12 =	vor.u32 $0x70, v0;
	s25 =	simm.s32 $0x9480;
	s12 =	simm.s32 $0xF600;
	[dreg:$0x18] =	wrdreg s1  }
.LBB2_10:
0x29: {  	s1 =	simm.s32 $0x5  }
0x2a: {  	_ =	swait.ge [sflag:s1], $0x2000  }
0x2b: {  	[sflag:s1] =	ssyncset.done $0x0  }
0x2c: {  	s9 =	simm.s32 $0x6;
	[sflag:s1] =	ssyncadd.s32 $0xFFFFE000  }
0x2d: {  	_ =	swait.ge [sflag:s9], $0x40  }
0x2e: {  	[sflag:s9] =	ssyncset.done $0x0  }
0x2f: {  	s10 =	simm.s32 $0x50;
	[sflag:s9] =	ssyncadd.s32 $0xFFFFFFC0  }
0x30: {  	s2 =	simm.s32 $0x11E00;
	s6 =	simm.s32 $0x7;
	s9 =	rddreg [dreg:$0x4]  }
0x31: {  	[spmem:s9] =	stream.indirect.scatter.add.f32 [tilespmem:s12], [sflag:$0x7], $0x80, s2, s10, $0xb8;
	[tilespmem:$0x1C200] =	vst v63  }
0x32: {  	_ =	swait.ge [sflag:s6], $0x2800  }
0x33: {  	[sflag:s6] =	ssyncset.done $0x0  }
0x34: {  	[sflag:s6] =	ssyncadd.s32 $0xFFFFD800  }
0x35: {  	[bflag:$0x0] =	sbarrier.arrive $0xFFFF  }
0x36: {  	s4 =	sld [smem:$0x7FC]  }
0x37: {  	s22 =	rddreg [dreg:$0x1a]  }
0x38: {  	s2 =	rddreg [dreg:$0x1f]  }
0x39: {  	[hbm:s22], [sflag:s2] =	dma.local [spmem:s4], $0x1400  }
0x3a: {  	_ =	swait.ge [sflag:s6], $0x1400  }
0x3b: {  	s4 =	sld [smem:$0x7FD]  }
0x3c: {  	[sflag:s6] =	ssyncset.done $0x0  }
0x3d: {  	s1 =	rddreg [dreg:$0x11];
	[sflag:s6] =	ssyncadd.s32 $0xFFFFEC00  }
0x3e: {  	[hbm:s1], [sflag:s2] =	dma.local @!p0 [spmem:s4], $0x500  }
0x3f: {  	s1 =	simm.s32 @!p0 $0x7  }
0x40: {  	_ =	swait.ge @!p0 [sflag:s1], $0x500  }
0x41: {  	s24 =	rddreg [dreg:$0x1e]  }
0x42: {  	s30 =	rddreg [dreg:$0x1b];
	s4 =	sadd.s32 $0x1, s24  }
0x43: {  	p1 =	sne.s32 s4, s30  }
.Ltmp1:
0x44: {  	_ = 	snop;
	(pc) =	sbr.rel @!p1 .LBB2_11-.Ltmp1, $3  }
0x45: {  	_ =	sdelay $0x1  }
0x46: {  	[sflag:s1] =	ssyncset.done @!p0 $0x0  }
0x47: {  	s10 =	simm.s32 $0x9400;
	[sflag:s1] =	ssyncadd.s32 @!p0 $0xFFFFFB00  }
.LBB2_1:
0x48: {  	[dreg:$0x1e] =	wrdreg s4  }
0x49: {  	s1 =	rddreg [dreg:$0x6]  }
0x4a: {  	[tilespmem:s3], [sflag:$0x7] =	stream.linear.gather [hbm4b:s1+s3], $0x2780, $0x38;
	[tilespmem:$0x1C200] =	vst v63  }
0x4b: {  	_ =	swait.ge [sflag:s6], $0x2780  }
0x4c: {  	[sflag:s6] =	ssyncset.done $0x0  }
0x4d: {  	s22 =	rddreg [dreg:$0x7];
	[sflag:s6] =	ssyncadd.s32 $0xFFFFD880  }
0x4e: {  	[tilespmem:s7], [sflag:$0x7] =	stream.linear.gather [hbm4b:s22+s3], $0x2780, $0x38;
	[tilespmem:$0x1C200] =	vst v63  }
0x4f: {  	_ =	swait.ge [sflag:s6], $0x2780  }
0x50: {  	s2 =	simm.s32 $0x80;
	[sflag:s6] =	ssyncset.done $0x0  }
0x51: {  	s30 =	simm.s32 $0x100;
	s24 =	rddreg [dreg:$0xb];
	[sflag:s6] =	ssyncadd.s32 $0xFFFFD880  }
0x52: {  	[tilespmem:s14], [sflag:$0x7] =	stream.strided.gather [hbm4b:s24+s2], $0x100, s30, s2, $0x38;
	[tilespmem:$0x1C200] =	vst v63  }
0x53: {  	_ =	swait.ge [sflag:s6], $0x100  }
0x54: {  	[sflag:s6] =	ssyncset.done $0x0  }
0x55: {  	s4 =	simm.s32 $0x5000;
	s2 =	rddreg [dreg:$0xc];
	[sflag:s6] =	ssyncadd.s32 $0xFFFFFF00  }
0x56: {  	[tilespmem:s4], [sflag:$0x7] =	stream.linear.gather [hbm4b:s2+s3], $0x200, $0x38;
	[tilespmem:$0x1C200] =	vst v63  }
0x57: {  	_ =	swait.ge [sflag:s6], $0x200  }
0x58: {  	[sflag:s6] =	ssyncset.done $0x0  }
0x59: {  	s24 =	simm.s32 $0x5200;
	s22 =	rddreg [dreg:$0xd];
	[sflag:s6] =	ssyncadd.s32 $0xFFFFFE00  }
0x5a: {  	[tilespmem:s24], [sflag:$0x7] =	stream.linear.gather [hbm4b:s22+s3], $0x80, $0x38;
	[tilespmem:$0x1C200] =	vst v63  }
0x5b: {  	s30 =	stileid.u32;
	_ =	swait.ge [sflag:s6], $0x80  }
0x5c: {  	s2 =	sshll.u32 s30, $0x6;
	s4 =	rddreg [dreg:$0xe]  }
0x5d: {  	[sflag:s6] =	ssyncset.done $0x0;
	s24 =	rddreg [dreg:$0xf];
	s22 =	sshrl.u32 s4, $0x3  }
0x5e: {  	s2 =	sor.u32 $0x1C07, s2;
	[sflag:s6] =	ssyncadd.s32 $0xFFFFFF80;
	[smem:$0x7FC] =	sst s22  }
0x5f: {  	[spmem:s22], [sflag:s2] =	dma.local [hbm:s24], $0x1400  }
0x60: {  	_ =	swait.ge [sflag:s6], $0x1400;
	[dreg:$0x1f] =	wrdreg s2  }
0x61: {  	s4 =	sshrl.u32 @!p0 s9, $0x3;
	[sflag:s6] =	ssyncset.done $0x0;
	s1 =	rddreg [dreg:$0x9]  }
0x62: {  	[smem:$0x7FD] =	sst s4;
	[sflag:s6] =	ssyncadd.s32 $0xFFFFEC00  }
0x63: {  	[spmem:s4], [sflag:s2] =	dma.local @!p0 [hbm:s1], $0x500  }
0x64: {  	s30 =	sand.u32 $0xFE00, s3;
	s4 =	simm.s32 @!p0 $0x7  }
0x65: {  	s22 =	sand.u32 $0x70, s3;
	s6 =	sshrl.u32 s30, $0x2;
	_ =	swait.ge @!p0 [sflag:s4], $0x500  }
0x66: {  	s22 =	sor.u32 s22, s6;
	[sflag:s4] =	ssyncset.done @!p0 $0x0  }
0x67: {  	s6 =	simm.s32 $0x0;
	[sflag:s4] =	ssyncadd.s32 @!p0 $0xFFFFFB00;
	s4 =	simm.s32 $0x40  }
.LBB2_2:
0x68: {  	p1 =	sne.s32 s4, $0x9FC0  }
0x69: {  	[tilespmem:s22+$0xF600] =	vst v8;
	s6 =	sadd.s32 $0x10, s6;
	s22 =	smov.u32 s4;
	s4 =	sadd.s32 $0x40, s4  }
.Ltmp2:
0x6a: {  	(pc) =	sbr.rel @p1 .LBB2_2-.Ltmp2, $4  }
0x6b: {  	_ = 	snop  }
0x6c: {  	s22 =	sand.u32 $0xFE00, s22  }
0x6d: {  	s24 =	sand.u32 $0x70, s6;
	s22 =	sshrl.u32 s22, $0x2  }
0x6e: {  	s22 =	sor.u32 s24, s22  }
0x6f: {  	[tilespmem:s22+$0xF600] =	vst v8  }
0x70: {  	[tilespmem:$0x11E00] =	vst v0  }
0x71: {  	[tilespmem:$0x11E10] =	vst v2  }
0x72: {  	[tilespmem:$0x11E20] =	vst v3  }
0x73: {  	[tilespmem:$0x11E30] =	vst v4  }
0x74: {  	[tilespmem:$0x11E40] =	vst v9  }
0x75: {  	[bflag:$0x0] =	sbarrier.arrive $0xFFFF  }
0x76: {  	s24 =	simm.s32 $0x0;
	s2 =	simm.s32 $0x5280;
	s1 =	rddreg [dreg:$0x12]  }
0x77: {  	[tilespmem:s2], [sflag:$0x1] =	stream.linear.gather [hbm4b:s1+s24], $0x40, $0x38;
	[tilespmem:$0x1C200] =	vst v63  }
0x78: {  	s4 =	rddreg [dreg:$0x13]  }
0x79: {  	[tilespmem:s17], [sflag:$0x1] =	stream.linear.gather [hbm4b:s4+s24], $0x40, $0x38;
	[tilespmem:$0x1C200] =	vst v63  }
0x7a: {  	s6 =	rddreg [dreg:$0x14]  }
0x7b: {  	[tilespmem:s18], [sflag:$0x1] =	stream.linear.gather [hbm4b:s6+s24], $0x40, $0x38;
	[tilespmem:$0x1C200] =	vst v63  }
0x7c: {  	s22 =	simm.s32 $0x1;
	s9 =	rddreg [dreg:$0x15]  }
0x7d: {  	[tilespmem:s19], [sflag:$0x1] =	stream.linear.gather [hbm4b:s9+s24], $0x2000, $0x38;
	[tilespmem:$0x1C200] =	vst v63  }
0x7e: {  	_ =	swait.ge [sflag:s22], $0x40  }
0x7f: {  	[sflag:s22] =	ssyncset.done $0x0  }
0x80: {  	[sflag:s22] =	ssyncadd.s32 $0xFFFFFFC0  }
0x81: {  	_ =	swait.ge [sflag:s22], $0x40  }
0x82: {  	[sflag:s22] =	ssyncset.done $0x0  }
0x83: {  	[sflag:s22] =	ssyncadd.s32 $0xFFFFFFC0  }
0x84: {  	_ =	swait.ge [sflag:s22], $0x40  }
0x85: {  	[sflag:s22] =	ssyncset.done $0x0  }
0x86: {  	[sflag:s22] =	ssyncadd.s32 $0xFFFFFFC0  }
0x87: {  	_ =	swait.ge [sflag:s22], $0x2000  }
0x88: {  	[sflag:s22] =	ssyncset.done $0x0  }
0x89: {  	s9 =	simm.s32 $0x40;
	s30 =	rddreg [dreg:$0x8];
	[sflag:s22] =	ssyncadd.s32 $0xFFFFE000  }
0x8a: {  	[tilespmem:s23], [sflag:$0x3] =	stream.indirect.gather [hbm4b:s30+s9], $0x80, s2, s9, $0xb8;
	[tilespmem:$0x1C200] =	vst v63  }
0x8b: {  	s4 =	rddreg [dreg:$0x16]  }
0x8c: {  	[tilespmem:s10], [sflag:$0x2] =	stream.linear.gather [hbm4b:s4+s24], $0x40, $0x38;
	[tilespmem:$0x1C200] =	vst v63  }
0x8d: {  	s6 =	rddreg [dreg:$0x17]  }
0x8e: {  	[tilespmem:s25], [sflag:$0x2] =	stream.linear.gather [hbm4b:s6+s24], $0x40, $0x38;
	[tilespmem:$0x1C200] =	vst v63  }
0x8f: {  	s22 =	rddreg [dreg:$0x18]  }
0x90: {  	[tilespmem:s16], [sflag:$0x2] =	stream.linear.gather [hbm4b:s22+s24], $0x40, $0x38;
	[tilespmem:$0x1C200] =	vst v63  }
0x91: {  	s30 =	rddreg [dreg:$0x19];
	s6 =	simm.s32 $0x0  }
0x92: {  	[tilespmem:s26], [sflag:$0x2] =	stream.linear.gather [hbm4b:s30+s24], $0x2000, $0x38;
	[tilespmem:$0x1C200] =	vst v63  }
.LBB2_4:
0x93: {  	_ =	swait.ge [sflag:s28], $0x40  }
0x94: {  	[sflag:s28] =	ssyncset.done $0x0  }
0x95: {  	[sflag:s28] =	ssyncadd.s32 $0xFFFFFFC0  }
0x96: {  	_ =	swait.ge [sflag:s28], $0x40  }
0x97: {  	[sflag:s28] =	ssyncset.done $0x0  }
0x98: {  	[sflag:s28] =	ssyncadd.s32 $0xFFFFFFC0  }
0x99: {  	_ =	swait.ge [sflag:s28], $0x40  }
0x9a: {  	[sflag:s28] =	ssyncset.done $0x0  }
0x9b: {  	[sflag:s28] =	ssyncadd.s32 $0xFFFFFFC0  }
0x9c: {  	_ =	swait.ge [sflag:s28], $0x2000  }
0x9d: {  	p1 =	seq.s32 s6, $0x0;
	[sflag:s28] =	ssyncset.done $0x0  }
0x9e: {  	s4 =	simm.s32 @!p1 $0x5;
	s1 =	rddreg [dreg:$0x8];
	[sflag:s28] =	ssyncadd.s32 $0xFFFFE000  }
0x9f: {  	[tilespmem:s29], [sflag:$0x4] =	stream.indirect.gather [hbm4b:s1+s9], $0x80, s10, s9, $0xb8;
	[tilespmem:$0x1C200] =	vst v63  }
0xa0: {  	_ =	swait.ge @!p1 [sflag:s4], $0x2000  }
0xa1: {  	[sflag:s4] =	ssyncset.done @!p1 $0x0  }
0xa2: {  	[sflag:s4] =	ssyncadd.s32 @!p1 $0xFFFFE000;
	s4 =	simm.s32 @!p1 $0x6  }
0xa3: {  	_ =	swait.ge @!p1 [sflag:s4], $0x40  }
0xa4: {  	[sflag:s4] =	ssyncset.done @!p1 $0x0  }
0xa5: {  	s30 =	simm.s32 $0x3;
	[sflag:s4] =	ssyncadd.s32 @!p1 $0xFFFFFFC0  }
0xa6: {  	_ =	swait.ge [sflag:s30], $0x2000  }
0xa7: {  	[sflag:s30] =	ssyncset.done $0x0  }
0xa8: {  	[sflag:s30] =	ssyncadd.s32 $0xFFFFE000  }
0xa9: {  	v13 =	vld [tilespmem:$0x5280]  }
0xaa: {  	v14 =	vld [tilespmem:$0x5300];
	_ =	sdelay $0x4  }
0xab: {  	v15 =	vshrl.u32 v14, $0x1  }
0xac: {  	[tilespmem:$0xD580] =	vst v15  }
0xad: {  	v13 =	vld.idx.msk [tilespmem:v13+s24+$0x0], $0xffff  }
0xae: {  	v14 =	vld.idx.msk [tilespmem:v14+s7+$0x0], $0xffff;
	_ =	sdelay $0x4  }
0xaf: {  	v13 =	vadd.f32 v14, v13;
	_ =	sdelay $0x1  }
0xb0: {  	v14 =	vmul.f32 $2.000000030e-01, v13;
	_ =	sdelay $0x1  }
0xb1: {  	v13 =	vmax.f32 v13, v14  }
0xb2: {  	v13 =	vmul.f32 $1.442695020e+00, v13;
	_ =	sdelay $0x1  }
0xb3: {  	(erf) = vpow2.f32 v13;
	_ =	sdelay $0x4  }
0xb4: {  	v13 =	vld [tilespmem:$0x5290]  }
0xb5: {  	v14 =	vld [tilespmem:$0x5310]  }
0xb6: {  	s22 =	sshll.u32 s6, $0x7  }
0xb7: {  	s2 =	sadd.s32 s20, s22  }
0xb8: {  	p3 =	slt.u32 s2, $0x4E200;
	v15 =	vpop (erf)  }
0xb9: {  	v15 =	vpsel !p3, $0x0, v15  }
0xba: {  	[tilespmem:$0x11E80] =	vst v15;
	v15 =	vshrl.u32 v14, $0x1  }
0xbb: {  	[tilespmem:$0xD590] =	vst v15  }
0xbc: {  	v13 =	vld.idx.msk [tilespmem:v13+s24+$0x0], $0xffff  }
0xbd: {  	v14 =	vld.idx.msk [tilespmem:v14+s7+$0x0], $0xffff;
	_ =	sdelay $0x4  }
0xbe: {  	v13 =	vadd.f32 v14, v13;
	_ =	sdelay $0x1  }
0xbf: {  	v14 =	vmul.f32 $2.000000030e-01, v13;
	_ =	sdelay $0x1  }
0xc0: {  	v13 =	vmax.f32 v13, v14  }
0xc1: {  	v13 =	vmul.f32 $1.442695020e+00, v13;
	_ =	sdelay $0x1  }
0xc2: {  	(erf) = vpow2.f32 v13;
	_ =	sdelay $0x4  }
0xc3: {  	v13 =	vld [tilespmem:$0x52A0]  }
0xc4: {  	v14 =	vld [tilespmem:$0x5320];
	_ =	sdelay $0x1  }
0xc5: {  	s30 =	sor.u32 $0x10, s2  }
0xc6: {  	p4 =	slt.u32 s30, $0x4E200;
	v15 =	vpop (erf)  }
0xc7: {  	v15 =	vpsel !p4, $0x0, v15  }
0xc8: {  	[tilespmem:$0x11E90] =	vst v15;
	v15 =	vshrl.u32 v14, $0x1  }
0xc9: {  	[tilespmem:$0xD5A0] =	vst v15  }
0xca: {  	v13 =	vld.idx.msk [tilespmem:v13+s24+$0x0], $0xffff  }
0xcb: {  	v14 =	vld.idx.msk [tilespmem:v14+s7+$0x0], $0xffff;
	_ =	sdelay $0x4  }
0xcc: {  	v13 =	vadd.f32 v14, v13;
	_ =	sdelay $0x1  }
0xcd: {  	v14 =	vmul.f32 $2.000000030e-01, v13;
	_ =	sdelay $0x1  }
0xce: {  	v13 =	vmax.f32 v13, v14  }
0xcf: {  	v13 =	vmul.f32 $1.442695020e+00, v13;
	_ =	sdelay $0x1  }
0xd0: {  	(erf) = vpow2.f32 v13;
	_ =	sdelay $0x4  }
0xd1: {  	v13 =	vld [tilespmem:$0x52B0]  }
0xd2: {  	v14 =	vld [tilespmem:$0x5330];
	_ =	sdelay $0x1  }
0xd3: {  	s10 =	sor.u32 $0x20, s2  }
0xd4: {  	p5 =	slt.u32 s10, $0x4E200;
	v15 =	vpop (erf)  }
0xd5: {  	v15 =	vpsel !p5, $0x0, v15  }
0xd6: {  	[tilespmem:$0x11EA0] =	vst v15;
	v15 =	vshrl.u32 v14, $0x1  }
0xd7: {  	[tilespmem:$0xD5B0] =	vst v15  }
0xd8: {  	v13 =	vld.idx.msk [tilespmem:v13+s24+$0x0], $0xffff  }
0xd9: {  	v14 =	vld.idx.msk [tilespmem:v14+s7+$0x0], $0xffff;
	_ =	sdelay $0x4  }
0xda: {  	v13 =	vadd.f32 v14, v13;
	_ =	sdelay $0x1  }
0xdb: {  	v14 =	vmul.f32 $2.000000030e-01, v13;
	_ =	sdelay $0x1  }
0xdc: {  	v13 =	vmax.f32 v13, v14  }
0xdd: {  	v13 =	vmul.f32 $1.442695020e+00, v13;
	_ =	sdelay $0x1  }
0xde: {  	(erf) = vpow2.f32 v13;
	_ =	sdelay $0x7  }
0xdf: {  	s4 =	sor.u32 $0x30, s2  }
0xe0: {  	p6 =	slt.u32 s4, $0x4E200;
	v13 =	vpop (erf)  }
0xe1: {  	v13 =	vpsel !p6, $0x0, v13  }
0xe2: {  	s4 =	simm.s32 $0x0;
	[tilespmem:$0x11EB0] =	vst v13  }
.LBB2_5:
0xe3: {  	v13 =	vmov s4;
	_ =	sdelay $0x4  }
0xe4: {  	v16 =	vld.idx.msk [tilespmem:v13+s17+$0x0], $0xffff;
	_ =	sdelay $0x4  }
0xe5: {  	v14 =	vshra.s32 v16, $0x1F  }
0xe6: {  	v14 =	vshrl.u32 v14, $0x19  }
0xe7: {  	v14 =	vadd.s32 v14, v16  }
0xe8: {  	v14 =	vshrl.u32 v14, $0x7  }
0xe9: {  	v14 =	vshll.u32 v14, $0x7  }
0xea: {  	v14 =	vsub.s32 v16, v14  }
0xeb: {  	v15 =	vand.u32 $0xFFFFFF80, v16;
	v17 =	vand.u32 $0xFFFFFF80, v14  }
0xec: {  	v14 =	vand.u32 $0x7F, v14;
	v15 =	vadd.s32 v15, v17  }
0xed: {  	v17 =	vor.u32 v14, v15;
	_ =	sdelay $0x2  }
0xee: {  	v18 =	vld.idx.msk [tilespmem:v13+s18+$0x0], $0xffff  }
0xef: {  	v14 =	vld.idx.msk [tilespmem:v13+s31+$0x0], $0xffff  }
0xf0: {  	v19 =	vld.idx.msk [tilespmem:v17+s12+$0x0], $0xffff;
	_ =	sdelay $0x2  }
0xf1: {  	v15 =	vshll.u32 v13, $0x7  }
0xf2: {  	v20 =	vor.u32 $0x1, v15  }
0xf3: {  	v18 =	vshll.u32 v18, $0x6;
	v19 =	vadd.f32 v19, v14  }
0xf4: {  	v21 =	vor.u32 v0, v18  }
0xf5: {  	[tilespmem:v17+s12+$0x0] =	vst.idx.msk $0xffff, v19  }
0xf6: {  	v28 =	vor.u32 $0x2, v15;
	v17 =	vld.idx.msk [tilespmem:v15+s19+$0x0], $0xffff  }
0xf7: {  	v20 =	vld.idx.msk [tilespmem:v20+s19+$0x0], $0xffff  }
0xf8: {  	v22 =	vor.u32 $0x3, v15;
	v23 =	vld [tilespmem:$0x5000]  }
0xf9: {  	v21 =	vld.idx.msk [tilespmem:v21+s14+$0x0], $0xffff  }
0xfa: {  	v24 =	vld [tilespmem:$0x5080]  }
0xfb: {  	v19 =	vld.idx.msk [tilespmem:v28+s19+$0x0], $0xffff  }
0xfc: {  	v25 =	vld [tilespmem:$0x5100]  }
0xfd: {  	v26 =	vor.u32 v1, v15;
	v22 =	vld.idx.msk [tilespmem:v22+s19+$0x0], $0xffff;
	v23 =	vmul.f32 v23, v17  }
0xfe: {  	v31 =	vshrl.u32 v16, $0x1F;
	v27 =	vld [tilespmem:$0x5180]  }
0xff: {  	v29 =	vmul.f32 v24, v20;
	v24 =	vadd.s32 v31, v16;
	v21 =	vadd.f32 v23, v21  }
0x100: {  	v24 =	vshrl.u32 v24, $0x1  }
0x101: {  	v30 =	vmul.f32 v25, v19;
	v24 =	vshll.u32 v24, $0x1;
	v21 =	vadd.f32 v29, v21  }
0x102: {  	v32 =	vld.idx.msk [tilespmem:v26+s23+$0x0], $0xffff;
	v16 =	vsub.s32 v16, v24  }
0x103: {  	v33 =	vmul.f32 v27, v22;
	v16 =	vshll.u32 v16, $0x6;
	v21 =	vadd.f32 v30, v21  }
0x104: {  	v34 =	vor.u32 v0, v16;
	v35 =	vand.u32 $0xFFFFFF80, v16  }
0x105: {  	v36 =	vsub.s32 v9, v16;
	v23 =	vand.u32 $0x4F, v34;
	v21 =	vadd.f32 v33, v21  }
0x106: {  	v24 =	vadd.s32 v15, v35;
	v37 =	vand.u32 $0xFFFFFF80, v36;
	v25 =	vand.u32 $0x4F, v36  }
0x107: {  	v23 =	vor.u32 v23, v24;
	v26 =	vadd.s32 v15, v37;
	v21 =	vadd.f32 v21, v32  }
0x108: {  	v25 =	vor.u32 v25, v26  }
0x109: {  	v21 =	vmax.f32 v21, $0.0e+00  }
0x10a: {  	v39 =	vor.u32 v2, v18;
	v38 =	vmul.f32 v21, v14;
	_ =	sdelay $0x1  }
0x10b: {  	[tilespmem:v23+s0+$0x0] =	vst.idx.msk $0xffff, v38  }
0x10c: {  	[tilespmem:v25+s0+$0x0] =	vst.idx.msk $0xffff, v8  }
0x10d: {  	v23 =	vld [tilespmem:$0x5010]  }
0x10e: {  	v25 =	vld.idx.msk [tilespmem:v39+s14+$0x0], $0xffff  }
0x10f: {  	v26 =	vld [tilespmem:$0x5090];
	_ =	sdelay $0x1  }
0x110: {  	v40 =	vld [tilespmem:$0x5110]  }
0x111: {  	v28 =	vor.u32 v5, v15;
	v23 =	vmul.f32 v23, v17  }
0x112: {  	v29 =	vld [tilespmem:$0x5190]  }
0x113: {  	v41 =	vmul.f32 v26, v20;
	v23 =	vadd.f32 v23, v25;
	_ =	sdelay $0x1  }
0x114: {  	v42 =	vmul.f32 v40, v19;
	v23 =	vadd.f32 v41, v23  }
0x115: {  	v43 =	vld.idx.msk [tilespmem:v28+s23+$0x0], $0xffff  }
0x116: {  	v44 =	vmul.f32 v29, v22;
	v23 =	vadd.f32 v42, v23;
	_ =	sdelay $0x1  }
0x117: {  	v45 =	vor.u32 v2, v16;
	v46 =	vsub.s32 v10, v16;
	v23 =	vadd.f32 v44, v23  }
0x118: {  	v47 =	vand.u32 $0xFFFFFF80, v46;
	v27 =	vand.u32 $0x5F, v46;
	v25 =	vand.u32 $0x5F, v45  }
0x119: {  	v26 =	vadd.s32 v15, v47;
	v25 =	vor.u32 v25, v24;
	v23 =	vadd.f32 v23, v43  }
0x11a: {  	v26 =	vor.u32 v27, v26  }
0x11b: {  	v23 =	vmax.f32 v23, $0.0e+00  }
0x11c: {  	v49 =	vor.u32 v3, v18;
	v48 =	vmul.f32 v23, v14;
	_ =	sdelay $0x1  }
0x11d: {  	v50 =	vld [tilespmem:$0x5200];
	[tilespmem:v25+s0+$0x0] =	vst.idx.msk $0xffff, v48  }
0x11e: {  	[tilespmem:v26+s0+$0x0] =	vst.idx.msk $0xffff, v8  }
0x11f: {  	v25 =	vld [tilespmem:$0x5020]  }
0x120: {  	v26 =	vld.idx.msk [tilespmem:v49+s14+$0x0], $0xffff  }
0x121: {  	v27 =	vld [tilespmem:$0x50A0];
	_ =	sdelay $0x1  }
0x122: {  	v51 =	vld [tilespmem:$0x5120]  }
0x123: {  	v30 =	vor.u32 v6, v15;
	v25 =	vmul.f32 v25, v17  }
0x124: {  	v31 =	vld [tilespmem:$0x51A0]  }
0x125: {  	v52 =	vmul.f32 v27, v20;
	v25 =	vadd.f32 v25, v26;
	_ =	sdelay $0x1  }
0x126: {  	v53 =	vmul.f32 v51, v19;
	v25 =	vadd.f32 v52, v25  }
0x127: {  	v54 =	vld.idx.msk [tilespmem:v30+s23+$0x0], $0xffff  }
0x128: {  	v55 =	vmul.f32 v31, v22;
	v25 =	vadd.f32 v53, v25;
	_ =	sdelay $0x1  }
0x129: {  	v56 =	vor.u32 v3, v16;
	v57 =	vsub.s32 v11, v16;
	v25 =	vadd.f32 v55, v25  }
0x12a: {  	v58 =	vand.u32 $0xFFFFFF80, v57;
	v28 =	vand.u32 $0x6F, v57;
	v26 =	vand.u32 $0x6F, v56  }
0x12b: {  	v27 =	vadd.s32 v15, v58;
	v26 =	vor.u32 v26, v24;
	v25 =	vadd.f32 v25, v54  }
0x12c: {  	v27 =	vor.u32 v28, v27  }
0x12d: {  	v25 =	vmax.f32 v25, $0.0e+00  }
0x12e: {  	v18 =	vor.u32 v4, v18;
	v59 =	vmul.f32 v25, v14;
	_ =	sdelay $0x1  }
0x12f: {  	v60 =	vld [tilespmem:$0x5210];
	[tilespmem:v26+s0+$0x0] =	vst.idx.msk $0xffff, v59  }
0x130: {  	[tilespmem:v27+s0+$0x0] =	vst.idx.msk $0xffff, v8  }
0x131: {  	v26 =	vld [tilespmem:$0x5030]  }
0x132: {  	v18 =	vld.idx.msk [tilespmem:v18+s14+$0x0], $0xffff  }
0x133: {  	v27 =	vld [tilespmem:$0x50B0];
	_ =	sdelay $0x1  }
0x134: {  	v28 =	vld [tilespmem:$0x5130]  }
0x135: {  	v61 =	vor.u32 v7, v15;
	v17 =	vmul.f32 v26, v17  }
0x136: {  	v62 =	vld [tilespmem:$0x51B0]  }
0x137: {  	v63 =	vmul.f32 v27, v20;
	v17 =	vadd.f32 v17, v18;
	_ =	sdelay $0x1  }
0x138: {  	v27 =	vmul.f32 v28, v19;
	v17 =	vadd.f32 v63, v17  }
0x139: {  	v28 =	vld.idx.msk [tilespmem:v61+s23+$0x0], $0xffff  }
0x13a: {  	v31 =	vmul.f32 v62, v22;
	v17 =	vadd.f32 v27, v17;
	_ =	sdelay $0x1  }
0x13b: {  	v32 =	vor.u32 v4, v16;
	v16 =	vsub.s32 v12, v16;
	v17 =	vadd.f32 v31, v17  }
0x13c: {  	v33 =	vand.u32 $0xFFFFFF80, v16;
	v16 =	vand.u32 $0x7F, v16;
	v18 =	vand.u32 $0x7F, v32  }
0x13d: {  	v15 =	vadd.s32 v15, v33;
	v18 =	vor.u32 v18, v24;
	v17 =	vadd.f32 v17, v28  }
0x13e: {  	v15 =	vor.u32 v16, v15  }
0x13f: {  	v34 =	vmax.f32 v17, $0.0e+00  }
0x140: {  	v14 =	vmul.f32 v34, v14;
	_ =	sdelay $0x1  }
0x141: {  	v35 =	vld [tilespmem:$0x5220];
	[tilespmem:v18+s0+$0x0] =	vst.idx.msk $0xffff, v14  }
0x142: {  	v14 =	vmul.f32 v50, v21;
	[tilespmem:v15+s0+$0x0] =	vst.idx.msk $0xffff, v8  }
0x143: {  	v15 =	vld [tilespmem:$0x5230]  }
0x144: {  	v36 =	vmul.f32 v60, v23;
	v14 =	vadd.f32 $0.0e+00, v14;
	_ =	sdelay $0x1  }
0x145: {  	v17 =	vmul.f32 v35, v25;
	v14 =	vadd.f32 v36, v14;
	_ =	sdelay $0x1  }
0x146: {  	v14 =	vadd.f32 v17, v14;
	v15 =	vmul.f32 v15, v34;
	_ =	sdelay $0x1  }
0x147: {  	v14 =	vadd.f32 v15, v14;
	_ =	sdelay $0x1  }
0x148: {  	(xrf2) =	vadd.scan.msk.f32 $0xffff, v14;
	_ =	sdelay $0x5  }
0x149: {  	s30 =	sadd.s32 $0x1, s4  }
0x14a: {  	v14 =	vmov s30;
	_ =	sdelay $0x2  }
0x14b: {  	v15, _, _ =	vpop (xrf2)  }
0x14c: {  	[tilespmem:v13+s21+$0x0] =	vst.idx.msk vm0, v15  }
0x14d: {  	v37 =	vld.idx.msk [tilespmem:v14+s17+$0x0], $0xffff;
	_ =	sdelay $0x4  }
0x14e: {  	v13 =	vshra.s32 v37, $0x1F  }
0x14f: {  	v13 =	vshrl.u32 v13, $0x19  }
0x150: {  	v13 =	vadd.s32 v13, v37  }
0x151: {  	v13 =	vand.u32 $0xFFFFFF80, v13  }
0x152: {  	v13 =	vsub.s32 v37, v13  }
0x153: {  	v15 =	vand.u32 $0xFFFFFF80, v37;
	v38 =	vand.u32 $0xFFFFFF80, v13  }
0x154: {  	v13 =	vand.u32 $0x7F, v13;
	v15 =	vadd.s32 v15, v38  }
0x155: {  	v17 =	vor.u32 v13, v15;
	_ =	sdelay $0x2  }
0x156: {  	v39 =	vld.idx.msk [tilespmem:v14+s18+$0x0], $0xffff  }
0x157: {  	v13 =	vld.idx.msk [tilespmem:v14+s31+$0x0], $0xffff  }
0x158: {  	v40 =	vld.idx.msk [tilespmem:v17+s12+$0x0], $0xffff;
	_ =	sdelay $0x2  }
0x159: {  	v15 =	vshll.u32 v14, $0x7  }
0x15a: {  	v41 =	vor.u32 $0x1, v15  }
0x15b: {  	v18 =	vshll.u32 v39, $0x6;
	v19 =	vadd.f32 v40, v13  }
0x15c: {  	v42 =	vor.u32 v0, v18  }
0x15d: {  	[tilespmem:v17+s12+$0x0] =	vst.idx.msk $0xffff, v19  }
0x15e: {  	v43 =	vor.u32 $0x2, v15;
	v17 =	vld.idx.msk [tilespmem:v15+s19+$0x0], $0xffff  }
0x15f: {  	v20 =	vld.idx.msk [tilespmem:v41+s19+$0x0], $0xffff  }
0x160: {  	v44 =	vor.u32 $0x3, v15;
	v45 =	vld [tilespmem:$0x5000]  }
0x161: {  	v21 =	vld.idx.msk [tilespmem:v42+s14+$0x0], $0xffff  }
0x162: {  	v46 =	vld [tilespmem:$0x5080]  }
0x163: {  	v19 =	vld.idx.msk [tilespmem:v43+s19+$0x0], $0xffff  }
0x164: {  	v47 =	vld [tilespmem:$0x5100]  }
0x165: {  	v48 =	vor.u32 v1, v15;
	v22 =	vld.idx.msk [tilespmem:v44+s19+$0x0], $0xffff;
	v23 =	vmul.f32 v45, v17  }
0x166: {  	v49 =	vld [tilespmem:$0x5180]  }
0x167: {  	v53 =	vshrl.u32 v37, $0x1F;
	v50 =	vmul.f32 v46, v20;
	v21 =	vadd.f32 v23, v21  }
0x168: {  	v25 =	vadd.s32 v53, v37  }
0x169: {  	v25 =	vand.u32 $0xFFFFFFFE, v25;
	v51 =	vmul.f32 v47, v19;
	v21 =	vadd.f32 v50, v21  }
0x16a: {  	v16 =	vsub.s32 v37, v25;
	v52 =	vld.idx.msk [tilespmem:v48+s23+$0x0], $0xffff  }
0x16b: {  	v16 =	vshll.u32 v16, $0x6;
	v54 =	vmul.f32 v49, v22;
	v21 =	vadd.f32 v51, v21  }
0x16c: {  	v55 =	vor.u32 v0, v16;
	v57 =	vsub.s32 v9, v16  }
0x16d: {  	v56 =	vand.u32 $0xFFFFFF80, v16;
	v58 =	vand.u32 $0xFFFFFF80, v57;
	v21 =	vadd.f32 v54, v21  }
0x16e: {  	v25 =	vand.u32 $0x4F, v57;
	v24 =	vadd.s32 v15, v56;
	v23 =	vand.u32 $0x4F, v55  }
0x16f: {  	v26 =	vadd.s32 v15, v58;
	v23 =	vor.u32 v23, v24;
	v21 =	vadd.f32 v21, v52  }
0x170: {  	v25 =	vor.u32 v25, v26  }
0x171: {  	v21 =	vmax.f32 v21, $0.0e+00  }
0x172: {  	v60 =	vor.u32 v2, v18;
	v59 =	vmul.f32 v21, v13;
	_ =	sdelay $0x1  }
0x173: {  	[tilespmem:v23+s0+$0x0] =	vst.idx.msk $0xffff, v59  }
0x174: {  	[tilespmem:v25+s0+$0x0] =	vst.idx.msk $0xffff, v8  }
0x175: {  	v23 =	vld [tilespmem:$0x5010]  }
0x176: {  	v25 =	vld.idx.msk [tilespmem:v60+s14+$0x0], $0xffff  }
0x177: {  	v26 =	vld [tilespmem:$0x5090];
	_ =	sdelay $0x1  }
0x178: {  	v61 =	vld [tilespmem:$0x5110]  }
0x179: {  	v62 =	vor.u32 v5, v15;
	v23 =	vmul.f32 v23, v17  }
0x17a: {  	v63 =	vld [tilespmem:$0x5190]  }
0x17b: {  	v31 =	vmul.f32 v26, v20;
	v23 =	vadd.f32 v23, v25;
	_ =	sdelay $0x1  }
0x17c: {  	v32 =	vmul.f32 v61, v19;
	v23 =	vadd.f32 v31, v23  }
0x17d: {  	v33 =	vld.idx.msk [tilespmem:v62+s23+$0x0], $0xffff  }
0x17e: {  	v34 =	vmul.f32 v63, v22;
	v23 =	vadd.f32 v32, v23;
	_ =	sdelay $0x1  }
0x17f: {  	v35 =	vor.u32 v2, v16;
	v36 =	vsub.s32 v10, v16;
	v23 =	vadd.f32 v34, v23  }
0x180: {  	v37 =	vand.u32 $0xFFFFFF80, v36;
	v27 =	vand.u32 $0x5F, v36;
	v25 =	vand.u32 $0x5F, v35  }
0x181: {  	v26 =	vadd.s32 v15, v37;
	v25 =	vor.u32 v25, v24;
	v23 =	vadd.f32 v23, v33  }
0x182: {  	v26 =	vor.u32 v27, v26  }
0x183: {  	v23 =	vmax.f32 v23, $0.0e+00  }
0x184: {  	v39 =	vor.u32 v3, v18;
	v38 =	vmul.f32 v23, v13;
	_ =	sdelay $0x1  }
0x185: {  	v40 =	vld [tilespmem:$0x5200];
	[tilespmem:v25+s0+$0x0] =	vst.idx.msk $0xffff, v38  }
0x186: {  	[tilespmem:v26+s0+$0x0] =	vst.idx.msk $0xffff, v8  }
0x187: {  	v25 =	vld [tilespmem:$0x5020]  }
0x188: {  	v26 =	vld.idx.msk [tilespmem:v39+s14+$0x0], $0xffff  }
0x189: {  	v27 =	vld [tilespmem:$0x50A0];
	_ =	sdelay $0x1  }
0x18a: {  	v41 =	vld [tilespmem:$0x5120]  }
0x18b: {  	v42 =	vor.u32 v6, v15;
	v25 =	vmul.f32 v25, v17  }
0x18c: {  	v43 =	vld [tilespmem:$0x51A0]  }
0x18d: {  	v44 =	vmul.f32 v27, v20;
	v25 =	vadd.f32 v25, v26;
	_ =	sdelay $0x1  }
0x18e: {  	v45 =	vmul.f32 v41, v19;
	v25 =	vadd.f32 v44, v25  }
0x18f: {  	v46 =	vld.idx.msk [tilespmem:v42+s23+$0x0], $0xffff  }
0x190: {  	v47 =	vmul.f32 v43, v22;
	v25 =	vadd.f32 v45, v25;
	_ =	sdelay $0x1  }
0x191: {  	v48 =	vor.u32 v3, v16;
	v49 =	vsub.s32 v11, v16;
	v25 =	vadd.f32 v47, v25  }
0x192: {  	v28 =	vand.u32 $0x6F, v49;
	v50 =	vand.u32 $0xFFFFFF80, v49;
	v26 =	vand.u32 $0x6F, v48  }
0x193: {  	v27 =	vadd.s32 v15, v50;
	v26 =	vor.u32 v26, v24;
	v25 =	vadd.f32 v25, v46  }
0x194: {  	v27 =	vor.u32 v28, v27  }
0x195: {  	v25 =	vmax.f32 v25, $0.0e+00  }
0x196: {  	v18 =	vor.u32 v4, v18;
	v51 =	vmul.f32 v25, v13;
	_ =	sdelay $0x1  }
0x197: {  	v52 =	vld [tilespmem:$0x5210];
	[tilespmem:v26+s0+$0x0] =	vst.idx.msk $0xffff, v51  }
0x198: {  	[tilespmem:v27+s0+$0x0] =	vst.idx.msk $0xffff, v8  }
0x199: {  	v26 =	vld [tilespmem:$0x5030]  }
0x19a: {  	v18 =	vld.idx.msk [tilespmem:v18+s14+$0x0], $0xffff  }
0x19b: {  	v27 =	vld [tilespmem:$0x50B0];
	_ =	sdelay $0x1  }
0x19c: {  	v28 =	vld [tilespmem:$0x5130]  }
0x19d: {  	v53 =	vor.u32 v7, v15;
	v17 =	vmul.f32 v26, v17  }
0x19e: {  	v54 =	vld [tilespmem:$0x51B0]  }
0x19f: {  	v55 =	vmul.f32 v27, v20;
	v17 =	vadd.f32 v17, v18;
	_ =	sdelay $0x1  }
0x1a0: {  	v56 =	vmul.f32 v28, v19;
	v17 =	vadd.f32 v55, v17  }
0x1a1: {  	v57 =	vld.idx.msk [tilespmem:v53+s23+$0x0], $0xffff  }
0x1a2: {  	v58 =	vmul.f32 v54, v22;
	v17 =	vadd.f32 v56, v17;
	_ =	sdelay $0x1  }
0x1a3: {  	v59 =	vor.u32 v4, v16;
	v16 =	vsub.s32 v12, v16;
	v17 =	vadd.f32 v58, v17  }
0x1a4: {  	v60 =	vand.u32 $0xFFFFFF80, v16;
	v16 =	vand.u32 $0x7F, v16;
	v18 =	vand.u32 $0x7F, v59  }
0x1a5: {  	v15 =	vadd.s32 v15, v60;
	v18 =	vor.u32 v18, v24;
	v17 =	vadd.f32 v17, v57  }
0x1a6: {  	v15 =	vor.u32 v16, v15  }
0x1a7: {  	v61 =	vmax.f32 v17, $0.0e+00  }
0x1a8: {  	v13 =	vmul.f32 v61, v13;
	_ =	sdelay $0x1  }
0x1a9: {  	v62 =	vld [tilespmem:$0x5220];
	[tilespmem:v18+s0+$0x0] =	vst.idx.msk $0xffff, v13  }
0x1aa: {  	v13 =	vmul.f32 v40, v21;
	[tilespmem:v15+s0+$0x0] =	vst.idx.msk $0xffff, v8  }
0x1ab: {  	v15 =	vld [tilespmem:$0x5230]  }
0x1ac: {  	v63 =	vmul.f32 v52, v23;
	v13 =	vadd.f32 $0.0e+00, v13;
	_ =	sdelay $0x1  }
0x1ad: {  	v17 =	vmul.f32 v62, v25;
	v13 =	vadd.f32 v63, v13;
	_ =	sdelay $0x1  }
0x1ae: {  	v13 =	vadd.f32 v17, v13;
	v15 =	vmul.f32 v15, v61;
	_ =	sdelay $0x1  }
0x1af: {  	v13 =	vadd.f32 v15, v13;
	_ =	sdelay $0x1  }
0x1b0: {  	(xrf2) =	vadd.scan.msk.f32 $0xffff, v13;
	_ =	sdelay $0x5  }
0x1b1: {  	p1 =	sne.s32 s4, $0x3E  }
.Ltmp3:
0x1b2: {  	_ = 	snop;
	(pc) =	sbr.rel @p1 .LBB2_5-.Ltmp3, $3  }
0x1b3: {  	_ =	sdelay $0x1  }
0x1b4: {  	v13, _, _ =	vpop (xrf2)  }
0x1b5: {  	s4 =	sadd.s32 $0x2, s4;
	[tilespmem:v14+s21+$0x0] =	vst.idx.msk vm0, v13  }
0x1b6: {  	s1 =	simm.s32 $0xD580;
	s4 =	rddreg [dreg:$0x10]  }
0x1b7: {  	[spmem:s8] =	stream.indirect.scatter.add.f32 [tilespmem:s0], [sflag:$0x5], $0x80, s1, s9, $0xb8;
	[tilespmem:$0x1C200] =	vst v63  }
0x1b8: {  	s4 =	sadd.s32 s4, s22  }
0x1b9: {  	s10 =	smov.u32 s8;
	s8 =	rddreg [dreg:$0xa];
	s4 =	sshrl.u32 s4, $0x3  }
0x1ba: {  	p1 =	seq.s32 s6, $0x9C;
	s1 =	rddreg [dreg:$0x1c];
	s4 =	sadd.s32 s8, s4  }
0x1bb: {  	[hbm4b:s4+s3] =	stream.linear.scatter [tilespmem:s21], [sflag:$0x6], $0x40, $0x38;
	[tilespmem:$0x1C200] =	vst v63  }
0x1bc: {  	s4 =	sadd.s32 @!p1 s22, s1  }
0x1bd: {  	s30 =	sshrl.u32 @!p1 s4, $0x3  }
0x1be: {  	s2 =	simm.s32 @!p1 $0x0;
	s8 =	simm.s32 @!p1 $0x5280;
	s1 =	sadd.s32 @!p1 s11, s30  }
0x1bf: {  	[tilespmem:s8], [sflag:$0x1] =	stream.linear.gather @!p1 [hbm4b:s1+s2], $0x40, $0x38;
	[tilespmem:$0x1C200] =	vst v63  }
0x1c0: {  	s9 =	simm.s32 @!p1 $0x5300;
	s1 =	sadd.s32 @!p1 s5, s30  }
0x1c1: {  	[tilespmem:s9], [sflag:$0x1] =	stream.linear.gather @!p1 [hbm4b:s1+s2], $0x40, $0x38;
	[tilespmem:$0x1C200] =	vst v63  }
0x1c2: {  	s1 =	sadd.s32 @!p1 s13, s30;
	s9 =	simm.s32 @!p1 $0x5380  }
0x1c3: {  	[tilespmem:s9], [sflag:$0x1] =	stream.linear.gather @!p1 [hbm4b:s1+s2], $0x40, $0x38;
	[tilespmem:$0x1C200] =	vst v63  }
0x1c4: {  	s1 =	sshll.u32 @!p1 s4, $0x4  }
0x1c5: {  	s4 =	simm.s32 @!p1 $0x5400;
	s1 =	sadd.s32 @!p1 s15, s1  }
0x1c6: {  	[tilespmem:s4], [sflag:$0x1] =	stream.linear.gather @!p1 [hbm4b:s1+s2], $0x2000, $0x38;
	[tilespmem:$0x1C200] =	vst v63  }
0x1c7: {  	s1 =	simm.s32 @!p1 $0x1  }
0x1c8: {  	_ =	swait.ge @!p1 [sflag:s1], $0x40  }
0x1c9: {  	[sflag:s1] =	ssyncset.done @!p1 $0x0  }
0x1ca: {  	[sflag:s1] =	ssyncadd.s32 @!p1 $0xFFFFFFC0  }
0x1cb: {  	_ =	swait.ge @!p1 [sflag:s1], $0x40  }
0x1cc: {  	[sflag:s1] =	ssyncset.done @!p1 $0x0  }
0x1cd: {  	[sflag:s1] =	ssyncadd.s32 @!p1 $0xFFFFFFC0  }
0x1ce: {  	_ =	swait.ge @!p1 [sflag:s1], $0x40  }
0x1cf: {  	[sflag:s1] =	ssyncset.done @!p1 $0x0  }
0x1d0: {  	[sflag:s1] =	ssyncadd.s32 @!p1 $0xFFFFFFC0  }
0x1d1: {  	_ =	swait.ge @!p1 [sflag:s1], $0x2000  }
0x1d2: {  	s9 =	simm.s32 $0x5;
	s2 =	simm.s32 @!p1 $0x7400;
	[sflag:s1] =	ssyncset.done @!p1 $0x0  }
0x1d3: {  	s4 =	rddreg [dreg:$0x8];
	[sflag:s1] =	ssyncadd.s32 @!p1 $0xFFFFE000;
	s1 =	simm.s32 @!p1 $0x40  }
0x1d4: {  	[tilespmem:s2], [sflag:$0x3] =	stream.indirect.gather @!p1 [hbm4b:s4+s1], $0x80, s8, s1, $0xb8;
	[tilespmem:$0x1C200] =	vst v63  }
0x1d5: {  	_ =	swait.ge [sflag:s9], $0x2000  }
0x1d6: {  	[sflag:s9] =	ssyncset.done $0x0  }
0x1d7: {  	s2 =	simm.s32 $0x6;
	[sflag:s9] =	ssyncadd.s32 $0xFFFFE000  }
0x1d8: {  	_ =	swait.ge [sflag:s2], $0x40  }
0x1d9: {  	[sflag:s2] =	ssyncset.done $0x0  }
0x1da: {  	s4 =	simm.s32 $0x4;
	[sflag:s2] =	ssyncadd.s32 $0xFFFFFFC0  }
0x1db: {  	_ =	swait.ge [sflag:s4], $0x2000  }
0x1dc: {  	[sflag:s4] =	ssyncset.done $0x0  }
0x1dd: {  	[sflag:s4] =	ssyncadd.s32 $0xFFFFE000  }
0x1de: {  	v13 =	vld [tilespmem:$0x9400]  }
0x1df: {  	v14 =	vld [tilespmem:$0x9480];
	_ =	sdelay $0x4  }
0x1e0: {  	v15 =	vshrl.u32 v14, $0x1  }
0x1e1: {  	s30 =	simm.s32 $0x0;
	[tilespmem:$0xD580] =	vst v15  }
0x1e2: {  	v13 =	vld.idx.msk [tilespmem:v13+s30+$0x0], $0xffff  }
0x1e3: {  	v14 =	vld.idx.msk [tilespmem:v14+s7+$0x0], $0xffff;
	_ =	sdelay $0x4  }
0x1e4: {  	v13 =	vadd.f32 v14, v13;
	_ =	sdelay $0x1  }
0x1e5: {  	v14 =	vmul.f32 $2.000000030e-01, v13;
	_ =	sdelay $0x1  }
0x1e6: {  	v13 =	vmax.f32 v13, v14  }
0x1e7: {  	v13 =	vmul.f32 $1.442695020e+00, v13;
	_ =	sdelay $0x1  }
0x1e8: {  	(erf) = vpow2.f32 v13;
	_ =	sdelay $0x4  }
0x1e9: {  	v13 =	vld [tilespmem:$0x9410]  }
0x1ea: {  	v14 =	vld [tilespmem:$0x9490]  }
0x1eb: {  	s4 =	sor.u32 $0x40, s22  }
0x1ec: {  	s1 =	sadd.s32 s20, s4  }
0x1ed: {  	p2 =	slt.u32 s1, $0x4E200;
	v15 =	vpop (erf)  }
0x1ee: {  	v15 =	vpsel !p2, $0x0, v15  }
0x1ef: {  	[tilespmem:$0x11E80] =	vst v15;
	v15 =	vshrl.u32 v14, $0x1  }
0x1f0: {  	[tilespmem:$0xD590] =	vst v15  }
0x1f1: {  	v13 =	vld.idx.msk [tilespmem:v13+s30+$0x0], $0xffff  }
0x1f2: {  	v14 =	vld.idx.msk [tilespmem:v14+s7+$0x0], $0xffff;
	_ =	sdelay $0x4  }
0x1f3: {  	v13 =	vadd.f32 v14, v13;
	_ =	sdelay $0x1  }
0x1f4: {  	v14 =	vmul.f32 $2.000000030e-01, v13;
	_ =	sdelay $0x1  }
0x1f5: {  	v13 =	vmax.f32 v13, v14  }
0x1f6: {  	v13 =	vmul.f32 $1.442695020e+00, v13;
	_ =	sdelay $0x1  }
0x1f7: {  	(erf) = vpow2.f32 v13;
	_ =	sdelay $0x4  }
0x1f8: {  	v13 =	vld [tilespmem:$0x9420]  }
0x1f9: {  	v14 =	vld [tilespmem:$0x94A0];
	_ =	sdelay $0x1  }
0x1fa: {  	s8 =	sor.u32 $0x10, s1  }
0x1fb: {  	p4 =	slt.u32 s8, $0x4E200;
	v15 =	vpop (erf)  }
0x1fc: {  	v15 =	vpsel !p4, $0x0, v15  }
0x1fd: {  	[tilespmem:$0x11E90] =	vst v15;
	v15 =	vshrl.u32 v14, $0x1  }
0x1fe: {  	[tilespmem:$0xD5A0] =	vst v15  }
0x1ff: {  	v13 =	vld.idx.msk [tilespmem:v13+s30+$0x0], $0xffff  }
0x200: {  	v14 =	vld.idx.msk [tilespmem:v14+s7+$0x0], $0xffff;
	_ =	sdelay $0x4  }
0x201: {  	v13 =	vadd.f32 v14, v13;
	_ =	sdelay $0x1  }
0x202: {  	v14 =	vmul.f32 $2.000000030e-01, v13;
	_ =	sdelay $0x1  }
0x203: {  	v13 =	vmax.f32 v13, v14  }
0x204: {  	v13 =	vmul.f32 $1.442695020e+00, v13;
	_ =	sdelay $0x1  }
0x205: {  	(erf) = vpow2.f32 v13;
	_ =	sdelay $0x4  }
0x206: {  	v13 =	vld [tilespmem:$0x9430]  }
0x207: {  	v14 =	vld [tilespmem:$0x94B0];
	_ =	sdelay $0x1  }
0x208: {  	s9 =	sor.u32 $0x20, s1  }
0x209: {  	p5 =	slt.u32 s9, $0x4E200;
	v15 =	vpop (erf)  }
0x20a: {  	v15 =	vpsel !p5, $0x0, v15  }
0x20b: {  	[tilespmem:$0x11EA0] =	vst v15;
	v15 =	vshrl.u32 v14, $0x1  }
0x20c: {  	[tilespmem:$0xD5B0] =	vst v15  }
0x20d: {  	v13 =	vld.idx.msk [tilespmem:v13+s30+$0x0], $0xffff  }
0x20e: {  	v14 =	vld.idx.msk [tilespmem:v14+s7+$0x0], $0xffff;
	_ =	sdelay $0x4  }
0x20f: {  	v13 =	vadd.f32 v14, v13;
	_ =	sdelay $0x1  }
0x210: {  	v14 =	vmul.f32 $2.000000030e-01, v13;
	_ =	sdelay $0x1  }
0x211: {  	v13 =	vmax.f32 v13, v14  }
0x212: {  	v13 =	vmul.f32 $1.442695020e+00, v13;
	_ =	sdelay $0x1  }
0x213: {  	(erf) = vpow2.f32 v13;
	_ =	sdelay $0x7  }
0x214: {  	s1 =	sor.u32 $0x30, s1  }
0x215: {  	p6 =	slt.u32 s1, $0x4E200;
	v13 =	vpop (erf)  }
0x216: {  	v13 =	vpsel !p6, $0x0, v13  }
0x217: {  	[tilespmem:$0x11EB0] =	vst v13  }
.LBB2_7:
0x218: {  	v13 =	vmov s30;
	_ =	sdelay $0x4  }
0x219: {  	v16 =	vld.idx.msk [tilespmem:v13+s25+$0x0], $0xffff;
	_ =	sdelay $0x4  }
0x21a: {  	v14 =	vshra.s32 v16, $0x1F  }
0x21b: {  	v14 =	vshrl.u32 v14, $0x19  }
0x21c: {  	v14 =	vadd.s32 v14, v16  }
0x21d: {  	v14 =	vshrl.u32 v14, $0x7  }
0x21e: {  	v14 =	vshll.u32 v14, $0x7  }
0x21f: {  	v14 =	vsub.s32 v16, v14  }
0x220: {  	v15 =	vand.u32 $0xFFFFFF80, v16;
	v17 =	vand.u32 $0xFFFFFF80, v14  }
0x221: {  	v14 =	vand.u32 $0x7F, v14;
	v15 =	vadd.s32 v15, v17  }
0x222: {  	v17 =	vor.u32 v14, v15;
	_ =	sdelay $0x2  }
0x223: {  	v18 =	vld.idx.msk [tilespmem:v13+s16+$0x0], $0xffff  }
0x224: {  	v14 =	vld.idx.msk [tilespmem:v13+s31+$0x0], $0xffff  }
0x225: {  	v19 =	vld.idx.msk [tilespmem:v17+s12+$0x0], $0xffff;
	_ =	sdelay $0x2  }
0x226: {  	v15 =	vshll.u32 v13, $0x7  }
0x227: {  	v20 =	vor.u32 $0x1, v15  }
0x228: {  	v18 =	vshll.u32 v18, $0x6;
	v19 =	vadd.f32 v19, v14  }
0x229: {  	v21 =	vor.u32 v0, v18  }
0x22a: {  	[tilespmem:v17+s12+$0x0] =	vst.idx.msk $0xffff, v19  }
0x22b: {  	v28 =	vor.u32 $0x2, v15;
	v17 =	vld.idx.msk [tilespmem:v15+s26+$0x0], $0xffff  }
0x22c: {  	v20 =	vld.idx.msk [tilespmem:v20+s26+$0x0], $0xffff  }
0x22d: {  	v22 =	vor.u32 $0x3, v15;
	v23 =	vld [tilespmem:$0x5000]  }
0x22e: {  	v21 =	vld.idx.msk [tilespmem:v21+s14+$0x0], $0xffff  }
0x22f: {  	v24 =	vld [tilespmem:$0x5080]  }
0x230: {  	v19 =	vld.idx.msk [tilespmem:v28+s26+$0x0], $0xffff  }
0x231: {  	v25 =	vld [tilespmem:$0x5100]  }
0x232: {  	v26 =	vor.u32 v1, v15;
	v22 =	vld.idx.msk [tilespmem:v22+s26+$0x0], $0xffff;
	v23 =	vmul.f32 v23, v17  }
0x233: {  	v31 =	vshrl.u32 v16, $0x1F;
	v27 =	vld [tilespmem:$0x5180]  }
0x234: {  	v29 =	vmul.f32 v24, v20;
	v24 =	vadd.s32 v31, v16;
	v21 =	vadd.f32 v23, v21  }
0x235: {  	v24 =	vshrl.u32 v24, $0x1  }
0x236: {  	v30 =	vmul.f32 v25, v19;
	v24 =	vshll.u32 v24, $0x1;
	v21 =	vadd.f32 v29, v21  }
0x237: {  	v32 =	vld.idx.msk [tilespmem:v26+s29+$0x0], $0xffff;
	v16 =	vsub.s32 v16, v24  }
0x238: {  	v33 =	vmul.f32 v27, v22;
	v16 =	vshll.u32 v16, $0x6;
	v21 =	vadd.f32 v30, v21  }
0x239: {  	v34 =	vor.u32 v0, v16;
	v35 =	vand.u32 $0xFFFFFF80, v16  }
0x23a: {  	v36 =	vsub.s32 v9, v16;
	v23 =	vand.u32 $0x4F, v34;
	v21 =	vadd.f32 v33, v21  }
0x23b: {  	v24 =	vadd.s32 v15, v35;
	v37 =	vand.u32 $0xFFFFFF80, v36;
	v25 =	vand.u32 $0x4F, v36  }
0x23c: {  	v23 =	vor.u32 v23, v24;
	v26 =	vadd.s32 v15, v37;
	v21 =	vadd.f32 v21, v32  }
0x23d: {  	v25 =	vor.u32 v25, v26  }
0x23e: {  	v21 =	vmax.f32 v21, $0.0e+00  }
0x23f: {  	v39 =	vor.u32 v2, v18;
	v38 =	vmul.f32 v21, v14;
	_ =	sdelay $0x1  }
0x240: {  	[tilespmem:v23+s0+$0x0] =	vst.idx.msk $0xffff, v38  }
0x241: {  	[tilespmem:v25+s0+$0x0] =	vst.idx.msk $0xffff, v8  }
0x242: {  	v23 =	vld [tilespmem:$0x5010]  }
0x243: {  	v25 =	vld.idx.msk [tilespmem:v39+s14+$0x0], $0xffff  }
0x244: {  	v26 =	vld [tilespmem:$0x5090];
	_ =	sdelay $0x1  }
0x245: {  	v40 =	vld [tilespmem:$0x5110]  }
0x246: {  	v28 =	vor.u32 v5, v15;
	v23 =	vmul.f32 v23, v17  }
0x247: {  	v29 =	vld [tilespmem:$0x5190]  }
0x248: {  	v41 =	vmul.f32 v26, v20;
	v23 =	vadd.f32 v23, v25;
	_ =	sdelay $0x1  }
0x249: {  	v42 =	vmul.f32 v40, v19;
	v23 =	vadd.f32 v41, v23  }
0x24a: {  	v43 =	vld.idx.msk [tilespmem:v28+s29+$0x0], $0xffff  }
0x24b: {  	v44 =	vmul.f32 v29, v22;
	v23 =	vadd.f32 v42, v23;
	_ =	sdelay $0x1  }
0x24c: {  	v45 =	vor.u32 v2, v16;
	v46 =	vsub.s32 v10, v16;
	v23 =	vadd.f32 v44, v23  }
0x24d: {  	v47 =	vand.u32 $0xFFFFFF80, v46;
	v27 =	vand.u32 $0x5F, v46;
	v25 =	vand.u32 $0x5F, v45  }
0x24e: {  	v26 =	vadd.s32 v15, v47;
	v25 =	vor.u32 v25, v24;
	v23 =	vadd.f32 v23, v43  }
0x24f: {  	v26 =	vor.u32 v27, v26  }
0x250: {  	v23 =	vmax.f32 v23, $0.0e+00  }
0x251: {  	v49 =	vor.u32 v3, v18;
	v48 =	vmul.f32 v23, v14;
	_ =	sdelay $0x1  }
0x252: {  	v50 =	vld [tilespmem:$0x5200];
	[tilespmem:v25+s0+$0x0] =	vst.idx.msk $0xffff, v48  }
0x253: {  	[tilespmem:v26+s0+$0x0] =	vst.idx.msk $0xffff, v8  }
0x254: {  	v25 =	vld [tilespmem:$0x5020]  }
0x255: {  	v26 =	vld.idx.msk [tilespmem:v49+s14+$0x0], $0xffff  }
0x256: {  	v27 =	vld [tilespmem:$0x50A0];
	_ =	sdelay $0x1  }
0x257: {  	v51 =	vld [tilespmem:$0x5120]  }
0x258: {  	v30 =	vor.u32 v6, v15;
	v25 =	vmul.f32 v25, v17  }
0x259: {  	v31 =	vld [tilespmem:$0x51A0]  }
0x25a: {  	v52 =	vmul.f32 v27, v20;
	v25 =	vadd.f32 v25, v26;
	_ =	sdelay $0x1  }
0x25b: {  	v53 =	vmul.f32 v51, v19;
	v25 =	vadd.f32 v52, v25  }
0x25c: {  	v54 =	vld.idx.msk [tilespmem:v30+s29+$0x0], $0xffff  }
0x25d: {  	v55 =	vmul.f32 v31, v22;
	v25 =	vadd.f32 v53, v25;
	_ =	sdelay $0x1  }
0x25e: {  	v56 =	vor.u32 v3, v16;
	v57 =	vsub.s32 v11, v16;
	v25 =	vadd.f32 v55, v25  }
0x25f: {  	v58 =	vand.u32 $0xFFFFFF80, v57;
	v28 =	vand.u32 $0x6F, v57;
	v26 =	vand.u32 $0x6F, v56  }
0x260: {  	v27 =	vadd.s32 v15, v58;
	v26 =	vor.u32 v26, v24;
	v25 =	vadd.f32 v25, v54  }
0x261: {  	v27 =	vor.u32 v28, v27  }
0x262: {  	v25 =	vmax.f32 v25, $0.0e+00  }
0x263: {  	v18 =	vor.u32 v4, v18;
	v59 =	vmul.f32 v25, v14;
	_ =	sdelay $0x1  }
0x264: {  	v60 =	vld [tilespmem:$0x5210];
	[tilespmem:v26+s0+$0x0] =	vst.idx.msk $0xffff, v59  }
0x265: {  	[tilespmem:v27+s0+$0x0] =	vst.idx.msk $0xffff, v8  }
0x266: {  	v26 =	vld [tilespmem:$0x5030]  }
0x267: {  	v18 =	vld.idx.msk [tilespmem:v18+s14+$0x0], $0xffff  }
0x268: {  	v27 =	vld [tilespmem:$0x50B0];
	_ =	sdelay $0x1  }
0x269: {  	v28 =	vld [tilespmem:$0x5130]  }
0x26a: {  	v61 =	vor.u32 v7, v15;
	v17 =	vmul.f32 v26, v17  }
0x26b: {  	v62 =	vld [tilespmem:$0x51B0]  }
0x26c: {  	v63 =	vmul.f32 v27, v20;
	v17 =	vadd.f32 v17, v18;
	_ =	sdelay $0x1  }
0x26d: {  	v27 =	vmul.f32 v28, v19;
	v17 =	vadd.f32 v63, v17  }
0x26e: {  	v28 =	vld.idx.msk [tilespmem:v61+s29+$0x0], $0xffff  }
0x26f: {  	v31 =	vmul.f32 v62, v22;
	v17 =	vadd.f32 v27, v17;
	_ =	sdelay $0x1  }
0x270: {  	v32 =	vor.u32 v4, v16;
	v16 =	vsub.s32 v12, v16;
	v17 =	vadd.f32 v31, v17  }
0x271: {  	v33 =	vand.u32 $0xFFFFFF80, v16;
	v16 =	vand.u32 $0x7F, v16;
	v18 =	vand.u32 $0x7F, v32  }
0x272: {  	v15 =	vadd.s32 v15, v33;
	v18 =	vor.u32 v18, v24;
	v17 =	vadd.f32 v17, v28  }
0x273: {  	v15 =	vor.u32 v16, v15  }
0x274: {  	v34 =	vmax.f32 v17, $0.0e+00  }
0x275: {  	v14 =	vmul.f32 v34, v14;
	_ =	sdelay $0x1  }
0x276: {  	v35 =	vld [tilespmem:$0x5220];
	[tilespmem:v18+s0+$0x0] =	vst.idx.msk $0xffff, v14  }
0x277: {  	v14 =	vmul.f32 v50, v21;
	[tilespmem:v15+s0+$0x0] =	vst.idx.msk $0xffff, v8  }
0x278: {  	v15 =	vld [tilespmem:$0x5230]  }
0x279: {  	v36 =	vmul.f32 v60, v23;
	v14 =	vadd.f32 $0.0e+00, v14;
	_ =	sdelay $0x1  }
0x27a: {  	v17 =	vmul.f32 v35, v25;
	v14 =	vadd.f32 v36, v14;
	_ =	sdelay $0x1  }
0x27b: {  	v14 =	vadd.f32 v17, v14;
	v15 =	vmul.f32 v15, v34;
	_ =	sdelay $0x1  }
0x27c: {  	v14 =	vadd.f32 v15, v14;
	_ =	sdelay $0x1  }
0x27d: {  	(xrf2) =	vadd.scan.msk.f32 $0xffff, v14;
	_ =	sdelay $0x5  }
0x27e: {  	s1 =	sadd.s32 $0x1, s30  }
0x27f: {  	v14 =	vmov s1;
	_ =	sdelay $0x2  }
0x280: {  	v15, _, _ =	vpop (xrf2)  }
0x281: {  	[tilespmem:v13+s21+$0x0] =	vst.idx.msk vm0, v15  }
0x282: {  	v37 =	vld.idx.msk [tilespmem:v14+s25+$0x0], $0xffff;
	_ =	sdelay $0x4  }
0x283: {  	v13 =	vshra.s32 v37, $0x1F  }
0x284: {  	v13 =	vshrl.u32 v13, $0x19  }
0x285: {  	v13 =	vadd.s32 v13, v37  }
0x286: {  	v13 =	vand.u32 $0xFFFFFF80, v13  }
0x287: {  	v13 =	vsub.s32 v37, v13  }
0x288: {  	v15 =	vand.u32 $0xFFFFFF80, v37;
	v38 =	vand.u32 $0xFFFFFF80, v13  }
0x289: {  	v13 =	vand.u32 $0x7F, v13;
	v15 =	vadd.s32 v15, v38  }
0x28a: {  	v17 =	vor.u32 v13, v15;
	_ =	sdelay $0x2  }
0x28b: {  	v39 =	vld.idx.msk [tilespmem:v14+s16+$0x0], $0xffff  }
0x28c: {  	v13 =	vld.idx.msk [tilespmem:v14+s31+$0x0], $0xffff  }
0x28d: {  	v40 =	vld.idx.msk [tilespmem:v17+s12+$0x0], $0xffff;
	_ =	sdelay $0x2  }
0x28e: {  	v15 =	vshll.u32 v14, $0x7  }
0x28f: {  	v41 =	vor.u32 $0x1, v15  }
0x290: {  	v18 =	vshll.u32 v39, $0x6;
	v19 =	vadd.f32 v40, v13  }
0x291: {  	v42 =	vor.u32 v0, v18  }
0x292: {  	[tilespmem:v17+s12+$0x0] =	vst.idx.msk $0xffff, v19  }
0x293: {  	v43 =	vor.u32 $0x2, v15;
	v17 =	vld.idx.msk [tilespmem:v15+s26+$0x0], $0xffff  }
0x294: {  	v20 =	vld.idx.msk [tilespmem:v41+s26+$0x0], $0xffff  }
0x295: {  	v44 =	vor.u32 $0x3, v15;
	v45 =	vld [tilespmem:$0x5000]  }
0x296: {  	v21 =	vld.idx.msk [tilespmem:v42+s14+$0x0], $0xffff  }
0x297: {  	v46 =	vld [tilespmem:$0x5080]  }
0x298: {  	v19 =	vld.idx.msk [tilespmem:v43+s26+$0x0], $0xffff  }
0x299: {  	v47 =	vld [tilespmem:$0x5100]  }
0x29a: {  	v48 =	vor.u32 v1, v15;
	v22 =	vld.idx.msk [tilespmem:v44+s26+$0x0], $0xffff;
	v23 =	vmul.f32 v45, v17  }
0x29b: {  	v49 =	vld [tilespmem:$0x5180]  }
0x29c: {  	v53 =	vshrl.u32 v37, $0x1F;
	v50 =	vmul.f32 v46, v20;
	v21 =	vadd.f32 v23, v21  }
0x29d: {  	v25 =	vadd.s32 v53, v37  }
0x29e: {  	v25 =	vand.u32 $0xFFFFFFFE, v25;
	v51 =	vmul.f32 v47, v19;
	v21 =	vadd.f32 v50, v21  }
0x29f: {  	v16 =	vsub.s32 v37, v25;
	v52 =	vld.idx.msk [tilespmem:v48+s29+$0x0], $0xffff  }
0x2a0: {  	v16 =	vshll.u32 v16, $0x6;
	v54 =	vmul.f32 v49, v22;
	v21 =	vadd.f32 v51, v21  }
0x2a1: {  	v55 =	vor.u32 v0, v16;
	v57 =	vsub.s32 v9, v16  }
0x2a2: {  	v56 =	vand.u32 $0xFFFFFF80, v16;
	v58 =	vand.u32 $0xFFFFFF80, v57;
	v21 =	vadd.f32 v54, v21  }
0x2a3: {  	v25 =	vand.u32 $0x4F, v57;
	v24 =	vadd.s32 v15, v56;
	v23 =	vand.u32 $0x4F, v55  }
0x2a4: {  	v26 =	vadd.s32 v15, v58;
	v23 =	vor.u32 v23, v24;
	v21 =	vadd.f32 v21, v52  }
0x2a5: {  	v25 =	vor.u32 v25, v26  }
0x2a6: {  	v21 =	vmax.f32 v21, $0.0e+00  }
0x2a7: {  	v60 =	vor.u32 v2, v18;
	v59 =	vmul.f32 v21, v13;
	_ =	sdelay $0x1  }
0x2a8: {  	[tilespmem:v23+s0+$0x0] =	vst.idx.msk $0xffff, v59  }
0x2a9: {  	[tilespmem:v25+s0+$0x0] =	vst.idx.msk $0xffff, v8  }
0x2aa: {  	v23 =	vld [tilespmem:$0x5010]  }
0x2ab: {  	v25 =	vld.idx.msk [tilespmem:v60+s14+$0x0], $0xffff  }
0x2ac: {  	v26 =	vld [tilespmem:$0x5090];
	_ =	sdelay $0x1  }
0x2ad: {  	v61 =	vld [tilespmem:$0x5110]  }
0x2ae: {  	v62 =	vor.u32 v5, v15;
	v23 =	vmul.f32 v23, v17  }
0x2af: {  	v63 =	vld [tilespmem:$0x5190]  }
0x2b0: {  	v31 =	vmul.f32 v26, v20;
	v23 =	vadd.f32 v23, v25;
	_ =	sdelay $0x1  }
0x2b1: {  	v32 =	vmul.f32 v61, v19;
	v23 =	vadd.f32 v31, v23  }
0x2b2: {  	v33 =	vld.idx.msk [tilespmem:v62+s29+$0x0], $0xffff  }
0x2b3: {  	v34 =	vmul.f32 v63, v22;
	v23 =	vadd.f32 v32, v23;
	_ =	sdelay $0x1  }
0x2b4: {  	v35 =	vor.u32 v2, v16;
	v36 =	vsub.s32 v10, v16;
	v23 =	vadd.f32 v34, v23  }
0x2b5: {  	v37 =	vand.u32 $0xFFFFFF80, v36;
	v27 =	vand.u32 $0x5F, v36;
	v25 =	vand.u32 $0x5F, v35  }
0x2b6: {  	v26 =	vadd.s32 v15, v37;
	v25 =	vor.u32 v25, v24;
	v23 =	vadd.f32 v23, v33  }
0x2b7: {  	v26 =	vor.u32 v27, v26  }
0x2b8: {  	v23 =	vmax.f32 v23, $0.0e+00  }
0x2b9: {  	v39 =	vor.u32 v3, v18;
	v38 =	vmul.f32 v23, v13;
	_ =	sdelay $0x1  }
0x2ba: {  	v40 =	vld [tilespmem:$0x5200];
	[tilespmem:v25+s0+$0x0] =	vst.idx.msk $0xffff, v38  }
0x2bb: {  	[tilespmem:v26+s0+$0x0] =	vst.idx.msk $0xffff, v8  }
0x2bc: {  	v25 =	vld [tilespmem:$0x5020]  }
0x2bd: {  	v26 =	vld.idx.msk [tilespmem:v39+s14+$0x0], $0xffff  }
0x2be: {  	v27 =	vld [tilespmem:$0x50A0];
	_ =	sdelay $0x1  }
0x2bf: {  	v41 =	vld [tilespmem:$0x5120]  }
0x2c0: {  	v42 =	vor.u32 v6, v15;
	v25 =	vmul.f32 v25, v17  }
0x2c1: {  	v43 =	vld [tilespmem:$0x51A0]  }
0x2c2: {  	v44 =	vmul.f32 v27, v20;
	v25 =	vadd.f32 v25, v26;
	_ =	sdelay $0x1  }
0x2c3: {  	v45 =	vmul.f32 v41, v19;
	v25 =	vadd.f32 v44, v25  }
0x2c4: {  	v46 =	vld.idx.msk [tilespmem:v42+s29+$0x0], $0xffff  }
0x2c5: {  	v47 =	vmul.f32 v43, v22;
	v25 =	vadd.f32 v45, v25;
	_ =	sdelay $0x1  }
0x2c6: {  	v48 =	vor.u32 v3, v16;
	v49 =	vsub.s32 v11, v16;
	v25 =	vadd.f32 v47, v25  }
0x2c7: {  	v28 =	vand.u32 $0x6F, v49;
	v50 =	vand.u32 $0xFFFFFF80, v49;
	v26 =	vand.u32 $0x6F, v48  }
0x2c8: {  	v27 =	vadd.s32 v15, v50;
	v26 =	vor.u32 v26, v24;
	v25 =	vadd.f32 v25, v46  }
0x2c9: {  	v27 =	vor.u32 v28, v27  }
0x2ca: {  	v25 =	vmax.f32 v25, $0.0e+00  }
0x2cb: {  	v18 =	vor.u32 v4, v18;
	v51 =	vmul.f32 v25, v13;
	_ =	sdelay $0x1  }
0x2cc: {  	v52 =	vld [tilespmem:$0x5210];
	[tilespmem:v26+s0+$0x0] =	vst.idx.msk $0xffff, v51  }
0x2cd: {  	[tilespmem:v27+s0+$0x0] =	vst.idx.msk $0xffff, v8  }
0x2ce: {  	v26 =	vld [tilespmem:$0x5030]  }
0x2cf: {  	v18 =	vld.idx.msk [tilespmem:v18+s14+$0x0], $0xffff  }
0x2d0: {  	v27 =	vld [tilespmem:$0x50B0];
	_ =	sdelay $0x1  }
0x2d1: {  	v28 =	vld [tilespmem:$0x5130]  }
0x2d2: {  	v53 =	vor.u32 v7, v15;
	v17 =	vmul.f32 v26, v17  }
0x2d3: {  	v54 =	vld [tilespmem:$0x51B0]  }
0x2d4: {  	v55 =	vmul.f32 v27, v20;
	v17 =	vadd.f32 v17, v18;
	_ =	sdelay $0x1  }
0x2d5: {  	v56 =	vmul.f32 v28, v19;
	v17 =	vadd.f32 v55, v17  }
0x2d6: {  	v57 =	vld.idx.msk [tilespmem:v53+s29+$0x0], $0xffff  }
0x2d7: {  	v58 =	vmul.f32 v54, v22;
	v17 =	vadd.f32 v56, v17;
	_ =	sdelay $0x1  }
0x2d8: {  	v59 =	vor.u32 v4, v16;
	v16 =	vsub.s32 v12, v16;
	v17 =	vadd.f32 v58, v17  }
0x2d9: {  	v60 =	vand.u32 $0xFFFFFF80, v16;
	v16 =	vand.u32 $0x7F, v16;
	v18 =	vand.u32 $0x7F, v59  }
0x2da: {  	v15 =	vadd.s32 v15, v60;
	v18 =	vor.u32 v18, v24;
	v17 =	vadd.f32 v17, v57  }
0x2db: {  	v15 =	vor.u32 v16, v15  }
0x2dc: {  	v61 =	vmax.f32 v17, $0.0e+00  }
0x2dd: {  	v13 =	vmul.f32 v61, v13;
	_ =	sdelay $0x1  }
0x2de: {  	v62 =	vld [tilespmem:$0x5220];
	[tilespmem:v18+s0+$0x0] =	vst.idx.msk $0xffff, v13  }
0x2df: {  	v13 =	vmul.f32 v40, v21;
	[tilespmem:v15+s0+$0x0] =	vst.idx.msk $0xffff, v8  }
0x2e0: {  	v15 =	vld [tilespmem:$0x5230]  }
0x2e1: {  	v63 =	vmul.f32 v52, v23;
	v13 =	vadd.f32 $0.0e+00, v13;
	_ =	sdelay $0x1  }
0x2e2: {  	v17 =	vmul.f32 v62, v25;
	v13 =	vadd.f32 v63, v13;
	_ =	sdelay $0x1  }
0x2e3: {  	v13 =	vadd.f32 v17, v13;
	v15 =	vmul.f32 v15, v61;
	_ =	sdelay $0x1  }
0x2e4: {  	v13 =	vadd.f32 v15, v13;
	_ =	sdelay $0x1  }
0x2e5: {  	(xrf2) =	vadd.scan.msk.f32 $0xffff, v13;
	_ =	sdelay $0x5  }
0x2e6: {  	p2 =	sne.s32 s30, $0x3E  }
.Ltmp4:
0x2e7: {  	_ = 	snop;
	(pc) =	sbr.rel @p2 .LBB2_7-.Ltmp4, $3  }
0x2e8: {  	_ =	sdelay $0x1  }
0x2e9: {  	v13, _, _ =	vpop (xrf2)  }
0x2ea: {  	s30 =	sadd.s32 $0x2, s30;
	[tilespmem:v14+s21+$0x0] =	vst.idx.msk vm0, v13  }
0x2eb: {  	s9 =	simm.s32 $0x40;
	s1 =	simm.s32 $0xD580  }
0x2ec: {  	[spmem:s10] =	stream.indirect.scatter.add.f32 [tilespmem:s0], [sflag:$0x5], $0x80, s1, s9, $0xb8;
	[tilespmem:$0x1C200] =	vst v63  }
.Ltmp5:
0x2ed: {  	s30 =	rddreg [dreg:$0x10];
	(pc) =	sbr.rel @p1 .LBB2_10-.Ltmp5, $4  }
0x2ee: {  	s1 =	sadd.s32 s30, s4  }
0x2ef: {  	s2 =	rddreg [dreg:$0xa];
	s1 =	sshrl.u32 s1, $0x3  }
0x2f0: {  	s8 =	smov.u32 s10;
	s1 =	sadd.s32 s2, s1  }
0x2f1: {  	[hbm4b:s1+s3] =	stream.linear.scatter [tilespmem:s21], [sflag:$0x6], $0x40, $0x38;
	[tilespmem:$0x1C200] =	vst v63  }
0x2f2: {  	s1 =	rddreg [dreg:$0x1d]  }
0x2f3: {  	s1 =	sadd.s32 s22, s1  }
0x2f4: {  	s2 =	sshrl.u32 s1, $0x3  }
0x2f5: {  	s10 =	simm.s32 $0x9400;
	s4 =	sadd.s32 s11, s2  }
0x2f6: {  	[tilespmem:s10], [sflag:$0x2] =	stream.linear.gather [hbm4b:s4+s3], $0x40, $0x38;
	[tilespmem:$0x1C200] =	vst v63  }
0x2f7: {  	s30 =	sadd.s32 s5, s2  }
0x2f8: {  	[tilespmem:s25], [sflag:$0x2] =	stream.linear.gather [hbm4b:s30+s3], $0x40, $0x38;
	[tilespmem:$0x1C200] =	vst v63  }
.Ltmp6:
0x2f9: {  	_ = 	snop;
	(pc) =	sbr.rel .LBB2_4-.Ltmp6, $4  }
0x2fa: {  	s1 =	sshll.u32 s1, $0x4;
	s2 =	sadd.s32 s13, s2  }
0x2fb: {  	[tilespmem:s16], [sflag:$0x2] =	stream.linear.gather [hbm4b:s2+s3], $0x40, $0x38;
	[tilespmem:$0x1C200] =	vst v63  }
0x2fc: {  	s6 =	sadd.s32 $0x1, s6;
	s1 =	sadd.s32 s15, s1  }
0x2fd: {  	[tilespmem:s26], [sflag:$0x2] =	stream.linear.gather [hbm4b:s1+s3], $0x2000, $0x38;
	[tilespmem:$0x1C200] =	vst v63  }
.LBB2_11:
0x2fe: {  	_ =	sfence.sel $0x180000  }
0x2ff: {  	[bflag:$0x0] =	sbarrier.arrive $0xFFFF  }
0x300: {  	_ =	strace $0x90000047  }
0x301: {  	[bflag:$0x2] =	sbarrier.arrive $0xFFFF  }
0x302: {  	s0 =	rddreg [dreg:$0x5]  }
0x303: {  	s0 =	sadd.s32 @!p0 $0x100000, s0  }
0x304: {  	[sflag:s0] =	ssyncadd.tile.s32 @!p0 $0x1;
	_ =	shalt  }
.Lfunc_end2:
_tile_overlayer_lowered:
.L_overlay_start_2:
0x305: {  	(tag) =	ssettag $0x2  }
0x306: {  	s0 =	rddreg [dreg:$0x0];
	s2 =	stileid.u32  }
0x307: {  	s1 =	rddreg [dreg:$0x1];
	p0 =	sne.s32 s2, $0x0  }
0x308: {  	s3 =	rddreg [dreg:$0x2];
	[bflag:$0x3] =	sbarrier.arrive $0xFFFF;
	s2 =	simm.s32 @!p0 $0x1C07  }
0x309: {  	[timem:s3], [sflag:s2] =	dma.local @!p0 [hbm:s0], s1  }
0x30a: {  	s0 =	simm.s32 @!p0 $0x7  }
0x30b: {  	_ =	swait.ge @!p0 [sflag:s0], s1  }
0x30c: {  	s1 =	ssub.s32 @!p0 $0x0, s1;
	[sflag:s0] =	ssyncset.done @!p0 $0x0  }
0x30d: {  	[sflag:s0] =	ssyncadd.s32 @!p0 s1  }
0x30e: {  	[bflag:$0x3] =	sbarrier.arrive $0xFFFF  }
0x30f: {  	_ =	shalt  }

</sc_bundles>
